<compile_context>
chip_gen: v7x
topology: tpu7x:2x2x1
jax: 0.10.2.dev20260603
libtpu: 0.0.44.dev20260713+nightly
codegen_flags: <defaults>
</compile_context>

<pallas_src>
import functools

import jax
import jax.numpy as jnp
from jax import lax
from jax.experimental import pallas as pl
from jax.experimental.pallas import tpu as pltpu
from jax.experimental.pallas import tpu_sc as plsc

_VOCAB = 100000
_SEQ = 200
_D = 64
_C = 10000
_BATCH = 4096

_NC = 2
_NS = 16
_NW = _NC * _NS

_BPW = _BATCH // _NW
_DT = _D // 8
_SC2 = 2
_NCHUNK = _SEQ // _SC2
_PAIRS = _NCHUNK // 2
_LANES = 16
_VPR = _D // _LANES


def _positional(seq_len, d_model, c):
    pos = jnp.arange(1, seq_len + 1, dtype=jnp.float32)[:, None]
    j = jnp.arange(d_model)[None, :]
    k = (j + 1) // 2
    angle = pos / jnp.power(jnp.float32(c), k.astype(jnp.float32) / d_model)
    return jnp.where((j % 2) == 0, jnp.sin(angle), jnp.cos(angle)).astype(
        jnp.float32
    )


@functools.partial(
    pl.kernel,
    out_type=jax.ShapeDtypeStruct((_SEQ, _DT, _NW, 8, 128), jnp.float32),
    mesh=plsc.VectorSubcoreMesh(core_axis_name="c", subcore_axis_name="s"),
    scratch_types=[
        pltpu.VMEM((_SEQ, _D), jnp.float32),
        pltpu.VMEM((_SEQ, _BPW), jnp.int32),
        pltpu.VMEM((_SC2 * _BPW, _D), jnp.float32),
        pltpu.VMEM((_SC2 * _BPW, _D), jnp.float32),
        pltpu.VMEM((_SC2 * _DT, 8, 129), jnp.float32),
        pltpu.VMEM((_SC2 * _DT, 8, 129), jnp.float32),
        pltpu.SemaphoreType.DMA,
        pltpu.SemaphoreType.DMA,
        pltpu.SemaphoreType.DMA,
        pltpu.SemaphoreType.DMA,
        pltpu.SemaphoreType.DMA,
    ],
    compiler_params=pltpu.CompilerParams(
        use_tc_tiling_on_sc=False, needs_layout_passes=False
    ),
)
def _emb_lookup(idx_hbm, table_hbm, pos_hbm, out_hbm, pos_v, idx_v, gbuf0,
                gbuf1, obuf0, obuf1, gsem0, gsem1, osem0, osem1, isem):
    wid = lax.axis_index("s") * _NC + lax.axis_index("c")
    bbase = pl.multiple_of(wid * _BPW, _BPW)
    pltpu.sync_copy(pos_hbm, pos_v)
    pltpu.sync_copy(
        idx_hbm.at[pl.ds(0, 8), pl.ds(bbase, _BPW)], idx_v.at[pl.ds(0, 8)]
    )
    pltpu.async_copy(
        idx_hbm.at[pl.ds(8, _SEQ - 8), pl.ds(bbase, _BPW)],
        idx_v.at[pl.ds(8, _SEQ - 8)],
        isem,
    )

    def fire_gather(ci, gbuf, sem):
        for t in range(_SC2):
            pltpu.async_copy(
                table_hbm.at[idx_v.at[ci * _SC2 + t]],
                gbuf.at[pl.ds(t * _BPW, _BPW)],
                sem,
            )

    def wait_gather(gbuf, sem):
        for t in range(_SC2):
            pltpu.make_async_copy(
                table_hbm.at[idx_v.at[0]],
                gbuf.at[pl.ds(t * _BPW, _BPW)],
                sem,
            ).wait()

    def fire_out(ci, obuf, sem):
        for t in range(_SC2):
            s = ci * _SC2 + t
            pltpu.async_copy(
                obuf.at[pl.ds(t * _DT, _DT), :, pl.ds(0, 128)],
                out_hbm.at[s, :, wid],
                sem,
            )

    def wait_out(obuf, sem):
        for t in range(_SC2):
            pltpu.make_async_copy(
                obuf.at[pl.ds(t * _DT, _DT), :, pl.ds(0, 128)],
                out_hbm.at[0, :, wid],
                sem,
            ).wait()

    def add_transpose(ci, gbuf, obuf):
        for t in range(_SC2):
            s = ci * _SC2 + t
            pv = [pos_v[s, pl.ds(c * _LANES, _LANES)] for c in range(_VPR)]

            @plsc.parallel_loop(0, _BPW, unroll=4)
            def _(j):
                iota = lax.iota(jnp.int32, _LANES)
                jv = jnp.full((_LANES,), j, jnp.int32)
                d8v = iota % 8
                for c in range(_VPR):
                    rv = iota // 8 + (t * _DT + 2 * c)
                    v = gbuf[t * _BPW + j, pl.ds(c * _LANES, _LANES)] + pv[c]
                    plsc.store_scatter(obuf, [rv, d8v, jv], v)

    fire_gather(0, gbuf0, gsem0)

    def pair_body(k, acc):
        e = k * 2

        @pl.when(k == 1)
        def _():
            pltpu.make_async_copy(
                idx_hbm.at[pl.ds(8, _SEQ - 8), pl.ds(bbase, _BPW)],
                idx_v.at[pl.ds(8, _SEQ - 8)],
                isem,
            ).wait()

        fire_gather(e + 1, gbuf1, gsem1)
        wait_gather(gbuf0, gsem0)

        @pl.when(k > 0)
        def _():
            wait_out(obuf0, osem0)

        add_transpose(e, gbuf0, obuf0)
        fire_out(e, obuf0, osem0)

        @pl.when(k < _PAIRS - 1)
        def _():
            fire_gather(e + 2, gbuf0, gsem0)

        wait_gather(gbuf1, gsem1)

        @pl.when(k > 0)
        def _():
            wait_out(obuf1, osem1)

        add_transpose(e + 1, gbuf1, obuf1)
        fire_out(e + 1, obuf1, osem1)
        return acc

    lax.fori_loop(0, _PAIRS, pair_body, 0)
    wait_out(obuf0, osem0)
    wait_out(obuf1, osem1)


def kernel(x, table):
    idx = x.T.astype(jnp.int32)
    pos = _positional(_SEQ, _D, _C)
    out5 = _emb_lookup(idx, table, pos)
    out = out5.transpose(2, 4, 0, 1, 3).reshape(_BATCH, _SEQ, _D)
    return out

# --- scband reference (transcript-rebuilt; emitter-appended) ---
"""Pipeline reference for scband-embedding-layer-56178172232288 (READ-ONLY COPY).

The authoritative reference and input builder live on the scoring server;
editing this copy changes nothing except your own understanding.
"""

import jax, jax.numpy as jnp
import numpy as np

VOCAB = 100000
SEQ_LEN = 200
D_MODEL = 64
C = 10000
BATCH = 4096


def _pos_mat(seq_len, d_model, c):
    pos = jnp.arange(1, seq_len + 1, dtype=jnp.float32)[:, None]
    j = jnp.arange(d_model)[None, :]
    k = (j + 1) // 2
    angle = pos / jnp.power(jnp.float32(c), k.astype(jnp.float32) / d_model)
    # torch: if (j+1) % 2 (i.e., j even) -> sin, else cos
    return jnp.where((j % 2) == 0, jnp.sin(angle), jnp.cos(angle)).astype(jnp.float32)


def setup_inputs(seed: int = 0) -> dict:
    key = jax.random.key(seed)
    k1, k2 = jax.random.split(key)
    x = jax.random.randint(k1, (BATCH, SEQ_LEN), 0, VOCAB, dtype=jnp.int64 if jax.config.jax_enable_x64 else jnp.int32)
    table = jax.random.normal(k2, (VOCAB, D_MODEL), dtype=jnp.float32)
    return {"x": x, "table": table}


def reference(x, table):
    pos_mat = _pos_mat(SEQ_LEN, D_MODEL, C)
    emb = jnp.take(table, x, axis=0)  # [B, S, D] gather
    out = emb + pos_mat[None, :, :]
    return out

if __name__ == "__main__":
    import jax
    _d = setup_inputs()
    print(jax.jit(kernel)(*tuple(_d.values())))

</pallas_src>

<mosaic_0001>
#map = affine_map<(d0, d1) -> (0, 0)>
#map1 = affine_map<(d0, d1) -> (0, 0, 0, 0, 0)>
module attributes {stable_mosaic.version = 14 : i64} {
  func.func @_emb_lookup(%arg0: i32, %arg1: i32, %arg2: memref<200x4096xi32, #tpu.memory_space<hbm>>, %arg3: memref<100000x64xf32, #tpu.memory_space<hbm>>, %arg4: memref<200x64xf32, #tpu.memory_space<hbm>>, %arg5: memref<200x8x32x8x128xf32, #tpu.memory_space<hbm>>, %arg6: memref<200x64xf32, #tpu.memory_space<vmem>>, %arg7: memref<200x128xi32, #tpu.memory_space<vmem>>, %arg8: memref<256x64xf32, #tpu.memory_space<vmem>>, %arg9: memref<256x64xf32, #tpu.memory_space<vmem>>, %arg10: memref<16x8x129xf32, #tpu.memory_space<vmem>>, %arg11: memref<16x8x129xf32, #tpu.memory_space<vmem>>, %arg12: memref<!tpu.dma_semaphore, #tpu.memory_space<semaphore_mem>>, %arg13: memref<!tpu.dma_semaphore, #tpu.memory_space<semaphore_mem>>, %arg14: memref<!tpu.dma_semaphore, #tpu.memory_space<semaphore_mem>>, %arg15: memref<!tpu.dma_semaphore, #tpu.memory_space<semaphore_mem>>, %arg16: memref<!tpu.dma_semaphore, #tpu.memory_space<semaphore_mem>>) attributes {dimension_semantics = [#tpu.dimension_semantics<core_parallel>, #tpu.dimension_semantics<subcore_parallel>], iteration_bounds = array<i64: 2, 16>, scalar_prefetch = 0 : i64, scratch_operands = 11 : i64, tpu.core_type = #tpu.core_type<sc_vector_subcore>, window_params = [{transform_indices = #map}, {transform_indices = #map}, {transform_indices = #map}, {transform_indices = #map1}]} {
    %mul3A = arith.constant 2 : i32
    %mul3A_0 = arith.muli %arg1, %mul3A : i32
    %add3A = arith.addi %mul3A_0, %arg0 : i32
    %mul3A_1 = arith.constant 128 : i32
    %mul3A_2 = arith.muli %add3A, %mul3A_1 : i32
    %multiple_of3A = tpu.assume_multiple %mul3A_2, 128 : i32
    "tpu.region"() ({
      %run_scoped3A = tpu.sem_alloc : memref<!tpu.dma_semaphore, #tpu.memory_space<semaphore_mem>>
      tpu.enqueue_dma source(%arg4 : memref<200x64xf32, #tpu.memory_space<hbm>>) target(%arg6 : memref<200x64xf32, #tpu.memory_space<vmem>>) target_semaphore(%run_scoped3A : memref<!tpu.dma_semaphore, #tpu.memory_space<semaphore_mem>>)
      tpu.wait_dma2 semaphore(%run_scoped3A : memref<!tpu.dma_semaphore, #tpu.memory_space<semaphore_mem>>) src(%arg4 : memref<200x64xf32, #tpu.memory_space<hbm>>) dst(%arg6 : memref<200x64xf32, #tpu.memory_space<vmem>>)
      tpu.yield
    }) : () -> ()
    "tpu.region"() ({
      %run_scoped3A = tpu.sem_alloc : memref<!tpu.dma_semaphore, #tpu.memory_space<semaphore_mem>>
      %dma_start3A_112 = arith.constant 0 : i32
      %dma_start3A_113 = arith.constant 0 : i32
      %dma_start3A_114 = tpu.memref_slice %arg7[%dma_start3A_112, %dma_start3A_113] : memref<200x128xi32, #tpu.memory_space<vmem>> -> memref<8x128xi32, #tpu.memory_space<vmem>>
      %dma_start3A_115 = arith.constant 0 : i32
      %dma_start3A_116 = tpu.memref_slice %arg2[%dma_start3A_115, %multiple_of3A] : memref<200x4096xi32, #tpu.memory_space<hbm>> -> memref<8x128xi32, #tpu.memory_space<hbm>>
      %dma_start3A_117 = arith.constant 0 : i32
      %dma_start3A_118 = arith.constant 0 : i32
      %dma_start3A_119 = tpu.memref_slice %arg7[%dma_start3A_117, %dma_start3A_118] : memref<200x128xi32, #tpu.memory_space<vmem>> -> memref<8x128xi32, #tpu.memory_space<vmem>>
      %dma_start3A_120 = arith.constant 0 : i32
      %dma_start3A_121 = tpu.memref_slice %arg2[%dma_start3A_120, %multiple_of3A] : memref<200x4096xi32, #tpu.memory_space<hbm>> -> memref<8x128xi32, #tpu.memory_space<hbm>>
      tpu.enqueue_dma source(%dma_start3A_121 : memref<8x128xi32, #tpu.memory_space<hbm>>) target(%dma_start3A_119 : memref<8x128xi32, #tpu.memory_space<vmem>>) target_semaphore(%run_scoped3A : memref<!tpu.dma_semaphore, #tpu.memory_space<semaphore_mem>>)
      %dma_wait3A_122 = arith.constant 0 : i32
      %dma_wait3A_123 = arith.constant 0 : i32
      %dma_wait3A_124 = tpu.memref_slice %arg7[%dma_wait3A_122, %dma_wait3A_123] : memref<200x128xi32, #tpu.memory_space<vmem>> -> memref<8x128xi32, #tpu.memory_space<vmem>>
      %dma_wait3A_125 = arith.constant 0 : i32
      %dma_wait3A_126 = tpu.memref_slice %arg2[%dma_wait3A_125, %multiple_of3A] : memref<200x4096xi32, #tpu.memory_space<hbm>> -> memref<8x128xi32, #tpu.memory_space<hbm>>
      %dma_wait3A_127 = arith.constant 0 : i32
      %dma_wait3A_128 = arith.constant 0 : i32
      %dma_wait3A_129 = tpu.memref_slice %arg7[%dma_wait3A_127, %dma_wait3A_128] : memref<200x128xi32, #tpu.memory_space<vmem>> -> memref<8x128xi32, #tpu.memory_space<vmem>>
      %dma_wait3A_130 = arith.constant 0 : i32
      %dma_wait3A_131 = tpu.memref_slice %arg2[%dma_wait3A_130, %multiple_of3A] : memref<200x4096xi32, #tpu.memory_space<hbm>> -> memref<8x128xi32, #tpu.memory_space<hbm>>
      tpu.wait_dma2 semaphore(%run_scoped3A : memref<!tpu.dma_semaphore, #tpu.memory_space<semaphore_mem>>) src(%dma_wait3A_131 : memref<8x128xi32, #tpu.memory_space<hbm>>) dst(%dma_wait3A_129 : memref<8x128xi32, #tpu.memory_space<vmem>>)
      tpu.yield
    }) : () -> ()
    %dma_start3A = arith.constant 8 : i32
    %dma_start3A_3 = arith.constant 0 : i32
    %dma_start3A_4 = tpu.memref_slice %arg7[%dma_start3A, %dma_start3A_3] : memref<200x128xi32, #tpu.memory_space<vmem>> -> memref<192x128xi32, #tpu.memory_space<vmem>>
    %dma_start3A_5 = arith.constant 8 : i32
    %dma_start3A_6 = tpu.memref_slice %arg2[%dma_start3A_5, %multiple_of3A] : memref<200x4096xi32, #tpu.memory_space<hbm>> -> memref<192x128xi32, #tpu.memory_space<hbm>>
    %dma_start3A_7 = arith.constant 8 : i32
    %dma_start3A_8 = arith.constant 0 : i32
    %dma_start3A_9 = tpu.memref_slice %arg7[%dma_start3A_7, %dma_start3A_8] : memref<200x128xi32, #tpu.memory_space<vmem>> -> memref<192x128xi32, #tpu.memory_space<vmem>>
    %dma_start3A_10 = arith.constant 8 : i32
    %dma_start3A_11 = tpu.memref_slice %arg2[%dma_start3A_10, %multiple_of3A] : memref<200x4096xi32, #tpu.memory_space<hbm>> -> memref<192x128xi32, #tpu.memory_space<hbm>>
    tpu.enqueue_dma source(%dma_start3A_11 : memref<192x128xi32, #tpu.memory_space<hbm>>) target(%dma_start3A_9 : memref<192x128xi32, #tpu.memory_space<vmem>>) target_semaphore(%arg16 : memref<!tpu.dma_semaphore, #tpu.memory_space<semaphore_mem>>)
    %dma_start3A_12 = arith.constant 0 : i32
    %dma_start3A_13 = arith.constant 0 : i32
    %dma_start3A_14 = arith.constant 0 : i32
    %dma_start3A_15 = tpu.memref_slice %arg8[%dma_start3A_13, %dma_start3A_14] : memref<256x64xf32, #tpu.memory_space<vmem>> -> memref<128x64xf32, #tpu.memory_space<vmem>>
    %dma_start3A_16 = arith.constant 0 : i32
    %dma_start3A_17 = tpu.memref_slice %arg7[%dma_start3A_12, %dma_start3A_16] : memref<200x128xi32, #tpu.memory_space<vmem>> -> memref<1x128xi32, #tpu.memory_space<vmem>>
    %dma_start3A_18 = tpu.memref_squeeze %dma_start3A_17 : memref<1x128xi32, #tpu.memory_space<vmem>> -> memref<128xi32, #tpu.memory_space<vmem>>
    %dma_start3A_19 = arith.constant 0 : i32
    %dma_start3A_20 = arith.constant 0 : i32
    %dma_start3A_21 = tpu.memref_slice %arg3[%dma_start3A_19, %dma_start3A_20] : memref<100000x64xf32, #tpu.memory_space<hbm>> -> memref<100000x64xf32, #tpu.memory_space<hbm>>
    tpu.enqueue_indirect_dma source(%dma_start3A_21 : memref<100000x64xf32, #tpu.memory_space<hbm>>) target(%dma_start3A_15 : memref<128x64xf32, #tpu.memory_space<vmem>>) offsets(%dma_start3A_18 : memref<128xi32, #tpu.memory_space<vmem>>) semaphore(%arg12 : memref<!tpu.dma_semaphore, #tpu.memory_space<semaphore_mem>>)
    %dma_start3A_22 = arith.constant 1 : i32
    %dma_start3A_23 = arith.constant 128 : i32
    %dma_start3A_24 = arith.constant 0 : i32
    %dma_start3A_25 = tpu.memref_slice %arg8[%dma_start3A_23, %dma_start3A_24] : memref<256x64xf32, #tpu.memory_space<vmem>> -> memref<128x64xf32, #tpu.memory_space<vmem>>
    %dma_start3A_26 = arith.constant 0 : i32
    %dma_start3A_27 = tpu.memref_slice %arg7[%dma_start3A_22, %dma_start3A_26] : memref<200x128xi32, #tpu.memory_space<vmem>> -> memref<1x128xi32, #tpu.memory_space<vmem>>
    %dma_start3A_28 = tpu.memref_squeeze %dma_start3A_27 : memref<1x128xi32, #tpu.memory_space<vmem>> -> memref<128xi32, #tpu.memory_space<vmem>>
    %dma_start3A_29 = arith.constant 0 : i32
    %dma_start3A_30 = arith.constant 0 : i32
    %dma_start3A_31 = tpu.memref_slice %arg3[%dma_start3A_29, %dma_start3A_30] : memref<100000x64xf32, #tpu.memory_space<hbm>> -> memref<100000x64xf32, #tpu.memory_space<hbm>>
    tpu.enqueue_indirect_dma source(%dma_start3A_31 : memref<100000x64xf32, #tpu.memory_space<hbm>>) target(%dma_start3A_25 : memref<128x64xf32, #tpu.memory_space<vmem>>) offsets(%dma_start3A_28 : memref<128xi32, #tpu.memory_space<vmem>>) semaphore(%arg12 : memref<!tpu.dma_semaphore, #tpu.memory_space<semaphore_mem>>)
    %scan3A = arith.constant 0 : i32
    %scan3A_32 = arith.constant 0 : i32
    %scan3A_33 = arith.constant 50 : i32
    %scan3A_34 = arith.addi %scan3A_32, %scan3A_33 : i32
    %scan3A_35 = arith.constant 1 : i32
    scf.for %scan3A_112 = %scan3A_32 to %scan3A_34 step %scan3A_35  : i32 {
      %mul3A_113 = arith.constant 2 : i32
      %mul3A_114 = arith.muli %scan3A_112, %mul3A_113 : i32
      %eq3A = arith.constant 1 : i32
      %eq3A_115 = arith.cmpi eq, %scan3A_112, %eq3A : i32
      %convert_element_type3A = arith.extui %eq3A_115 : i1 to i32
      %cond3A = arith.constant 0 : i32
      %cond3A_116 = arith.cmpi ne, %convert_element_type3A, %cond3A : i32
      scf.if %cond3A_116 {
        %dma_wait3A_364 = arith.constant 8 : i32
        %dma_wait3A_365 = arith.constant 0 : i32
        %dma_wait3A_366 = tpu.memref_slice %arg7[%dma_wait3A_364, %dma_wait3A_365] : memref<200x128xi32, #tpu.memory_space<vmem>> -> memref<192x128xi32, #tpu.memory_space<vmem>>
        %dma_wait3A_367 = arith.constant 8 : i32
        %dma_wait3A_368 = tpu.memref_slice %arg2[%dma_wait3A_367, %multiple_of3A] : memref<200x4096xi32, #tpu.memory_space<hbm>> -> memref<192x128xi32, #tpu.memory_space<hbm>>
        %dma_wait3A_369 = arith.constant 8 : i32
        %dma_wait3A_370 = arith.constant 0 : i32
        %dma_wait3A_371 = tpu.memref_slice %arg7[%dma_wait3A_369, %dma_wait3A_370] : memref<200x128xi32, #tpu.memory_space<vmem>> -> memref<192x128xi32, #tpu.memory_space<vmem>>
        %dma_wait3A_372 = arith.constant 8 : i32
        %dma_wait3A_373 = tpu.memref_slice %arg2[%dma_wait3A_372, %multiple_of3A] : memref<200x4096xi32, #tpu.memory_space<hbm>> -> memref<192x128xi32, #tpu.memory_space<hbm>>
        tpu.wait_dma2 semaphore(%arg16 : memref<!tpu.dma_semaphore, #tpu.memory_space<semaphore_mem>>) src(%dma_wait3A_373 : memref<192x128xi32, #tpu.memory_space<hbm>>) dst(%dma_wait3A_371 : memref<192x128xi32, #tpu.memory_space<vmem>>)
      } else {
      }
      %add3A_117 = arith.constant 1 : i32
      %add3A_118 = arith.addi %mul3A_114, %add3A_117 : i32
      %mul3A_119 = arith.constant 2 : i32
      %mul3A_120 = arith.muli %add3A_118, %mul3A_119 : i32
      %add3A_121 = arith.constant 0 : i32
      %add3A_122 = arith.addi %mul3A_120, %add3A_121 : i32
      %dma_start3A_123 = arith.constant 0 : i32
      %dma_start3A_124 = arith.constant 0 : i32
      %dma_start3A_125 = tpu.memref_slice %arg9[%dma_start3A_123, %dma_start3A_124] : memref<256x64xf32, #tpu.memory_space<vmem>> -> memref<128x64xf32, #tpu.memory_space<vmem>>
      %dma_start3A_126 = arith.constant 0 : i32
      %dma_start3A_127 = tpu.memref_slice %arg7[%add3A_122, %dma_start3A_126] : memref<200x128xi32, #tpu.memory_space<vmem>> -> memref<1x128xi32, #tpu.memory_space<vmem>>
      %dma_start3A_128 = tpu.memref_squeeze %dma_start3A_127 : memref<1x128xi32, #tpu.memory_space<vmem>> -> memref<128xi32, #tpu.memory_space<vmem>>
      %dma_start3A_129 = arith.constant 0 : i32
      %dma_start3A_130 = arith.constant 0 : i32
      %dma_start3A_131 = tpu.memref_slice %arg3[%dma_start3A_129, %dma_start3A_130] : memref<100000x64xf32, #tpu.memory_space<hbm>> -> memref<100000x64xf32, #tpu.memory_space<hbm>>
      tpu.enqueue_indirect_dma source(%dma_start3A_131 : memref<100000x64xf32, #tpu.memory_space<hbm>>) target(%dma_start3A_125 : memref<128x64xf32, #tpu.memory_space<vmem>>) offsets(%dma_start3A_128 : memref<128xi32, #tpu.memory_space<vmem>>) semaphore(%arg13 : memref<!tpu.dma_semaphore, #tpu.memory_space<semaphore_mem>>)
      %mul3A_132 = arith.constant 2 : i32
      %mul3A_133 = arith.muli %add3A_118, %mul3A_132 : i32
      %add3A_134 = arith.constant 1 : i32
      %add3A_135 = arith.addi %mul3A_133, %add3A_134 : i32
      %dma_start3A_136 = arith.constant 128 : i32
      %dma_start3A_137 = arith.constant 0 : i32
      %dma_start3A_138 = tpu.memref_slice %arg9[%dma_start3A_136, %dma_start3A_137] : memref<256x64xf32, #tpu.memory_space<vmem>> -> memref<128x64xf32, #tpu.memory_space<vmem>>
      %dma_start3A_139 = arith.constant 0 : i32
      %dma_start3A_140 = tpu.memref_slice %arg7[%add3A_135, %dma_start3A_139] : memref<200x128xi32, #tpu.memory_space<vmem>> -> memref<1x128xi32, #tpu.memory_space<vmem>>
      %dma_start3A_141 = tpu.memref_squeeze %dma_start3A_140 : memref<1x128xi32, #tpu.memory_space<vmem>> -> memref<128xi32, #tpu.memory_space<vmem>>
      %dma_start3A_142 = arith.constant 0 : i32
      %dma_start3A_143 = arith.constant 0 : i32
      %dma_start3A_144 = tpu.memref_slice %arg3[%dma_start3A_142, %dma_start3A_143] : memref<100000x64xf32, #tpu.memory_space<hbm>> -> memref<100000x64xf32, #tpu.memory_space<hbm>>
      tpu.enqueue_indirect_dma source(%dma_start3A_144 : memref<100000x64xf32, #tpu.memory_space<hbm>>) target(%dma_start3A_138 : memref<128x64xf32, #tpu.memory_space<vmem>>) offsets(%dma_start3A_141 : memref<128xi32, #tpu.memory_space<vmem>>) semaphore(%arg13 : memref<!tpu.dma_semaphore, #tpu.memory_space<semaphore_mem>>)
      %dma_wait3A_145 = arith.constant 0 : i32
      %dma_wait3A_146 = arith.constant 0 : i32
      %dma_wait3A_147 = arith.constant 0 : i32
      %dma_wait3A_148 = tpu.memref_slice %arg8[%dma_wait3A_146, %dma_wait3A_147] : memref<256x64xf32, #tpu.memory_space<vmem>> -> memref<128x64xf32, #tpu.memory_space<vmem>>
      %dma_wait3A_149 = arith.constant 0 : i32
      %dma_wait3A_150 = tpu.memref_slice %arg7[%dma_wait3A_145, %dma_wait3A_149] : memref<200x128xi32, #tpu.memory_space<vmem>> -> memref<1x128xi32, #tpu.memory_space<vmem>>
      %dma_wait3A_151 = tpu.memref_squeeze %dma_wait3A_150 : memref<1x128xi32, #tpu.memory_space<vmem>> -> memref<128xi32, #tpu.memory_space<vmem>>
      %dma_wait3A_152 = arith.constant 0 : i32
      %dma_wait3A_153 = arith.constant 0 : i32
      %dma_wait3A_154 = tpu.memref_slice %arg3[%dma_wait3A_152, %dma_wait3A_153] : memref<100000x64xf32, #tpu.memory_space<hbm>> -> memref<100000x64xf32, #tpu.memory_space<hbm>>
      tpu.wait_indirect_dma semaphore(%arg12 : memref<!tpu.dma_semaphore, #tpu.memory_space<semaphore_mem>>) src(%dma_wait3A_154 : memref<100000x64xf32, #tpu.memory_space<hbm>>) dst(%dma_wait3A_148 : memref<128x64xf32, #tpu.memory_space<vmem>>)
      %dma_wait3A_155 = arith.constant 0 : i32
      %dma_wait3A_156 = arith.constant 128 : i32
      %dma_wait3A_157 = arith.constant 0 : i32
      %dma_wait3A_158 = tpu.memref_slice %arg8[%dma_wait3A_156, %dma_wait3A_157] : memref<256x64xf32, #tpu.memory_space<vmem>> -> memref<128x64xf32, #tpu.memory_space<vmem>>
      %dma_wait3A_159 = arith.constant 0 : i32
      %dma_wait3A_160 = tpu.memref_slice %arg7[%dma_wait3A_155, %dma_wait3A_159] : memref<200x128xi32, #tpu.memory_space<vmem>> -> memref<1x128xi32, #tpu.memory_space<vmem>>
      %dma_wait3A_161 = tpu.memref_squeeze %dma_wait3A_160 : memref<1x128xi32, #tpu.memory_space<vmem>> -> memref<128xi32, #tpu.memory_space<vmem>>
      %dma_wait3A_162 = arith.constant 0 : i32
      %dma_wait3A_163 = arith.constant 0 : i32
      %dma_wait3A_164 = tpu.memref_slice %arg3[%dma_wait3A_162, %dma_wait3A_163] : memref<100000x64xf32, #tpu.memory_space<hbm>> -> memref<100000x64xf32, #tpu.memory_space<hbm>>
      tpu.wait_indirect_dma semaphore(%arg12 : memref<!tpu.dma_semaphore, #tpu.memory_space<semaphore_mem>>) src(%dma_wait3A_164 : memref<100000x64xf32, #tpu.memory_space<hbm>>) dst(%dma_wait3A_158 : memref<128x64xf32, #tpu.memory_space<vmem>>)
      %gt3A = arith.constant 0 : i32
      %gt3A_165 = arith.cmpi sgt, %scan3A_112, %gt3A : i32
      %convert_element_type3A_166 = arith.extui %gt3A_165 : i1 to i32
      %cond3A_167 = arith.constant 0 : i32
      %cond3A_168 = arith.cmpi ne, %convert_element_type3A_166, %cond3A_167 : i32
      scf.if %cond3A_168 {
        %dma_wait3A_364 = arith.constant 0 : i32
        %dma_wait3A_365 = arith.constant 0 : i32
        %dma_wait3A_366 = arith.constant 0 : i32
        %dma_wait3A_367 = arith.constant 0 : i32
        %dma_wait3A_368 = tpu.memref_slice %arg10[%dma_wait3A_365, %dma_wait3A_366, %dma_wait3A_367] : memref<16x8x129xf32, #tpu.memory_space<vmem>> -> memref<8x8x128xf32, #tpu.memory_space<vmem>>
        %dma_wait3A_369 = arith.constant 0 : i32
        %dma_wait3A_370 = arith.constant 0 : i32
        %dma_wait3A_371 = arith.constant 0 : i32
        %dma_wait3A_372 = tpu.memref_slice %arg5[%dma_wait3A_364, %dma_wait3A_369, %add3A, %dma_wait3A_370, %dma_wait3A_371] : memref<200x8x32x8x128xf32, #tpu.memory_space<hbm>> -> memref<1x8x1x8x128xf32, #tpu.memory_space<hbm>>
        %dma_wait3A_373 = tpu.memref_squeeze %dma_wait3A_372 : memref<1x8x1x8x128xf32, #tpu.memory_space<hbm>> -> memref<8x8x128xf32, #tpu.memory_space<hbm>>
        %dma_wait3A_374 = arith.constant 0 : i32
        %dma_wait3A_375 = arith.constant 0 : i32
        %dma_wait3A_376 = arith.constant 0 : i32
        %dma_wait3A_377 = tpu.memref_slice %arg5[%dma_wait3A_364, %dma_wait3A_374, %add3A, %dma_wait3A_375, %dma_wait3A_376] : memref<200x8x32x8x128xf32, #tpu.memory_space<hbm>> -> memref<1x8x1x8x128xf32, #tpu.memory_space<hbm>>
        %dma_wait3A_378 = tpu.memref_squeeze %dma_wait3A_377 : memref<1x8x1x8x128xf32, #tpu.memory_space<hbm>> -> memref<8x8x128xf32, #tpu.memory_space<hbm>>
        %dma_wait3A_379 = arith.constant 0 : i32
        %dma_wait3A_380 = arith.constant 0 : i32
        %dma_wait3A_381 = arith.constant 0 : i32
        %dma_wait3A_382 = tpu.memref_slice %arg10[%dma_wait3A_379, %dma_wait3A_380, %dma_wait3A_381] : memref<16x8x129xf32, #tpu.memory_space<vmem>> -> memref<8x8x128xf32, #tpu.memory_space<vmem>>
        tpu.wait_dma2 semaphore(%arg14 : memref<!tpu.dma_semaphore, #tpu.memory_space<semaphore_mem>>) src(%dma_wait3A_382 : memref<8x8x128xf32, #tpu.memory_space<vmem>>) dst(%dma_wait3A_378 : memref<8x8x128xf32, #tpu.memory_space<hbm>>)
        %dma_wait3A_383 = arith.constant 0 : i32
        %dma_wait3A_384 = arith.constant 8 : i32
        %dma_wait3A_385 = arith.constant 0 : i32
        %dma_wait3A_386 = arith.constant 0 : i32
        %dma_wait3A_387 = tpu.memref_slice %arg10[%dma_wait3A_384, %dma_wait3A_385, %dma_wait3A_386] : memref<16x8x129xf32, #tpu.memory_space<vmem>> -> memref<8x8x128xf32, #tpu.memory_space<vmem>>
        %dma_wait3A_388 = arith.constant 0 : i32
        %dma_wait3A_389 = arith.constant 0 : i32
        %dma_wait3A_390 = arith.constant 0 : i32
        %dma_wait3A_391 = tpu.memref_slice %arg5[%dma_wait3A_383, %dma_wait3A_388, %add3A, %dma_wait3A_389, %dma_wait3A_390] : memref<200x8x32x8x128xf32, #tpu.memory_space<hbm>> -> memref<1x8x1x8x128xf32, #tpu.memory_space<hbm>>
        %dma_wait3A_392 = tpu.memref_squeeze %dma_wait3A_391 : memref<1x8x1x8x128xf32, #tpu.memory_space<hbm>> -> memref<8x8x128xf32, #tpu.memory_space<hbm>>
        %dma_wait3A_393 = arith.constant 0 : i32
        %dma_wait3A_394 = arith.constant 0 : i32
        %dma_wait3A_395 = arith.constant 0 : i32
        %dma_wait3A_396 = tpu.memref_slice %arg5[%dma_wait3A_383, %dma_wait3A_393, %add3A, %dma_wait3A_394, %dma_wait3A_395] : memref<200x8x32x8x128xf32, #tpu.memory_space<hbm>> -> memref<1x8x1x8x128xf32, #tpu.memory_space<hbm>>
        %dma_wait3A_397 = tpu.memref_squeeze %dma_wait3A_396 : memref<1x8x1x8x128xf32, #tpu.memory_space<hbm>> -> memref<8x8x128xf32, #tpu.memory_space<hbm>>
        %dma_wait3A_398 = arith.constant 8 : i32
        %dma_wait3A_399 = arith.constant 0 : i32
        %dma_wait3A_400 = arith.constant 0 : i32
        %dma_wait3A_401 = tpu.memref_slice %arg10[%dma_wait3A_398, %dma_wait3A_399, %dma_wait3A_400] : memref<16x8x129xf32, #tpu.memory_space<vmem>> -> memref<8x8x128xf32, #tpu.memory_space<vmem>>
        tpu.wait_dma2 semaphore(%arg14 : memref<!tpu.dma_semaphore, #tpu.memory_space<semaphore_mem>>) src(%dma_wait3A_401 : memref<8x8x128xf32, #tpu.memory_space<vmem>>) dst(%dma_wait3A_397 : memref<8x8x128xf32, #tpu.memory_space<hbm>>)
      } else {
      }
      %mul3A_169 = arith.constant 2 : i32
      %mul3A_170 = arith.muli %mul3A_114, %mul3A_169 : i32
      %add3A_171 = arith.constant 0 : i32
      %add3A_172 = arith.addi %mul3A_170, %add3A_171 : i32
      %get3A = arith.index_cast %add3A_172 : i32 to index
      %get3A_173 = arith.constant 0 : index
      %get3A_174 = tpu.vector_load %arg6[%get3A, %get3A_173] {strides = array<i32>} : memref<200x64xf32, #tpu.memory_space<vmem>>, vector<16xf32>,
      %get3A_175 = arith.index_cast %add3A_172 : i32 to index
      %get3A_176 = arith.constant 16 : index
      %get3A_177 = tpu.vector_load %arg6[%get3A_175, %get3A_176] {strides = array<i32>} : memref<200x64xf32, #tpu.memory_space<vmem>>, vector<16xf32>,
      %get3A_178 = arith.index_cast %add3A_172 : i32 to index
      %get3A_179 = arith.constant 32 : index
      %get3A_180 = tpu.vector_load %arg6[%get3A_178, %get3A_179] {strides = array<i32>} : memref<200x64xf32, #tpu.memory_space<vmem>>, vector<16xf32>,
      %get3A_181 = arith.index_cast %add3A_172 : i32 to index
      %get3A_182 = arith.constant 48 : index
      %get3A_183 = tpu.vector_load %arg6[%get3A_181, %get3A_182] {strides = array<i32>} : memref<200x64xf32, #tpu.memory_space<vmem>>, vector<16xf32>,
      %parallel_loop3A = arith.constant 0 : i32
      %parallel_loop3A_184 = arith.constant 128 : i32
      %parallel_loop3A_185 = arith.constant 1 : i32
      scf.for %parallel_loop3A_364 = %parallel_loop3A to %parallel_loop3A_184 step %parallel_loop3A_185  : i32 {
        %parallel_loop3A_365 = tpu.iota {dimensions = array<i32: 0>} : vector<16xi32>
        %parallel_loop3A_366 = vector.broadcast %parallel_loop3A_364 : i32 to vector<16xi32>
        %parallel_loop3A_367 = arith.constant 8 : i32
        %parallel_loop3A_368 = arith.constant 0 : i32
        %parallel_loop3A_369 = arith.cmpi eq, %parallel_loop3A_367, %parallel_loop3A_368 : i32
        %parallel_loop3A_370 = arith.constant 1 : i32
        %parallel_loop3A_371 = arith.select %parallel_loop3A_369, %parallel_loop3A_370, %parallel_loop3A_367 : i32
        %parallel_loop3A_372 = vector.broadcast %parallel_loop3A_371 : i32 to vector<16xi32>
        %parallel_loop3A_373 = arith.remsi %parallel_loop3A_365, %parallel_loop3A_372 : vector<16xi32>
        %parallel_loop3A_374 = arith.constant 0 : i32
        %parallel_loop3A_375 = vector.broadcast %parallel_loop3A_374 : i32 to vector<16xi32>
        %parallel_loop3A_376 = arith.cmpi ne, %parallel_loop3A_373, %parallel_loop3A_375 : vector<16xi32>
        %parallel_loop3A_377 = arith.constant 0 : i32
        %parallel_loop3A_378 = vector.broadcast %parallel_loop3A_377 : i32 to vector<16xi32>
        %parallel_loop3A_379 = arith.cmpi slt, %parallel_loop3A_373, %parallel_loop3A_378 : vector<16xi32>
        %parallel_loop3A_380 = arith.constant 0 : i32
        %parallel_loop3A_381 = arith.cmpi slt, %parallel_loop3A_371, %parallel_loop3A_380 : i32
        %parallel_loop3A_382 = vector.broadcast %parallel_loop3A_381 : i1 to vector<16xi1>
        %parallel_loop3A_383 = vector.broadcast %parallel_loop3A_382 : vector<16xi1> to vector<16xi1>
        %parallel_loop3A_384 = arith.xori %parallel_loop3A_379, %parallel_loop3A_383 : vector<16xi1>
        %parallel_loop3A_385 = arith.andi %parallel_loop3A_384, %parallel_loop3A_376 : vector<16xi1>
        %parallel_loop3A_386 = vector.broadcast %parallel_loop3A_371 : i32 to vector<16xi32>
        %parallel_loop3A_387 = arith.addi %parallel_loop3A_373, %parallel_loop3A_386 : vector<16xi32>
        %parallel_loop3A_388 = arith.select %parallel_loop3A_385, %parallel_loop3A_387, %parallel_loop3A_373 : vector<16xi1>, vector<16xi32>
        %parallel_loop3A_389 = arith.constant 8 : i32
        %parallel_loop3A_390 = vector.broadcast %parallel_loop3A_389 : i32 to vector<16xi32>
        %parallel_loop3A_391 = arith.divsi %parallel_loop3A_365, %parallel_loop3A_390 : vector<16xi32>
        %parallel_loop3A_392 = arith.constant 0 : i32
        %parallel_loop3A_393 = vector.broadcast %parallel_loop3A_392 : i32 to vector<16xi32>
        %parallel_loop3A_394 = arith.cmpi sgt, %parallel_loop3A_365, %parallel_loop3A_393 : vector<16xi32>
        %parallel_loop3A_395 = arith.extui %parallel_loop3A_394 : vector<16xi1> to vector<16xi32>
        %parallel_loop3A_396 = arith.constant 0 : i32
        %parallel_loop3A_397 = vector.broadcast %parallel_loop3A_396 : i32 to vector<16xi32>
        %parallel_loop3A_398 = arith.cmpi slt, %parallel_loop3A_365, %parallel_loop3A_397 : vector<16xi32>
        %parallel_loop3A_399 = arith.extui %parallel_loop3A_398 : vector<16xi1> to vector<16xi32>
        %parallel_loop3A_400 = arith.subi %parallel_loop3A_395, %parallel_loop3A_399 : vector<16xi32>
        %parallel_loop3A_401 = arith.constant 0 : i32
        %parallel_loop3A_402 = arith.cmpi sgt, %parallel_loop3A_389, %parallel_loop3A_401 : i32
        %parallel_loop3A_403 = arith.extui %parallel_loop3A_402 : i1 to i32
        %parallel_loop3A_404 = arith.constant 0 : i32
        %parallel_loop3A_405 = arith.cmpi slt, %parallel_loop3A_389, %parallel_loop3A_404 : i32
        %parallel_loop3A_406 = arith.extui %parallel_loop3A_405 : i1 to i32
        %parallel_loop3A_407 = arith.subi %parallel_loop3A_403, %parallel_loop3A_406 : i32
        %parallel_loop3A_408 = vector.broadcast %parallel_loop3A_407 : i32 to vector<16xi32>
        %parallel_loop3A_409 = arith.cmpi ne, %parallel_loop3A_400, %parallel_loop3A_408 : vector<16xi32>
        %parallel_loop3A_410 = vector.broadcast %parallel_loop3A_389 : i32 to vector<16xi32>
        %parallel_loop3A_411 = arith.remsi %parallel_loop3A_365, %parallel_loop3A_410 : vector<16xi32>
        %parallel_loop3A_412 = arith.constant 0 : i32
        %parallel_loop3A_413 = vector.broadcast %parallel_loop3A_412 : i32 to vector<16xi32>
        %parallel_loop3A_414 = arith.cmpi ne, %parallel_loop3A_411, %parallel_loop3A_413 : vector<16xi32>
        %parallel_loop3A_415 = arith.andi %parallel_loop3A_409, %parallel_loop3A_414 : vector<16xi1>
        %parallel_loop3A_416 = arith.constant 1 : i32
        %parallel_loop3A_417 = vector.broadcast %parallel_loop3A_416 : i32 to vector<16xi32>
        %parallel_loop3A_418 = arith.subi %parallel_loop3A_391, %parallel_loop3A_417 : vector<16xi32>
        %parallel_loop3A_419 = arith.select %parallel_loop3A_415, %parallel_loop3A_418, %parallel_loop3A_391 : vector<16xi1>, vector<16xi32>
        %parallel_loop3A_420 = arith.constant 0 : i32
        %parallel_loop3A_421 = vector.broadcast %parallel_loop3A_420 : i32 to vector<16xi32>
        %parallel_loop3A_422 = arith.addi %parallel_loop3A_419, %parallel_loop3A_421 : vector<16xi32>
        %parallel_loop3A_423 = arith.constant 0 : i32
        %parallel_loop3A_424 = arith.addi %parallel_loop3A_423, %parallel_loop3A_364 : i32
        %parallel_loop3A_425 = arith.index_cast %parallel_loop3A_424 : i32 to index
        %parallel_loop3A_426 = arith.constant 0 : index
        %parallel_loop3A_427 = tpu.vector_load %arg8[%parallel_loop3A_425, %parallel_loop3A_426] {strides = array<i32>} : memref<256x64xf32, #tpu.memory_space<vmem>>, vector<16xf32>,
        %parallel_loop3A_428 = arith.addf %parallel_loop3A_427, %get3A_174 : vector<16xf32>
        tpu.vector_store_idx %arg10[%parallel_loop3A_422, %parallel_loop3A_388, %parallel_loop3A_366], %parallel_loop3A_428 : memref<16x8x129xf32, #tpu.memory_space<vmem>>[vector<16xi32>, vector<16xi32>, vector<16xi32>], vector<16xf32>,
        %parallel_loop3A_429 = arith.constant 8 : i32
        %parallel_loop3A_430 = vector.broadcast %parallel_loop3A_429 : i32 to vector<16xi32>
        %parallel_loop3A_431 = arith.divsi %parallel_loop3A_365, %parallel_loop3A_430 : vector<16xi32>
        %parallel_loop3A_432 = arith.constant 0 : i32
        %parallel_loop3A_433 = vector.broadcast %parallel_loop3A_432 : i32 to vector<16xi32>
        %parallel_loop3A_434 = arith.cmpi sgt, %parallel_loop3A_365, %parallel_loop3A_433 : vector<16xi32>
        %parallel_loop3A_435 = arith.extui %parallel_loop3A_434 : vector<16xi1> to vector<16xi32>
        %parallel_loop3A_436 = arith.constant 0 : i32
        %parallel_loop3A_437 = vector.broadcast %parallel_loop3A_436 : i32 to vector<16xi32>
        %parallel_loop3A_438 = arith.cmpi slt, %parallel_loop3A_365, %parallel_loop3A_437 : vector<16xi32>
        %parallel_loop3A_439 = arith.extui %parallel_loop3A_438 : vector<16xi1> to vector<16xi32>
        %parallel_loop3A_440 = arith.subi %parallel_loop3A_435, %parallel_loop3A_439 : vector<16xi32>
        %parallel_loop3A_441 = arith.constant 0 : i32
        %parallel_loop3A_442 = arith.cmpi sgt, %parallel_loop3A_429, %parallel_loop3A_441 : i32
        %parallel_loop3A_443 = arith.extui %parallel_loop3A_442 : i1 to i32
        %parallel_loop3A_444 = arith.constant 0 : i32
        %parallel_loop3A_445 = arith.cmpi slt, %parallel_loop3A_429, %parallel_loop3A_444 : i32
        %parallel_loop3A_446 = arith.extui %parallel_loop3A_445 : i1 to i32
        %parallel_loop3A_447 = arith.subi %parallel_loop3A_443, %parallel_loop3A_446 : i32
        %parallel_loop3A_448 = vector.broadcast %parallel_loop3A_447 : i32 to vector<16xi32>
        %parallel_loop3A_449 = arith.cmpi ne, %parallel_loop3A_440, %parallel_loop3A_448 : vector<16xi32>
        %parallel_loop3A_450 = vector.broadcast %parallel_loop3A_429 : i32 to vector<16xi32>
        %parallel_loop3A_451 = arith.remsi %parallel_loop3A_365, %parallel_loop3A_450 : vector<16xi32>
        %parallel_loop3A_452 = arith.constant 0 : i32
        %parallel_loop3A_453 = vector.broadcast %parallel_loop3A_452 : i32 to vector<16xi32>
        %parallel_loop3A_454 = arith.cmpi ne, %parallel_loop3A_451, %parallel_loop3A_453 : vector<16xi32>
        %parallel_loop3A_455 = arith.andi %parallel_loop3A_449, %parallel_loop3A_454 : vector<16xi1>
        %parallel_loop3A_456 = arith.constant 1 : i32
        %parallel_loop3A_457 = vector.broadcast %parallel_loop3A_456 : i32 to vector<16xi32>
        %parallel_loop3A_458 = arith.subi %parallel_loop3A_431, %parallel_loop3A_457 : vector<16xi32>
        %parallel_loop3A_459 = arith.select %parallel_loop3A_455, %parallel_loop3A_458, %parallel_loop3A_431 : vector<16xi1>, vector<16xi32>
        %parallel_loop3A_460 = arith.constant 2 : i32
        %parallel_loop3A_461 = vector.broadcast %parallel_loop3A_460 : i32 to vector<16xi32>
        %parallel_loop3A_462 = arith.addi %parallel_loop3A_459, %parallel_loop3A_461 : vector<16xi32>
        %parallel_loop3A_463 = arith.constant 0 : i32
        %parallel_loop3A_464 = arith.addi %parallel_loop3A_463, %parallel_loop3A_364 : i32
        %parallel_loop3A_465 = arith.index_cast %parallel_loop3A_464 : i32 to index
        %parallel_loop3A_466 = arith.constant 16 : index
        %parallel_loop3A_467 = tpu.vector_load %arg8[%parallel_loop3A_465, %parallel_loop3A_466] {strides = array<i32>} : memref<256x64xf32, #tpu.memory_space<vmem>>, vector<16xf32>,
        %parallel_loop3A_468 = arith.addf %parallel_loop3A_467, %get3A_177 : vector<16xf32>
        tpu.vector_store_idx %arg10[%parallel_loop3A_462, %parallel_loop3A_388, %parallel_loop3A_366], %parallel_loop3A_468 : memref<16x8x129xf32, #tpu.memory_space<vmem>>[vector<16xi32>, vector<16xi32>, vector<16xi32>], vector<16xf32>,
        %parallel_loop3A_469 = arith.constant 8 : i32
        %parallel_loop3A_470 = vector.broadcast %parallel_loop3A_469 : i32 to vector<16xi32>
        %parallel_loop3A_471 = arith.divsi %parallel_loop3A_365, %parallel_loop3A_470 : vector<16xi32>
        %parallel_loop3A_472 = arith.constant 0 : i32
        %parallel_loop3A_473 = vector.broadcast %parallel_loop3A_472 : i32 to vector<16xi32>
        %parallel_loop3A_474 = arith.cmpi sgt, %parallel_loop3A_365, %parallel_loop3A_473 : vector<16xi32>
        %parallel_loop3A_475 = arith.extui %parallel_loop3A_474 : vector<16xi1> to vector<16xi32>
        %parallel_loop3A_476 = arith.constant 0 : i32
        %parallel_loop3A_477 = vector.broadcast %parallel_loop3A_476 : i32 to vector<16xi32>
        %parallel_loop3A_478 = arith.cmpi slt, %parallel_loop3A_365, %parallel_loop3A_477 : vector<16xi32>
        %parallel_loop3A_479 = arith.extui %parallel_loop3A_478 : vector<16xi1> to vector<16xi32>
        %parallel_loop3A_480 = arith.subi %parallel_loop3A_475, %parallel_loop3A_479 : vector<16xi32>
        %parallel_loop3A_481 = arith.constant 0 : i32
        %parallel_loop3A_482 = arith.cmpi sgt, %parallel_loop3A_469, %parallel_loop3A_481 : i32
        %parallel_loop3A_483 = arith.extui %parallel_loop3A_482 : i1 to i32
        %parallel_loop3A_484 = arith.constant 0 : i32
        %parallel_loop3A_485 = arith.cmpi slt, %parallel_loop3A_469, %parallel_loop3A_484 : i32
        %parallel_loop3A_486 = arith.extui %parallel_loop3A_485 : i1 to i32
        %parallel_loop3A_487 = arith.subi %parallel_loop3A_483, %parallel_loop3A_486 : i32
        %parallel_loop3A_488 = vector.broadcast %parallel_loop3A_487 : i32 to vector<16xi32>
        %parallel_loop3A_489 = arith.cmpi ne, %parallel_loop3A_480, %parallel_loop3A_488 : vector<16xi32>
        %parallel_loop3A_490 = vector.broadcast %parallel_loop3A_469 : i32 to vector<16xi32>
        %parallel_loop3A_491 = arith.remsi %parallel_loop3A_365, %parallel_loop3A_490 : vector<16xi32>
        %parallel_loop3A_492 = arith.constant 0 : i32
        %parallel_loop3A_493 = vector.broadcast %parallel_loop3A_492 : i32 to vector<16xi32>
        %parallel_loop3A_494 = arith.cmpi ne, %parallel_loop3A_491, %parallel_loop3A_493 : vector<16xi32>
        %parallel_loop3A_495 = arith.andi %parallel_loop3A_489, %parallel_loop3A_494 : vector<16xi1>
        %parallel_loop3A_496 = arith.constant 1 : i32
        %parallel_loop3A_497 = vector.broadcast %parallel_loop3A_496 : i32 to vector<16xi32>
        %parallel_loop3A_498 = arith.subi %parallel_loop3A_471, %parallel_loop3A_497 : vector<16xi32>
        %parallel_loop3A_499 = arith.select %parallel_loop3A_495, %parallel_loop3A_498, %parallel_loop3A_471 : vector<16xi1>, vector<16xi32>
        %parallel_loop3A_500 = arith.constant 4 : i32
        %parallel_loop3A_501 = vector.broadcast %parallel_loop3A_500 : i32 to vector<16xi32>
        %parallel_loop3A_502 = arith.addi %parallel_loop3A_499, %parallel_loop3A_501 : vector<16xi32>
        %parallel_loop3A_503 = arith.constant 0 : i32
        %parallel_loop3A_504 = arith.addi %parallel_loop3A_503, %parallel_loop3A_364 : i32
        %parallel_loop3A_505 = arith.index_cast %parallel_loop3A_504 : i32 to index
        %parallel_loop3A_506 = arith.constant 32 : index
        %parallel_loop3A_507 = tpu.vector_load %arg8[%parallel_loop3A_505, %parallel_loop3A_506] {strides = array<i32>} : memref<256x64xf32, #tpu.memory_space<vmem>>, vector<16xf32>,
        %parallel_loop3A_508 = arith.addf %parallel_loop3A_507, %get3A_180 : vector<16xf32>
        tpu.vector_store_idx %arg10[%parallel_loop3A_502, %parallel_loop3A_388, %parallel_loop3A_366], %parallel_loop3A_508 : memref<16x8x129xf32, #tpu.memory_space<vmem>>[vector<16xi32>, vector<16xi32>, vector<16xi32>], vector<16xf32>,
        %parallel_loop3A_509 = arith.constant 8 : i32
        %parallel_loop3A_510 = vector.broadcast %parallel_loop3A_509 : i32 to vector<16xi32>
        %parallel_loop3A_511 = arith.divsi %parallel_loop3A_365, %parallel_loop3A_510 : vector<16xi32>
        %parallel_loop3A_512 = arith.constant 0 : i32
        %parallel_loop3A_513 = vector.broadcast %parallel_loop3A_512 : i32 to vector<16xi32>
        %parallel_loop3A_514 = arith.cmpi sgt, %parallel_loop3A_365, %parallel_loop3A_513 : vector<16xi32>
        %parallel_loop3A_515 = arith.extui %parallel_loop3A_514 : vector<16xi1> to vector<16xi32>
        %parallel_loop3A_516 = arith.constant 0 : i32
        %parallel_loop3A_517 = vector.broadcast %parallel_loop3A_516 : i32 to vector<16xi32>
        %parallel_loop3A_518 = arith.cmpi slt, %parallel_loop3A_365, %parallel_loop3A_517 : vector<16xi32>
        %parallel_loop3A_519 = arith.extui %parallel_loop3A_518 : vector<16xi1> to vector<16xi32>
        %parallel_loop3A_520 = arith.subi %parallel_loop3A_515, %parallel_loop3A_519 : vector<16xi32>
        %parallel_loop3A_521 = arith.constant 0 : i32
        %parallel_loop3A_522 = arith.cmpi sgt, %parallel_loop3A_509, %parallel_loop3A_521 : i32
        %parallel_loop3A_523 = arith.extui %parallel_loop3A_522 : i1 to i32
        %parallel_loop3A_524 = arith.constant 0 : i32
        %parallel_loop3A_525 = arith.cmpi slt, %parallel_loop3A_509, %parallel_loop3A_524 : i32
        %parallel_loop3A_526 = arith.extui %parallel_loop3A_525 : i1 to i32
        %parallel_loop3A_527 = arith.subi %parallel_loop3A_523, %parallel_loop3A_526 : i32
        %parallel_loop3A_528 = vector.broadcast %parallel_loop3A_527 : i32 to vector<16xi32>
        %parallel_loop3A_529 = arith.cmpi ne, %parallel_loop3A_520, %parallel_loop3A_528 : vector<16xi32>
        %parallel_loop3A_530 = vector.broadcast %parallel_loop3A_509 : i32 to vector<16xi32>
        %parallel_loop3A_531 = arith.remsi %parallel_loop3A_365, %parallel_loop3A_530 : vector<16xi32>
        %parallel_loop3A_532 = arith.constant 0 : i32
        %parallel_loop3A_533 = vector.broadcast %parallel_loop3A_532 : i32 to vector<16xi32>
        %parallel_loop3A_534 = arith.cmpi ne, %parallel_loop3A_531, %parallel_loop3A_533 : vector<16xi32>
        %parallel_loop3A_535 = arith.andi %parallel_loop3A_529, %parallel_loop3A_534 : vector<16xi1>
        %parallel_loop3A_536 = arith.constant 1 : i32
        %parallel_loop3A_537 = vector.broadcast %parallel_loop3A_536 : i32 to vector<16xi32>
        %parallel_loop3A_538 = arith.subi %parallel_loop3A_511, %parallel_loop3A_537 : vector<16xi32>
        %parallel_loop3A_539 = arith.select %parallel_loop3A_535, %parallel_loop3A_538, %parallel_loop3A_511 : vector<16xi1>, vector<16xi32>
        %parallel_loop3A_540 = arith.constant 6 : i32
        %parallel_loop3A_541 = vector.broadcast %parallel_loop3A_540 : i32 to vector<16xi32>
        %parallel_loop3A_542 = arith.addi %parallel_loop3A_539, %parallel_loop3A_541 : vector<16xi32>
        %parallel_loop3A_543 = arith.constant 0 : i32
        %parallel_loop3A_544 = arith.addi %parallel_loop3A_543, %parallel_loop3A_364 : i32
        %parallel_loop3A_545 = arith.index_cast %parallel_loop3A_544 : i32 to index
        %parallel_loop3A_546 = arith.constant 48 : index
        %parallel_loop3A_547 = tpu.vector_load %arg8[%parallel_loop3A_545, %parallel_loop3A_546] {strides = array<i32>} : memref<256x64xf32, #tpu.memory_space<vmem>>, vector<16xf32>,
        %parallel_loop3A_548 = arith.addf %parallel_loop3A_547, %get3A_183 : vector<16xf32>
        tpu.vector_store_idx %arg10[%parallel_loop3A_542, %parallel_loop3A_388, %parallel_loop3A_366], %parallel_loop3A_548 : memref<16x8x129xf32, #tpu.memory_space<vmem>>[vector<16xi32>, vector<16xi32>, vector<16xi32>], vector<16xf32>,
      } {sc.loop_unroll_factor = 4 : i64, sc.parallel_access}
      %mul3A_186 = arith.constant 2 : i32
      %mul3A_187 = arith.muli %mul3A_114, %mul3A_186 : i32
      %add3A_188 = arith.constant 1 : i32
      %add3A_189 = arith.addi %mul3A_187, %add3A_188 : i32
      %get3A_190 = arith.index_cast %add3A_189 : i32 to index
      %get3A_191 = arith.constant 0 : index
      %get3A_192 = tpu.vector_load %arg6[%get3A_190, %get3A_191] {strides = array<i32>} : memref<200x64xf32, #tpu.memory_space<vmem>>, vector<16xf32>,
      %get3A_193 = arith.index_cast %add3A_189 : i32 to index
      %get3A_194 = arith.constant 16 : index
      %get3A_195 = tpu.vector_load %arg6[%get3A_193, %get3A_194] {strides = array<i32>} : memref<200x64xf32, #tpu.memory_space<vmem>>, vector<16xf32>,
      %get3A_196 = arith.index_cast %add3A_189 : i32 to index
      %get3A_197 = arith.constant 32 : index
      %get3A_198 = tpu.vector_load %arg6[%get3A_196, %get3A_197] {strides = array<i32>} : memref<200x64xf32, #tpu.memory_space<vmem>>, vector<16xf32>,
      %get3A_199 = arith.index_cast %add3A_189 : i32 to index
      %get3A_200 = arith.constant 48 : index
      %get3A_201 = tpu.vector_load %arg6[%get3A_199, %get3A_200] {strides = array<i32>} : memref<200x64xf32, #tpu.memory_space<vmem>>, vector<16xf32>,
      %parallel_loop3A_202 = arith.constant 0 : i32
      %parallel_loop3A_203 = arith.constant 128 : i32
      %parallel_loop3A_204 = arith.constant 1 : i32
      scf.for %parallel_loop3A_364 = %parallel_loop3A_202 to %parallel_loop3A_203 step %parallel_loop3A_204  : i32 {
        %parallel_loop3A_365 = tpu.iota {dimensions = array<i32: 0>} : vector<16xi32>
        %parallel_loop3A_366 = vector.broadcast %parallel_loop3A_364 : i32 to vector<16xi32>
        %parallel_loop3A_367 = arith.constant 8 : i32
        %parallel_loop3A_368 = arith.constant 0 : i32
        %parallel_loop3A_369 = arith.cmpi eq, %parallel_loop3A_367, %parallel_loop3A_368 : i32
        %parallel_loop3A_370 = arith.constant 1 : i32
        %parallel_loop3A_371 = arith.select %parallel_loop3A_369, %parallel_loop3A_370, %parallel_loop3A_367 : i32
        %parallel_loop3A_372 = vector.broadcast %parallel_loop3A_371 : i32 to vector<16xi32>
        %parallel_loop3A_373 = arith.remsi %parallel_loop3A_365, %parallel_loop3A_372 : vector<16xi32>
        %parallel_loop3A_374 = arith.constant 0 : i32
        %parallel_loop3A_375 = vector.broadcast %parallel_loop3A_374 : i32 to vector<16xi32>
        %parallel_loop3A_376 = arith.cmpi ne, %parallel_loop3A_373, %parallel_loop3A_375 : vector<16xi32>
        %parallel_loop3A_377 = arith.constant 0 : i32
        %parallel_loop3A_378 = vector.broadcast %parallel_loop3A_377 : i32 to vector<16xi32>
        %parallel_loop3A_379 = arith.cmpi slt, %parallel_loop3A_373, %parallel_loop3A_378 : vector<16xi32>
        %parallel_loop3A_380 = arith.constant 0 : i32
        %parallel_loop3A_381 = arith.cmpi slt, %parallel_loop3A_371, %parallel_loop3A_380 : i32
        %parallel_loop3A_382 = vector.broadcast %parallel_loop3A_381 : i1 to vector<16xi1>
        %parallel_loop3A_383 = vector.broadcast %parallel_loop3A_382 : vector<16xi1> to vector<16xi1>
        %parallel_loop3A_384 = arith.xori %parallel_loop3A_379, %parallel_loop3A_383 : vector<16xi1>
        %parallel_loop3A_385 = arith.andi %parallel_loop3A_384, %parallel_loop3A_376 : vector<16xi1>
        %parallel_loop3A_386 = vector.broadcast %parallel_loop3A_371 : i32 to vector<16xi32>
        %parallel_loop3A_387 = arith.addi %parallel_loop3A_373, %parallel_loop3A_386 : vector<16xi32>
        %parallel_loop3A_388 = arith.select %parallel_loop3A_385, %parallel_loop3A_387, %parallel_loop3A_373 : vector<16xi1>, vector<16xi32>
        %parallel_loop3A_389 = arith.constant 8 : i32
        %parallel_loop3A_390 = vector.broadcast %parallel_loop3A_389 : i32 to vector<16xi32>
        %parallel_loop3A_391 = arith.divsi %parallel_loop3A_365, %parallel_loop3A_390 : vector<16xi32>
        %parallel_loop3A_392 = arith.constant 0 : i32
        %parallel_loop3A_393 = vector.broadcast %parallel_loop3A_392 : i32 to vector<16xi32>
        %parallel_loop3A_394 = arith.cmpi sgt, %parallel_loop3A_365, %parallel_loop3A_393 : vector<16xi32>
        %parallel_loop3A_395 = arith.extui %parallel_loop3A_394 : vector<16xi1> to vector<16xi32>
        %parallel_loop3A_396 = arith.constant 0 : i32
        %parallel_loop3A_397 = vector.broadcast %parallel_loop3A_396 : i32 to vector<16xi32>
        %parallel_loop3A_398 = arith.cmpi slt, %parallel_loop3A_365, %parallel_loop3A_397 : vector<16xi32>
        %parallel_loop3A_399 = arith.extui %parallel_loop3A_398 : vector<16xi1> to vector<16xi32>
        %parallel_loop3A_400 = arith.subi %parallel_loop3A_395, %parallel_loop3A_399 : vector<16xi32>
        %parallel_loop3A_401 = arith.constant 0 : i32
        %parallel_loop3A_402 = arith.cmpi sgt, %parallel_loop3A_389, %parallel_loop3A_401 : i32
        %parallel_loop3A_403 = arith.extui %parallel_loop3A_402 : i1 to i32
        %parallel_loop3A_404 = arith.constant 0 : i32
        %parallel_loop3A_405 = arith.cmpi slt, %parallel_loop3A_389, %parallel_loop3A_404 : i32
        %parallel_loop3A_406 = arith.extui %parallel_loop3A_405 : i1 to i32
        %parallel_loop3A_407 = arith.subi %parallel_loop3A_403, %parallel_loop3A_406 : i32
        %parallel_loop3A_408 = vector.broadcast %parallel_loop3A_407 : i32 to vector<16xi32>
        %parallel_loop3A_409 = arith.cmpi ne, %parallel_loop3A_400, %parallel_loop3A_408 : vector<16xi32>
        %parallel_loop3A_410 = vector.broadcast %parallel_loop3A_389 : i32 to vector<16xi32>
        %parallel_loop3A_411 = arith.remsi %parallel_loop3A_365, %parallel_loop3A_410 : vector<16xi32>
        %parallel_loop3A_412 = arith.constant 0 : i32
        %parallel_loop3A_413 = vector.broadcast %parallel_loop3A_412 : i32 to vector<16xi32>
        %parallel_loop3A_414 = arith.cmpi ne, %parallel_loop3A_411, %parallel_loop3A_413 : vector<16xi32>
        %parallel_loop3A_415 = arith.andi %parallel_loop3A_409, %parallel_loop3A_414 : vector<16xi1>
        %parallel_loop3A_416 = arith.constant 1 : i32
        %parallel_loop3A_417 = vector.broadcast %parallel_loop3A_416 : i32 to vector<16xi32>
        %parallel_loop3A_418 = arith.subi %parallel_loop3A_391, %parallel_loop3A_417 : vector<16xi32>
        %parallel_loop3A_419 = arith.select %parallel_loop3A_415, %parallel_loop3A_418, %parallel_loop3A_391 : vector<16xi1>, vector<16xi32>
        %parallel_loop3A_420 = arith.constant 8 : i32
        %parallel_loop3A_421 = vector.broadcast %parallel_loop3A_420 : i32 to vector<16xi32>
        %parallel_loop3A_422 = arith.addi %parallel_loop3A_419, %parallel_loop3A_421 : vector<16xi32>
        %parallel_loop3A_423 = arith.constant 128 : i32
        %parallel_loop3A_424 = arith.addi %parallel_loop3A_423, %parallel_loop3A_364 : i32
        %parallel_loop3A_425 = arith.index_cast %parallel_loop3A_424 : i32 to index
        %parallel_loop3A_426 = arith.constant 0 : index
        %parallel_loop3A_427 = tpu.vector_load %arg8[%parallel_loop3A_425, %parallel_loop3A_426] {strides = array<i32>} : memref<256x64xf32, #tpu.memory_space<vmem>>, vector<16xf32>,
        %parallel_loop3A_428 = arith.addf %parallel_loop3A_427, %get3A_192 : vector<16xf32>
        tpu.vector_store_idx %arg10[%parallel_loop3A_422, %parallel_loop3A_388, %parallel_loop3A_366], %parallel_loop3A_428 : memref<16x8x129xf32, #tpu.memory_space<vmem>>[vector<16xi32>, vector<16xi32>, vector<16xi32>], vector<16xf32>,
        %parallel_loop3A_429 = arith.constant 8 : i32
        %parallel_loop3A_430 = vector.broadcast %parallel_loop3A_429 : i32 to vector<16xi32>
        %parallel_loop3A_431 = arith.divsi %parallel_loop3A_365, %parallel_loop3A_430 : vector<16xi32>
        %parallel_loop3A_432 = arith.constant 0 : i32
        %parallel_loop3A_433 = vector.broadcast %parallel_loop3A_432 : i32 to vector<16xi32>
        %parallel_loop3A_434 = arith.cmpi sgt, %parallel_loop3A_365, %parallel_loop3A_433 : vector<16xi32>
        %parallel_loop3A_435 = arith.extui %parallel_loop3A_434 : vector<16xi1> to vector<16xi32>
        %parallel_loop3A_436 = arith.constant 0 : i32
        %parallel_loop3A_437 = vector.broadcast %parallel_loop3A_436 : i32 to vector<16xi32>
        %parallel_loop3A_438 = arith.cmpi slt, %parallel_loop3A_365, %parallel_loop3A_437 : vector<16xi32>
        %parallel_loop3A_439 = arith.extui %parallel_loop3A_438 : vector<16xi1> to vector<16xi32>
        %parallel_loop3A_440 = arith.subi %parallel_loop3A_435, %parallel_loop3A_439 : vector<16xi32>
        %parallel_loop3A_441 = arith.constant 0 : i32
        %parallel_loop3A_442 = arith.cmpi sgt, %parallel_loop3A_429, %parallel_loop3A_441 : i32
        %parallel_loop3A_443 = arith.extui %parallel_loop3A_442 : i1 to i32
        %parallel_loop3A_444 = arith.constant 0 : i32
        %parallel_loop3A_445 = arith.cmpi slt, %parallel_loop3A_429, %parallel_loop3A_444 : i32
        %parallel_loop3A_446 = arith.extui %parallel_loop3A_445 : i1 to i32
        %parallel_loop3A_447 = arith.subi %parallel_loop3A_443, %parallel_loop3A_446 : i32
        %parallel_loop3A_448 = vector.broadcast %parallel_loop3A_447 : i32 to vector<16xi32>
        %parallel_loop3A_449 = arith.cmpi ne, %parallel_loop3A_440, %parallel_loop3A_448 : vector<16xi32>
        %parallel_loop3A_450 = vector.broadcast %parallel_loop3A_429 : i32 to vector<16xi32>
        %parallel_loop3A_451 = arith.remsi %parallel_loop3A_365, %parallel_loop3A_450 : vector<16xi32>
        %parallel_loop3A_452 = arith.constant 0 : i32
        %parallel_loop3A_453 = vector.broadcast %parallel_loop3A_452 : i32 to vector<16xi32>
        %parallel_loop3A_454 = arith.cmpi ne, %parallel_loop3A_451, %parallel_loop3A_453 : vector<16xi32>
        %parallel_loop3A_455 = arith.andi %parallel_loop3A_449, %parallel_loop3A_454 : vector<16xi1>
        %parallel_loop3A_456 = arith.constant 1 : i32
        %parallel_loop3A_457 = vector.broadcast %parallel_loop3A_456 : i32 to vector<16xi32>
        %parallel_loop3A_458 = arith.subi %parallel_loop3A_431, %parallel_loop3A_457 : vector<16xi32>
        %parallel_loop3A_459 = arith.select %parallel_loop3A_455, %parallel_loop3A_458, %parallel_loop3A_431 : vector<16xi1>, vector<16xi32>
        %parallel_loop3A_460 = arith.constant 10 : i32
        %parallel_loop3A_461 = vector.broadcast %parallel_loop3A_460 : i32 to vector<16xi32>
        %parallel_loop3A_462 = arith.addi %parallel_loop3A_459, %parallel_loop3A_461 : vector<16xi32>
        %parallel_loop3A_463 = arith.constant 128 : i32
        %parallel_loop3A_464 = arith.addi %parallel_loop3A_463, %parallel_loop3A_364 : i32
        %parallel_loop3A_465 = arith.index_cast %parallel_loop3A_464 : i32 to index
        %parallel_loop3A_466 = arith.constant 16 : index
        %parallel_loop3A_467 = tpu.vector_load %arg8[%parallel_loop3A_465, %parallel_loop3A_466] {strides = array<i32>} : memref<256x64xf32, #tpu.memory_space<vmem>>, vector<16xf32>,
        %parallel_loop3A_468 = arith.addf %parallel_loop3A_467, %get3A_195 : vector<16xf32>
        tpu.vector_store_idx %arg10[%parallel_loop3A_462, %parallel_loop3A_388, %parallel_loop3A_366], %parallel_loop3A_468 : memref<16x8x129xf32, #tpu.memory_space<vmem>>[vector<16xi32>, vector<16xi32>, vector<16xi32>], vector<16xf32>,
        %parallel_loop3A_469 = arith.constant 8 : i32
        %parallel_loop3A_470 = vector.broadcast %parallel_loop3A_469 : i32 to vector<16xi32>
        %parallel_loop3A_471 = arith.divsi %parallel_loop3A_365, %parallel_loop3A_470 : vector<16xi32>
        %parallel_loop3A_472 = arith.constant 0 : i32
        %parallel_loop3A_473 = vector.broadcast %parallel_loop3A_472 : i32 to vector<16xi32>
        %parallel_loop3A_474 = arith.cmpi sgt, %parallel_loop3A_365, %parallel_loop3A_473 : vector<16xi32>
        %parallel_loop3A_475 = arith.extui %parallel_loop3A_474 : vector<16xi1> to vector<16xi32>
        %parallel_loop3A_476 = arith.constant 0 : i32
        %parallel_loop3A_477 = vector.broadcast %parallel_loop3A_476 : i32 to vector<16xi32>
        %parallel_loop3A_478 = arith.cmpi slt, %parallel_loop3A_365, %parallel_loop3A_477 : vector<16xi32>
        %parallel_loop3A_479 = arith.extui %parallel_loop3A_478 : vector<16xi1> to vector<16xi32>
        %parallel_loop3A_480 = arith.subi %parallel_loop3A_475, %parallel_loop3A_479 : vector<16xi32>
        %parallel_loop3A_481 = arith.constant 0 : i32
        %parallel_loop3A_482 = arith.cmpi sgt, %parallel_loop3A_469, %parallel_loop3A_481 : i32
        %parallel_loop3A_483 = arith.extui %parallel_loop3A_482 : i1 to i32
        %parallel_loop3A_484 = arith.constant 0 : i32
        %parallel_loop3A_485 = arith.cmpi slt, %parallel_loop3A_469, %parallel_loop3A_484 : i32
        %parallel_loop3A_486 = arith.extui %parallel_loop3A_485 : i1 to i32
        %parallel_loop3A_487 = arith.subi %parallel_loop3A_483, %parallel_loop3A_486 : i32
        %parallel_loop3A_488 = vector.broadcast %parallel_loop3A_487 : i32 to vector<16xi32>
        %parallel_loop3A_489 = arith.cmpi ne, %parallel_loop3A_480, %parallel_loop3A_488 : vector<16xi32>
        %parallel_loop3A_490 = vector.broadcast %parallel_loop3A_469 : i32 to vector<16xi32>
        %parallel_loop3A_491 = arith.remsi %parallel_loop3A_365, %parallel_loop3A_490 : vector<16xi32>
        %parallel_loop3A_492 = arith.constant 0 : i32
        %parallel_loop3A_493 = vector.broadcast %parallel_loop3A_492 : i32 to vector<16xi32>
        %parallel_loop3A_494 = arith.cmpi ne, %parallel_loop3A_491, %parallel_loop3A_493 : vector<16xi32>
        %parallel_loop3A_495 = arith.andi %parallel_loop3A_489, %parallel_loop3A_494 : vector<16xi1>
        %parallel_loop3A_496 = arith.constant 1 : i32
        %parallel_loop3A_497 = vector.broadcast %parallel_loop3A_496 : i32 to vector<16xi32>
        %parallel_loop3A_498 = arith.subi %parallel_loop3A_471, %parallel_loop3A_497 : vector<16xi32>
        %parallel_loop3A_499 = arith.select %parallel_loop3A_495, %parallel_loop3A_498, %parallel_loop3A_471 : vector<16xi1>, vector<16xi32>
        %parallel_loop3A_500 = arith.constant 12 : i32
        %parallel_loop3A_501 = vector.broadcast %parallel_loop3A_500 : i32 to vector<16xi32>
        %parallel_loop3A_502 = arith.addi %parallel_loop3A_499, %parallel_loop3A_501 : vector<16xi32>
        %parallel_loop3A_503 = arith.constant 128 : i32
        %parallel_loop3A_504 = arith.addi %parallel_loop3A_503, %parallel_loop3A_364 : i32
        %parallel_loop3A_505 = arith.index_cast %parallel_loop3A_504 : i32 to index
        %parallel_loop3A_506 = arith.constant 32 : index
        %parallel_loop3A_507 = tpu.vector_load %arg8[%parallel_loop3A_505, %parallel_loop3A_506] {strides = array<i32>} : memref<256x64xf32, #tpu.memory_space<vmem>>, vector<16xf32>,
        %parallel_loop3A_508 = arith.addf %parallel_loop3A_507, %get3A_198 : vector<16xf32>
        tpu.vector_store_idx %arg10[%parallel_loop3A_502, %parallel_loop3A_388, %parallel_loop3A_366], %parallel_loop3A_508 : memref<16x8x129xf32, #tpu.memory_space<vmem>>[vector<16xi32>, vector<16xi32>, vector<16xi32>], vector<16xf32>,
        %parallel_loop3A_509 = arith.constant 8 : i32
        %parallel_loop3A_510 = vector.broadcast %parallel_loop3A_509 : i32 to vector<16xi32>
        %parallel_loop3A_511 = arith.divsi %parallel_loop3A_365, %parallel_loop3A_510 : vector<16xi32>
        %parallel_loop3A_512 = arith.constant 0 : i32
        %parallel_loop3A_513 = vector.broadcast %parallel_loop3A_512 : i32 to vector<16xi32>
        %parallel_loop3A_514 = arith.cmpi sgt, %parallel_loop3A_365, %parallel_loop3A_513 : vector<16xi32>
        %parallel_loop3A_515 = arith.extui %parallel_loop3A_514 : vector<16xi1> to vector<16xi32>
        %parallel_loop3A_516 = arith.constant 0 : i32
        %parallel_loop3A_517 = vector.broadcast %parallel_loop3A_516 : i32 to vector<16xi32>
        %parallel_loop3A_518 = arith.cmpi slt, %parallel_loop3A_365, %parallel_loop3A_517 : vector<16xi32>
        %parallel_loop3A_519 = arith.extui %parallel_loop3A_518 : vector<16xi1> to vector<16xi32>
        %parallel_loop3A_520 = arith.subi %parallel_loop3A_515, %parallel_loop3A_519 : vector<16xi32>
        %parallel_loop3A_521 = arith.constant 0 : i32
        %parallel_loop3A_522 = arith.cmpi sgt, %parallel_loop3A_509, %parallel_loop3A_521 : i32
        %parallel_loop3A_523 = arith.extui %parallel_loop3A_522 : i1 to i32
        %parallel_loop3A_524 = arith.constant 0 : i32
        %parallel_loop3A_525 = arith.cmpi slt, %parallel_loop3A_509, %parallel_loop3A_524 : i32
        %parallel_loop3A_526 = arith.extui %parallel_loop3A_525 : i1 to i32
        %parallel_loop3A_527 = arith.subi %parallel_loop3A_523, %parallel_loop3A_526 : i32
        %parallel_loop3A_528 = vector.broadcast %parallel_loop3A_527 : i32 to vector<16xi32>
        %parallel_loop3A_529 = arith.cmpi ne, %parallel_loop3A_520, %parallel_loop3A_528 : vector<16xi32>
        %parallel_loop3A_530 = vector.broadcast %parallel_loop3A_509 : i32 to vector<16xi32>
        %parallel_loop3A_531 = arith.remsi %parallel_loop3A_365, %parallel_loop3A_530 : vector<16xi32>
        %parallel_loop3A_532 = arith.constant 0 : i32
        %parallel_loop3A_533 = vector.broadcast %parallel_loop3A_532 : i32 to vector<16xi32>
        %parallel_loop3A_534 = arith.cmpi ne, %parallel_loop3A_531, %parallel_loop3A_533 : vector<16xi32>
        %parallel_loop3A_535 = arith.andi %parallel_loop3A_529, %parallel_loop3A_534 : vector<16xi1>
        %parallel_loop3A_536 = arith.constant 1 : i32
        %parallel_loop3A_537 = vector.broadcast %parallel_loop3A_536 : i32 to vector<16xi32>
        %parallel_loop3A_538 = arith.subi %parallel_loop3A_511, %parallel_loop3A_537 : vector<16xi32>
        %parallel_loop3A_539 = arith.select %parallel_loop3A_535, %parallel_loop3A_538, %parallel_loop3A_511 : vector<16xi1>, vector<16xi32>
        %parallel_loop3A_540 = arith.constant 14 : i32
        %parallel_loop3A_541 = vector.broadcast %parallel_loop3A_540 : i32 to vector<16xi32>
        %parallel_loop3A_542 = arith.addi %parallel_loop3A_539, %parallel_loop3A_541 : vector<16xi32>
        %parallel_loop3A_543 = arith.constant 128 : i32
        %parallel_loop3A_544 = arith.addi %parallel_loop3A_543, %parallel_loop3A_364 : i32
        %parallel_loop3A_545 = arith.index_cast %parallel_loop3A_544 : i32 to index
        %parallel_loop3A_546 = arith.constant 48 : index
        %parallel_loop3A_547 = tpu.vector_load %arg8[%parallel_loop3A_545, %parallel_loop3A_546] {strides = array<i32>} : memref<256x64xf32, #tpu.memory_space<vmem>>, vector<16xf32>,
        %parallel_loop3A_548 = arith.addf %parallel_loop3A_547, %get3A_201 : vector<16xf32>
        tpu.vector_store_idx %arg10[%parallel_loop3A_542, %parallel_loop3A_388, %parallel_loop3A_366], %parallel_loop3A_548 : memref<16x8x129xf32, #tpu.memory_space<vmem>>[vector<16xi32>, vector<16xi32>, vector<16xi32>], vector<16xf32>,
      } {sc.loop_unroll_factor = 4 : i64, sc.parallel_access}
      %mul3A_205 = arith.constant 2 : i32
      %mul3A_206 = arith.muli %mul3A_114, %mul3A_205 : i32
      %add3A_207 = arith.constant 0 : i32
      %add3A_208 = arith.addi %mul3A_206, %add3A_207 : i32
      %dma_start3A_209 = arith.constant 0 : i32
      %dma_start3A_210 = arith.constant 0 : i32
      %dma_start3A_211 = arith.constant 0 : i32
      %dma_start3A_212 = tpu.memref_slice %arg10[%dma_start3A_209, %dma_start3A_210, %dma_start3A_211] : memref<16x8x129xf32, #tpu.memory_space<vmem>> -> memref<8x8x128xf32, #tpu.memory_space<vmem>>
      %dma_start3A_213 = arith.constant 0 : i32
      %dma_start3A_214 = arith.constant 0 : i32
      %dma_start3A_215 = arith.constant 0 : i32
      %dma_start3A_216 = tpu.memref_slice %arg5[%add3A_208, %dma_start3A_213, %add3A, %dma_start3A_214, %dma_start3A_215] : memref<200x8x32x8x128xf32, #tpu.memory_space<hbm>> -> memref<1x8x1x8x128xf32, #tpu.memory_space<hbm>>
      %dma_start3A_217 = tpu.memref_squeeze %dma_start3A_216 : memref<1x8x1x8x128xf32, #tpu.memory_space<hbm>> -> memref<8x8x128xf32, #tpu.memory_space<hbm>>
      %dma_start3A_218 = arith.constant 0 : i32
      %dma_start3A_219 = arith.constant 0 : i32
      %dma_start3A_220 = arith.constant 0 : i32
      %dma_start3A_221 = tpu.memref_slice %arg5[%add3A_208, %dma_start3A_218, %add3A, %dma_start3A_219, %dma_start3A_220] : memref<200x8x32x8x128xf32, #tpu.memory_space<hbm>> -> memref<1x8x1x8x128xf32, #tpu.memory_space<hbm>>
      %dma_start3A_222 = tpu.memref_squeeze %dma_start3A_221 : memref<1x8x1x8x128xf32, #tpu.memory_space<hbm>> -> memref<8x8x128xf32, #tpu.memory_space<hbm>>
      %dma_start3A_223 = arith.constant 0 : i32
      %dma_start3A_224 = arith.constant 0 : i32
      %dma_start3A_225 = arith.constant 0 : i32
      %dma_start3A_226 = tpu.memref_slice %arg10[%dma_start3A_223, %dma_start3A_224, %dma_start3A_225] : memref<16x8x129xf32, #tpu.memory_space<vmem>> -> memref<8x8x128xf32, #tpu.memory_space<vmem>>
      tpu.enqueue_dma source(%dma_start3A_226 : memref<8x8x128xf32, #tpu.memory_space<vmem>>) target(%dma_start3A_222 : memref<8x8x128xf32, #tpu.memory_space<hbm>>) target_semaphore(%arg14 : memref<!tpu.dma_semaphore, #tpu.memory_space<semaphore_mem>>)
      %mul3A_227 = arith.constant 2 : i32
      %mul3A_228 = arith.muli %mul3A_114, %mul3A_227 : i32
      %add3A_229 = arith.constant 1 : i32
      %add3A_230 = arith.addi %mul3A_228, %add3A_229 : i32
      %dma_start3A_231 = arith.constant 8 : i32
      %dma_start3A_232 = arith.constant 0 : i32
      %dma_start3A_233 = arith.constant 0 : i32
      %dma_start3A_234 = tpu.memref_slice %arg10[%dma_start3A_231, %dma_start3A_232, %dma_start3A_233] : memref<16x8x129xf32, #tpu.memory_space<vmem>> -> memref<8x8x128xf32, #tpu.memory_space<vmem>>
      %dma_start3A_235 = arith.constant 0 : i32
      %dma_start3A_236 = arith.constant 0 : i32
      %dma_start3A_237 = arith.constant 0 : i32
      %dma_start3A_238 = tpu.memref_slice %arg5[%add3A_230, %dma_start3A_235, %add3A, %dma_start3A_236, %dma_start3A_237] : memref<200x8x32x8x128xf32, #tpu.memory_space<hbm>> -> memref<1x8x1x8x128xf32, #tpu.memory_space<hbm>>
      %dma_start3A_239 = tpu.memref_squeeze %dma_start3A_238 : memref<1x8x1x8x128xf32, #tpu.memory_space<hbm>> -> memref<8x8x128xf32, #tpu.memory_space<hbm>>
      %dma_start3A_240 = arith.constant 0 : i32
      %dma_start3A_241 = arith.constant 0 : i32
      %dma_start3A_242 = arith.constant 0 : i32
      %dma_start3A_243 = tpu.memref_slice %arg5[%add3A_230, %dma_start3A_240, %add3A, %dma_start3A_241, %dma_start3A_242] : memref<200x8x32x8x128xf32, #tpu.memory_space<hbm>> -> memref<1x8x1x8x128xf32, #tpu.memory_space<hbm>>
      %dma_start3A_244 = tpu.memref_squeeze %dma_start3A_243 : memref<1x8x1x8x128xf32, #tpu.memory_space<hbm>> -> memref<8x8x128xf32, #tpu.memory_space<hbm>>
      %dma_start3A_245 = arith.constant 8 : i32
      %dma_start3A_246 = arith.constant 0 : i32
      %dma_start3A_247 = arith.constant 0 : i32
      %dma_start3A_248 = tpu.memref_slice %arg10[%dma_start3A_245, %dma_start3A_246, %dma_start3A_247] : memref<16x8x129xf32, #tpu.memory_space<vmem>> -> memref<8x8x128xf32, #tpu.memory_space<vmem>>
      tpu.enqueue_dma source(%dma_start3A_248 : memref<8x8x128xf32, #tpu.memory_space<vmem>>) target(%dma_start3A_244 : memref<8x8x128xf32, #tpu.memory_space<hbm>>) target_semaphore(%arg14 : memref<!tpu.dma_semaphore, #tpu.memory_space<semaphore_mem>>)
      %lt3A = arith.constant 49 : i32
      %lt3A_249 = arith.cmpi slt, %scan3A_112, %lt3A : i32
      %convert_element_type3A_250 = arith.extui %lt3A_249 : i1 to i32
      %cond3A_251 = arith.constant 0 : i32
      %cond3A_252 = arith.cmpi ne, %convert_element_type3A_250, %cond3A_251 : i32
      scf.if %cond3A_252 {
        %add3A_364 = arith.constant 2 : i32
        %add3A_365 = arith.addi %mul3A_114, %add3A_364 : i32
        %mul3A_366 = arith.constant 2 : i32
        %mul3A_367 = arith.muli %add3A_365, %mul3A_366 : i32
        %add3A_368 = arith.constant 0 : i32
        %add3A_369 = arith.addi %mul3A_367, %add3A_368 : i32
        %dma_start3A_370 = arith.constant 0 : i32
        %dma_start3A_371 = arith.constant 0 : i32
        %dma_start3A_372 = tpu.memref_slice %arg8[%dma_start3A_370, %dma_start3A_371] : memref<256x64xf32, #tpu.memory_space<vmem>> -> memref<128x64xf32, #tpu.memory_space<vmem>>
        %dma_start3A_373 = arith.constant 0 : i32
        %dma_start3A_374 = tpu.memref_slice %arg7[%add3A_369, %dma_start3A_373] : memref<200x128xi32, #tpu.memory_space<vmem>> -> memref<1x128xi32, #tpu.memory_space<vmem>>
        %dma_start3A_375 = tpu.memref_squeeze %dma_start3A_374 : memref<1x128xi32, #tpu.memory_space<vmem>> -> memref<128xi32, #tpu.memory_space<vmem>>
        %dma_start3A_376 = arith.constant 0 : i32
        %dma_start3A_377 = arith.constant 0 : i32
        %dma_start3A_378 = tpu.memref_slice %arg3[%dma_start3A_376, %dma_start3A_377] : memref<100000x64xf32, #tpu.memory_space<hbm>> -> memref<100000x64xf32, #tpu.memory_space<hbm>>
        tpu.enqueue_indirect_dma source(%dma_start3A_378 : memref<100000x64xf32, #tpu.memory_space<hbm>>) target(%dma_start3A_372 : memref<128x64xf32, #tpu.memory_space<vmem>>) offsets(%dma_start3A_375 : memref<128xi32, #tpu.memory_space<vmem>>) semaphore(%arg12 : memref<!tpu.dma_semaphore, #tpu.memory_space<semaphore_mem>>)
        %mul3A_379 = arith.constant 2 : i32
        %mul3A_380 = arith.muli %add3A_365, %mul3A_379 : i32
        %add3A_381 = arith.constant 1 : i32
        %add3A_382 = arith.addi %mul3A_380, %add3A_381 : i32
        %dma_start3A_383 = arith.constant 128 : i32
        %dma_start3A_384 = arith.constant 0 : i32
        %dma_start3A_385 = tpu.memref_slice %arg8[%dma_start3A_383, %dma_start3A_384] : memref<256x64xf32, #tpu.memory_space<vmem>> -> memref<128x64xf32, #tpu.memory_space<vmem>>
        %dma_start3A_386 = arith.constant 0 : i32
        %dma_start3A_387 = tpu.memref_slice %arg7[%add3A_382, %dma_start3A_386] : memref<200x128xi32, #tpu.memory_space<vmem>> -> memref<1x128xi32, #tpu.memory_space<vmem>>
        %dma_start3A_388 = tpu.memref_squeeze %dma_start3A_387 : memref<1x128xi32, #tpu.memory_space<vmem>> -> memref<128xi32, #tpu.memory_space<vmem>>
        %dma_start3A_389 = arith.constant 0 : i32
        %dma_start3A_390 = arith.constant 0 : i32
        %dma_start3A_391 = tpu.memref_slice %arg3[%dma_start3A_389, %dma_start3A_390] : memref<100000x64xf32, #tpu.memory_space<hbm>> -> memref<100000x64xf32, #tpu.memory_space<hbm>>
        tpu.enqueue_indirect_dma source(%dma_start3A_391 : memref<100000x64xf32, #tpu.memory_space<hbm>>) target(%dma_start3A_385 : memref<128x64xf32, #tpu.memory_space<vmem>>) offsets(%dma_start3A_388 : memref<128xi32, #tpu.memory_space<vmem>>) semaphore(%arg12 : memref<!tpu.dma_semaphore, #tpu.memory_space<semaphore_mem>>)
      } else {
      }
      %dma_wait3A_253 = arith.constant 0 : i32
      %dma_wait3A_254 = arith.constant 0 : i32
      %dma_wait3A_255 = arith.constant 0 : i32
      %dma_wait3A_256 = tpu.memref_slice %arg9[%dma_wait3A_254, %dma_wait3A_255] : memref<256x64xf32, #tpu.memory_space<vmem>> -> memref<128x64xf32, #tpu.memory_space<vmem>>
      %dma_wait3A_257 = arith.constant 0 : i32
      %dma_wait3A_258 = tpu.memref_slice %arg7[%dma_wait3A_253, %dma_wait3A_257] : memref<200x128xi32, #tpu.memory_space<vmem>> -> memref<1x128xi32, #tpu.memory_space<vmem>>
      %dma_wait3A_259 = tpu.memref_squeeze %dma_wait3A_258 : memref<1x128xi32, #tpu.memory_space<vmem>> -> memref<128xi32, #tpu.memory_space<vmem>>
      %dma_wait3A_260 = arith.constant 0 : i32
      %dma_wait3A_261 = arith.constant 0 : i32
      %dma_wait3A_262 = tpu.memref_slice %arg3[%dma_wait3A_260, %dma_wait3A_261] : memref<100000x64xf32, #tpu.memory_space<hbm>> -> memref<100000x64xf32, #tpu.memory_space<hbm>>
      tpu.wait_indirect_dma semaphore(%arg13 : memref<!tpu.dma_semaphore, #tpu.memory_space<semaphore_mem>>) src(%dma_wait3A_262 : memref<100000x64xf32, #tpu.memory_space<hbm>>) dst(%dma_wait3A_256 : memref<128x64xf32, #tpu.memory_space<vmem>>)
      %dma_wait3A_263 = arith.constant 0 : i32
      %dma_wait3A_264 = arith.constant 128 : i32
      %dma_wait3A_265 = arith.constant 0 : i32
      %dma_wait3A_266 = tpu.memref_slice %arg9[%dma_wait3A_264, %dma_wait3A_265] : memref<256x64xf32, #tpu.memory_space<vmem>> -> memref<128x64xf32, #tpu.memory_space<vmem>>
      %dma_wait3A_267 = arith.constant 0 : i32
      %dma_wait3A_268 = tpu.memref_slice %arg7[%dma_wait3A_263, %dma_wait3A_267] : memref<200x128xi32, #tpu.memory_space<vmem>> -> memref<1x128xi32, #tpu.memory_space<vmem>>
      %dma_wait3A_269 = tpu.memref_squeeze %dma_wait3A_268 : memref<1x128xi32, #tpu.memory_space<vmem>> -> memref<128xi32, #tpu.memory_space<vmem>>
      %dma_wait3A_270 = arith.constant 0 : i32
      %dma_wait3A_271 = arith.constant 0 : i32
      %dma_wait3A_272 = tpu.memref_slice %arg3[%dma_wait3A_270, %dma_wait3A_271] : memref<100000x64xf32, #tpu.memory_space<hbm>> -> memref<100000x64xf32, #tpu.memory_space<hbm>>
      tpu.wait_indirect_dma semaphore(%arg13 : memref<!tpu.dma_semaphore, #tpu.memory_space<semaphore_mem>>) src(%dma_wait3A_272 : memref<100000x64xf32, #tpu.memory_space<hbm>>) dst(%dma_wait3A_266 : memref<128x64xf32, #tpu.memory_space<vmem>>)
      %gt3A_273 = arith.constant 0 : i32
      %gt3A_274 = arith.cmpi sgt, %scan3A_112, %gt3A_273 : i32
      %convert_element_type3A_275 = arith.extui %gt3A_274 : i1 to i32
      %cond3A_276 = arith.constant 0 : i32
      %cond3A_277 = arith.cmpi ne, %convert_element_type3A_275, %cond3A_276 : i32
      scf.if %cond3A_277 {
        %dma_wait3A_364 = arith.constant 0 : i32
        %dma_wait3A_365 = arith.constant 0 : i32
        %dma_wait3A_366 = arith.constant 0 : i32
        %dma_wait3A_367 = arith.constant 0 : i32
        %dma_wait3A_368 = tpu.memref_slice %arg11[%dma_wait3A_365, %dma_wait3A_366, %dma_wait3A_367] : memref<16x8x129xf32, #tpu.memory_space<vmem>> -> memref<8x8x128xf32, #tpu.memory_space<vmem>>
        %dma_wait3A_369 = arith.constant 0 : i32
        %dma_wait3A_370 = arith.constant 0 : i32
        %dma_wait3A_371 = arith.constant 0 : i32
        %dma_wait3A_372 = tpu.memref_slice %arg5[%dma_wait3A_364, %dma_wait3A_369, %add3A, %dma_wait3A_370, %dma_wait3A_371] : memref<200x8x32x8x128xf32, #tpu.memory_space<hbm>> -> memref<1x8x1x8x128xf32, #tpu.memory_space<hbm>>
        %dma_wait3A_373 = tpu.memref_squeeze %dma_wait3A_372 : memref<1x8x1x8x128xf32, #tpu.memory_space<hbm>> -> memref<8x8x128xf32, #tpu.memory_space<hbm>>
        %dma_wait3A_374 = arith.constant 0 : i32
        %dma_wait3A_375 = arith.constant 0 : i32
        %dma_wait3A_376 = arith.constant 0 : i32
        %dma_wait3A_377 = tpu.memref_slice %arg5[%dma_wait3A_364, %dma_wait3A_374, %add3A, %dma_wait3A_375, %dma_wait3A_376] : memref<200x8x32x8x128xf32, #tpu.memory_space<hbm>> -> memref<1x8x1x8x128xf32, #tpu.memory_space<hbm>>
        %dma_wait3A_378 = tpu.memref_squeeze %dma_wait3A_377 : memref<1x8x1x8x128xf32, #tpu.memory_space<hbm>> -> memref<8x8x128xf32, #tpu.memory_space<hbm>>
        %dma_wait3A_379 = arith.constant 0 : i32
        %dma_wait3A_380 = arith.constant 0 : i32
        %dma_wait3A_381 = arith.constant 0 : i32
        %dma_wait3A_382 = tpu.memref_slice %arg11[%dma_wait3A_379, %dma_wait3A_380, %dma_wait3A_381] : memref<16x8x129xf32, #tpu.memory_space<vmem>> -> memref<8x8x128xf32, #tpu.memory_space<vmem>>
        tpu.wait_dma2 semaphore(%arg15 : memref<!tpu.dma_semaphore, #tpu.memory_space<semaphore_mem>>) src(%dma_wait3A_382 : memref<8x8x128xf32, #tpu.memory_space<vmem>>) dst(%dma_wait3A_378 : memref<8x8x128xf32, #tpu.memory_space<hbm>>)
        %dma_wait3A_383 = arith.constant 0 : i32
        %dma_wait3A_384 = arith.constant 8 : i32
        %dma_wait3A_385 = arith.constant 0 : i32
        %dma_wait3A_386 = arith.constant 0 : i32
        %dma_wait3A_387 = tpu.memref_slice %arg11[%dma_wait3A_384, %dma_wait3A_385, %dma_wait3A_386] : memref<16x8x129xf32, #tpu.memory_space<vmem>> -> memref<8x8x128xf32, #tpu.memory_space<vmem>>
        %dma_wait3A_388 = arith.constant 0 : i32
        %dma_wait3A_389 = arith.constant 0 : i32
        %dma_wait3A_390 = arith.constant 0 : i32
        %dma_wait3A_391 = tpu.memref_slice %arg5[%dma_wait3A_383, %dma_wait3A_388, %add3A, %dma_wait3A_389, %dma_wait3A_390] : memref<200x8x32x8x128xf32, #tpu.memory_space<hbm>> -> memref<1x8x1x8x128xf32, #tpu.memory_space<hbm>>
        %dma_wait3A_392 = tpu.memref_squeeze %dma_wait3A_391 : memref<1x8x1x8x128xf32, #tpu.memory_space<hbm>> -> memref<8x8x128xf32, #tpu.memory_space<hbm>>
        %dma_wait3A_393 = arith.constant 0 : i32
        %dma_wait3A_394 = arith.constant 0 : i32
        %dma_wait3A_395 = arith.constant 0 : i32
        %dma_wait3A_396 = tpu.memref_slice %arg5[%dma_wait3A_383, %dma_wait3A_393, %add3A, %dma_wait3A_394, %dma_wait3A_395] : memref<200x8x32x8x128xf32, #tpu.memory_space<hbm>> -> memref<1x8x1x8x128xf32, #tpu.memory_space<hbm>>
        %dma_wait3A_397 = tpu.memref_squeeze %dma_wait3A_396 : memref<1x8x1x8x128xf32, #tpu.memory_space<hbm>> -> memref<8x8x128xf32, #tpu.memory_space<hbm>>
        %dma_wait3A_398 = arith.constant 8 : i32
        %dma_wait3A_399 = arith.constant 0 : i32
        %dma_wait3A_400 = arith.constant 0 : i32
        %dma_wait3A_401 = tpu.memref_slice %arg11[%dma_wait3A_398, %dma_wait3A_399, %dma_wait3A_400] : memref<16x8x129xf32, #tpu.memory_space<vmem>> -> memref<8x8x128xf32, #tpu.memory_space<vmem>>
        tpu.wait_dma2 semaphore(%arg15 : memref<!tpu.dma_semaphore, #tpu.memory_space<semaphore_mem>>) src(%dma_wait3A_401 : memref<8x8x128xf32, #tpu.memory_space<vmem>>) dst(%dma_wait3A_397 : memref<8x8x128xf32, #tpu.memory_space<hbm>>)
      } else {
      }
      %add3A_278 = arith.constant 1 : i32
      %add3A_279 = arith.addi %mul3A_114, %add3A_278 : i32
      %mul3A_280 = arith.constant 2 : i32
      %mul3A_281 = arith.muli %add3A_279, %mul3A_280 : i32
      %add3A_282 = arith.constant 0 : i32
      %add3A_283 = arith.addi %mul3A_281, %add3A_282 : i32
      %get3A_284 = arith.index_cast %add3A_283 : i32 to index
      %get3A_285 = arith.constant 0 : index
      %get3A_286 = tpu.vector_load %arg6[%get3A_284, %get3A_285] {strides = array<i32>} : memref<200x64xf32, #tpu.memory_space<vmem>>, vector<16xf32>,
      %get3A_287 = arith.index_cast %add3A_283 : i32 to index
      %get3A_288 = arith.constant 16 : index
      %get3A_289 = tpu.vector_load %arg6[%get3A_287, %get3A_288] {strides = array<i32>} : memref<200x64xf32, #tpu.memory_space<vmem>>, vector<16xf32>,
      %get3A_290 = arith.index_cast %add3A_283 : i32 to index
      %get3A_291 = arith.constant 32 : index
      %get3A_292 = tpu.vector_load %arg6[%get3A_290, %get3A_291] {strides = array<i32>} : memref<200x64xf32, #tpu.memory_space<vmem>>, vector<16xf32>,
      %get3A_293 = arith.index_cast %add3A_283 : i32 to index
      %get3A_294 = arith.constant 48 : index
      %get3A_295 = tpu.vector_load %arg6[%get3A_293, %get3A_294] {strides = array<i32>} : memref<200x64xf32, #tpu.memory_space<vmem>>, vector<16xf32>,
      %parallel_loop3A_296 = arith.constant 0 : i32
      %parallel_loop3A_297 = arith.constant 128 : i32
      %parallel_loop3A_298 = arith.constant 1 : i32
      scf.for %parallel_loop3A_364 = %parallel_loop3A_296 to %parallel_loop3A_297 step %parallel_loop3A_298  : i32 {
        %parallel_loop3A_365 = tpu.iota {dimensions = array<i32: 0>} : vector<16xi32>
        %parallel_loop3A_366 = vector.broadcast %parallel_loop3A_364 : i32 to vector<16xi32>
        %parallel_loop3A_367 = arith.constant 8 : i32
        %parallel_loop3A_368 = arith.constant 0 : i32
        %parallel_loop3A_369 = arith.cmpi eq, %parallel_loop3A_367, %parallel_loop3A_368 : i32
        %parallel_loop3A_370 = arith.constant 1 : i32
        %parallel_loop3A_371 = arith.select %parallel_loop3A_369, %parallel_loop3A_370, %parallel_loop3A_367 : i32
        %parallel_loop3A_372 = vector.broadcast %parallel_loop3A_371 : i32 to vector<16xi32>
        %parallel_loop3A_373 = arith.remsi %parallel_loop3A_365, %parallel_loop3A_372 : vector<16xi32>
        %parallel_loop3A_374 = arith.constant 0 : i32
        %parallel_loop3A_375 = vector.broadcast %parallel_loop3A_374 : i32 to vector<16xi32>
        %parallel_loop3A_376 = arith.cmpi ne, %parallel_loop3A_373, %parallel_loop3A_375 : vector<16xi32>
        %parallel_loop3A_377 = arith.constant 0 : i32
        %parallel_loop3A_378 = vector.broadcast %parallel_loop3A_377 : i32 to vector<16xi32>
        %parallel_loop3A_379 = arith.cmpi slt, %parallel_loop3A_373, %parallel_loop3A_378 : vector<16xi32>
        %parallel_loop3A_380 = arith.constant 0 : i32
        %parallel_loop3A_381 = arith.cmpi slt, %parallel_loop3A_371, %parallel_loop3A_380 : i32
        %parallel_loop3A_382 = vector.broadcast %parallel_loop3A_381 : i1 to vector<16xi1>
        %parallel_loop3A_383 = vector.broadcast %parallel_loop3A_382 : vector<16xi1> to vector<16xi1>
        %parallel_loop3A_384 = arith.xori %parallel_loop3A_379, %parallel_loop3A_383 : vector<16xi1>
        %parallel_loop3A_385 = arith.andi %parallel_loop3A_384, %parallel_loop3A_376 : vector<16xi1>
        %parallel_loop3A_386 = vector.broadcast %parallel_loop3A_371 : i32 to vector<16xi32>
        %parallel_loop3A_387 = arith.addi %parallel_loop3A_373, %parallel_loop3A_386 : vector<16xi32>
        %parallel_loop3A_388 = arith.select %parallel_loop3A_385, %parallel_loop3A_387, %parallel_loop3A_373 : vector<16xi1>, vector<16xi32>
        %parallel_loop3A_389 = arith.constant 8 : i32
        %parallel_loop3A_390 = vector.broadcast %parallel_loop3A_389 : i32 to vector<16xi32>
        %parallel_loop3A_391 = arith.divsi %parallel_loop3A_365, %parallel_loop3A_390 : vector<16xi32>
        %parallel_loop3A_392 = arith.constant 0 : i32
        %parallel_loop3A_393 = vector.broadcast %parallel_loop3A_392 : i32 to vector<16xi32>
        %parallel_loop3A_394 = arith.cmpi sgt, %parallel_loop3A_365, %parallel_loop3A_393 : vector<16xi32>
        %parallel_loop3A_395 = arith.extui %parallel_loop3A_394 : vector<16xi1> to vector<16xi32>
        %parallel_loop3A_396 = arith.constant 0 : i32
        %parallel_loop3A_397 = vector.broadcast %parallel_loop3A_396 : i32 to vector<16xi32>
        %parallel_loop3A_398 = arith.cmpi slt, %parallel_loop3A_365, %parallel_loop3A_397 : vector<16xi32>
        %parallel_loop3A_399 = arith.extui %parallel_loop3A_398 : vector<16xi1> to vector<16xi32>
        %parallel_loop3A_400 = arith.subi %parallel_loop3A_395, %parallel_loop3A_399 : vector<16xi32>
        %parallel_loop3A_401 = arith.constant 0 : i32
        %parallel_loop3A_402 = arith.cmpi sgt, %parallel_loop3A_389, %parallel_loop3A_401 : i32
        %parallel_loop3A_403 = arith.extui %parallel_loop3A_402 : i1 to i32
        %parallel_loop3A_404 = arith.constant 0 : i32
        %parallel_loop3A_405 = arith.cmpi slt, %parallel_loop3A_389, %parallel_loop3A_404 : i32
        %parallel_loop3A_406 = arith.extui %parallel_loop3A_405 : i1 to i32
        %parallel_loop3A_407 = arith.subi %parallel_loop3A_403, %parallel_loop3A_406 : i32
        %parallel_loop3A_408 = vector.broadcast %parallel_loop3A_407 : i32 to vector<16xi32>
        %parallel_loop3A_409 = arith.cmpi ne, %parallel_loop3A_400, %parallel_loop3A_408 : vector<16xi32>
        %parallel_loop3A_410 = vector.broadcast %parallel_loop3A_389 : i32 to vector<16xi32>
        %parallel_loop3A_411 = arith.remsi %parallel_loop3A_365, %parallel_loop3A_410 : vector<16xi32>
        %parallel_loop3A_412 = arith.constant 0 : i32
        %parallel_loop3A_413 = vector.broadcast %parallel_loop3A_412 : i32 to vector<16xi32>
        %parallel_loop3A_414 = arith.cmpi ne, %parallel_loop3A_411, %parallel_loop3A_413 : vector<16xi32>
        %parallel_loop3A_415 = arith.andi %parallel_loop3A_409, %parallel_loop3A_414 : vector<16xi1>
        %parallel_loop3A_416 = arith.constant 1 : i32
        %parallel_loop3A_417 = vector.broadcast %parallel_loop3A_416 : i32 to vector<16xi32>
        %parallel_loop3A_418 = arith.subi %parallel_loop3A_391, %parallel_loop3A_417 : vector<16xi32>
        %parallel_loop3A_419 = arith.select %parallel_loop3A_415, %parallel_loop3A_418, %parallel_loop3A_391 : vector<16xi1>, vector<16xi32>
        %parallel_loop3A_420 = arith.constant 0 : i32
        %parallel_loop3A_421 = vector.broadcast %parallel_loop3A_420 : i32 to vector<16xi32>
        %parallel_loop3A_422 = arith.addi %parallel_loop3A_419, %parallel_loop3A_421 : vector<16xi32>
        %parallel_loop3A_423 = arith.constant 0 : i32
        %parallel_loop3A_424 = arith.addi %parallel_loop3A_423, %parallel_loop3A_364 : i32
        %parallel_loop3A_425 = arith.index_cast %parallel_loop3A_424 : i32 to index
        %parallel_loop3A_426 = arith.constant 0 : index
        %parallel_loop3A_427 = tpu.vector_load %arg9[%parallel_loop3A_425, %parallel_loop3A_426] {strides = array<i32>} : memref<256x64xf32, #tpu.memory_space<vmem>>, vector<16xf32>,
        %parallel_loop3A_428 = arith.addf %parallel_loop3A_427, %get3A_286 : vector<16xf32>
        tpu.vector_store_idx %arg11[%parallel_loop3A_422, %parallel_loop3A_388, %parallel_loop3A_366], %parallel_loop3A_428 : memref<16x8x129xf32, #tpu.memory_space<vmem>>[vector<16xi32>, vector<16xi32>, vector<16xi32>], vector<16xf32>,
        %parallel_loop3A_429 = arith.constant 8 : i32
        %parallel_loop3A_430 = vector.broadcast %parallel_loop3A_429 : i32 to vector<16xi32>
        %parallel_loop3A_431 = arith.divsi %parallel_loop3A_365, %parallel_loop3A_430 : vector<16xi32>
        %parallel_loop3A_432 = arith.constant 0 : i32
        %parallel_loop3A_433 = vector.broadcast %parallel_loop3A_432 : i32 to vector<16xi32>
        %parallel_loop3A_434 = arith.cmpi sgt, %parallel_loop3A_365, %parallel_loop3A_433 : vector<16xi32>
        %parallel_loop3A_435 = arith.extui %parallel_loop3A_434 : vector<16xi1> to vector<16xi32>
        %parallel_loop3A_436 = arith.constant 0 : i32
        %parallel_loop3A_437 = vector.broadcast %parallel_loop3A_436 : i32 to vector<16xi32>
        %parallel_loop3A_438 = arith.cmpi slt, %parallel_loop3A_365, %parallel_loop3A_437 : vector<16xi32>
        %parallel_loop3A_439 = arith.extui %parallel_loop3A_438 : vector<16xi1> to vector<16xi32>
        %parallel_loop3A_440 = arith.subi %parallel_loop3A_435, %parallel_loop3A_439 : vector<16xi32>
        %parallel_loop3A_441 = arith.constant 0 : i32
        %parallel_loop3A_442 = arith.cmpi sgt, %parallel_loop3A_429, %parallel_loop3A_441 : i32
        %parallel_loop3A_443 = arith.extui %parallel_loop3A_442 : i1 to i32
        %parallel_loop3A_444 = arith.constant 0 : i32
        %parallel_loop3A_445 = arith.cmpi slt, %parallel_loop3A_429, %parallel_loop3A_444 : i32
        %parallel_loop3A_446 = arith.extui %parallel_loop3A_445 : i1 to i32
        %parallel_loop3A_447 = arith.subi %parallel_loop3A_443, %parallel_loop3A_446 : i32
        %parallel_loop3A_448 = vector.broadcast %parallel_loop3A_447 : i32 to vector<16xi32>
        %parallel_loop3A_449 = arith.cmpi ne, %parallel_loop3A_440, %parallel_loop3A_448 : vector<16xi32>
        %parallel_loop3A_450 = vector.broadcast %parallel_loop3A_429 : i32 to vector<16xi32>
        %parallel_loop3A_451 = arith.remsi %parallel_loop3A_365, %parallel_loop3A_450 : vector<16xi32>
        %parallel_loop3A_452 = arith.constant 0 : i32
        %parallel_loop3A_453 = vector.broadcast %parallel_loop3A_452 : i32 to vector<16xi32>
        %parallel_loop3A_454 = arith.cmpi ne, %parallel_loop3A_451, %parallel_loop3A_453 : vector<16xi32>
        %parallel_loop3A_455 = arith.andi %parallel_loop3A_449, %parallel_loop3A_454 : vector<16xi1>
        %parallel_loop3A_456 = arith.constant 1 : i32
        %parallel_loop3A_457 = vector.broadcast %parallel_loop3A_456 : i32 to vector<16xi32>
        %parallel_loop3A_458 = arith.subi %parallel_loop3A_431, %parallel_loop3A_457 : vector<16xi32>
        %parallel_loop3A_459 = arith.select %parallel_loop3A_455, %parallel_loop3A_458, %parallel_loop3A_431 : vector<16xi1>, vector<16xi32>
        %parallel_loop3A_460 = arith.constant 2 : i32
        %parallel_loop3A_461 = vector.broadcast %parallel_loop3A_460 : i32 to vector<16xi32>
        %parallel_loop3A_462 = arith.addi %parallel_loop3A_459, %parallel_loop3A_461 : vector<16xi32>
        %parallel_loop3A_463 = arith.constant 0 : i32
        %parallel_loop3A_464 = arith.addi %parallel_loop3A_463, %parallel_loop3A_364 : i32
        %parallel_loop3A_465 = arith.index_cast %parallel_loop3A_464 : i32 to index
        %parallel_loop3A_466 = arith.constant 16 : index
        %parallel_loop3A_467 = tpu.vector_load %arg9[%parallel_loop3A_465, %parallel_loop3A_466] {strides = array<i32>} : memref<256x64xf32, #tpu.memory_space<vmem>>, vector<16xf32>,
        %parallel_loop3A_468 = arith.addf %parallel_loop3A_467, %get3A_289 : vector<16xf32>
        tpu.vector_store_idx %arg11[%parallel_loop3A_462, %parallel_loop3A_388, %parallel_loop3A_366], %parallel_loop3A_468 : memref<16x8x129xf32, #tpu.memory_space<vmem>>[vector<16xi32>, vector<16xi32>, vector<16xi32>], vector<16xf32>,
        %parallel_loop3A_469 = arith.constant 8 : i32
        %parallel_loop3A_470 = vector.broadcast %parallel_loop3A_469 : i32 to vector<16xi32>
        %parallel_loop3A_471 = arith.divsi %parallel_loop3A_365, %parallel_loop3A_470 : vector<16xi32>
        %parallel_loop3A_472 = arith.constant 0 : i32
        %parallel_loop3A_473 = vector.broadcast %parallel_loop3A_472 : i32 to vector<16xi32>
        %parallel_loop3A_474 = arith.cmpi sgt, %parallel_loop3A_365, %parallel_loop3A_473 : vector<16xi32>
        %parallel_loop3A_475 = arith.extui %parallel_loop3A_474 : vector<16xi1> to vector<16xi32>
        %parallel_loop3A_476 = arith.constant 0 : i32
        %parallel_loop3A_477 = vector.broadcast %parallel_loop3A_476 : i32 to vector<16xi32>
        %parallel_loop3A_478 = arith.cmpi slt, %parallel_loop3A_365, %parallel_loop3A_477 : vector<16xi32>
        %parallel_loop3A_479 = arith.extui %parallel_loop3A_478 : vector<16xi1> to vector<16xi32>
        %parallel_loop3A_480 = arith.subi %parallel_loop3A_475, %parallel_loop3A_479 : vector<16xi32>
        %parallel_loop3A_481 = arith.constant 0 : i32
        %parallel_loop3A_482 = arith.cmpi sgt, %parallel_loop3A_469, %parallel_loop3A_481 : i32
        %parallel_loop3A_483 = arith.extui %parallel_loop3A_482 : i1 to i32
        %parallel_loop3A_484 = arith.constant 0 : i32
        %parallel_loop3A_485 = arith.cmpi slt, %parallel_loop3A_469, %parallel_loop3A_484 : i32
        %parallel_loop3A_486 = arith.extui %parallel_loop3A_485 : i1 to i32
        %parallel_loop3A_487 = arith.subi %parallel_loop3A_483, %parallel_loop3A_486 : i32
        %parallel_loop3A_488 = vector.broadcast %parallel_loop3A_487 : i32 to vector<16xi32>
        %parallel_loop3A_489 = arith.cmpi ne, %parallel_loop3A_480, %parallel_loop3A_488 : vector<16xi32>
        %parallel_loop3A_490 = vector.broadcast %parallel_loop3A_469 : i32 to vector<16xi32>
        %parallel_loop3A_491 = arith.remsi %parallel_loop3A_365, %parallel_loop3A_490 : vector<16xi32>
        %parallel_loop3A_492 = arith.constant 0 : i32
        %parallel_loop3A_493 = vector.broadcast %parallel_loop3A_492 : i32 to vector<16xi32>
        %parallel_loop3A_494 = arith.cmpi ne, %parallel_loop3A_491, %parallel_loop3A_493 : vector<16xi32>
        %parallel_loop3A_495 = arith.andi %parallel_loop3A_489, %parallel_loop3A_494 : vector<16xi1>
        %parallel_loop3A_496 = arith.constant 1 : i32
        %parallel_loop3A_497 = vector.broadcast %parallel_loop3A_496 : i32 to vector<16xi32>
        %parallel_loop3A_498 = arith.subi %parallel_loop3A_471, %parallel_loop3A_497 : vector<16xi32>
        %parallel_loop3A_499 = arith.select %parallel_loop3A_495, %parallel_loop3A_498, %parallel_loop3A_471 : vector<16xi1>, vector<16xi32>
        %parallel_loop3A_500 = arith.constant 4 : i32
        %parallel_loop3A_501 = vector.broadcast %parallel_loop3A_500 : i32 to vector<16xi32>
        %parallel_loop3A_502 = arith.addi %parallel_loop3A_499, %parallel_loop3A_501 : vector<16xi32>
        %parallel_loop3A_503 = arith.constant 0 : i32
        %parallel_loop3A_504 = arith.addi %parallel_loop3A_503, %parallel_loop3A_364 : i32
        %parallel_loop3A_505 = arith.index_cast %parallel_loop3A_504 : i32 to index
        %parallel_loop3A_506 = arith.constant 32 : index
        %parallel_loop3A_507 = tpu.vector_load %arg9[%parallel_loop3A_505, %parallel_loop3A_506] {strides = array<i32>} : memref<256x64xf32, #tpu.memory_space<vmem>>, vector<16xf32>,
        %parallel_loop3A_508 = arith.addf %parallel_loop3A_507, %get3A_292 : vector<16xf32>
        tpu.vector_store_idx %arg11[%parallel_loop3A_502, %parallel_loop3A_388, %parallel_loop3A_366], %parallel_loop3A_508 : memref<16x8x129xf32, #tpu.memory_space<vmem>>[vector<16xi32>, vector<16xi32>, vector<16xi32>], vector<16xf32>,
        %parallel_loop3A_509 = arith.constant 8 : i32
        %parallel_loop3A_510 = vector.broadcast %parallel_loop3A_509 : i32 to vector<16xi32>
        %parallel_loop3A_511 = arith.divsi %parallel_loop3A_365, %parallel_loop3A_510 : vector<16xi32>
        %parallel_loop3A_512 = arith.constant 0 : i32
        %parallel_loop3A_513 = vector.broadcast %parallel_loop3A_512 : i32 to vector<16xi32>
        %parallel_loop3A_514 = arith.cmpi sgt, %parallel_loop3A_365, %parallel_loop3A_513 : vector<16xi32>
        %parallel_loop3A_515 = arith.extui %parallel_loop3A_514 : vector<16xi1> to vector<16xi32>
        %parallel_loop3A_516 = arith.constant 0 : i32
        %parallel_loop3A_517 = vector.broadcast %parallel_loop3A_516 : i32 to vector<16xi32>
        %parallel_loop3A_518 = arith.cmpi slt, %parallel_loop3A_365, %parallel_loop3A_517 : vector<16xi32>
        %parallel_loop3A_519 = arith.extui %parallel_loop3A_518 : vector<16xi1> to vector<16xi32>
        %parallel_loop3A_520 = arith.subi %parallel_loop3A_515, %parallel_loop3A_519 : vector<16xi32>
        %parallel_loop3A_521 = arith.constant 0 : i32
        %parallel_loop3A_522 = arith.cmpi sgt, %parallel_loop3A_509, %parallel_loop3A_521 : i32
        %parallel_loop3A_523 = arith.extui %parallel_loop3A_522 : i1 to i32
        %parallel_loop3A_524 = arith.constant 0 : i32
        %parallel_loop3A_525 = arith.cmpi slt, %parallel_loop3A_509, %parallel_loop3A_524 : i32
        %parallel_loop3A_526 = arith.extui %parallel_loop3A_525 : i1 to i32
        %parallel_loop3A_527 = arith.subi %parallel_loop3A_523, %parallel_loop3A_526 : i32
        %parallel_loop3A_528 = vector.broadcast %parallel_loop3A_527 : i32 to vector<16xi32>
        %parallel_loop3A_529 = arith.cmpi ne, %parallel_loop3A_520, %parallel_loop3A_528 : vector<16xi32>
        %parallel_loop3A_530 = vector.broadcast %parallel_loop3A_509 : i32 to vector<16xi32>
        %parallel_loop3A_531 = arith.remsi %parallel_loop3A_365, %parallel_loop3A_530 : vector<16xi32>
        %parallel_loop3A_532 = arith.constant 0 : i32
        %parallel_loop3A_533 = vector.broadcast %parallel_loop3A_532 : i32 to vector<16xi32>
        %parallel_loop3A_534 = arith.cmpi ne, %parallel_loop3A_531, %parallel_loop3A_533 : vector<16xi32>
        %parallel_loop3A_535 = arith.andi %parallel_loop3A_529, %parallel_loop3A_534 : vector<16xi1>
        %parallel_loop3A_536 = arith.constant 1 : i32
        %parallel_loop3A_537 = vector.broadcast %parallel_loop3A_536 : i32 to vector<16xi32>
        %parallel_loop3A_538 = arith.subi %parallel_loop3A_511, %parallel_loop3A_537 : vector<16xi32>
        %parallel_loop3A_539 = arith.select %parallel_loop3A_535, %parallel_loop3A_538, %parallel_loop3A_511 : vector<16xi1>, vector<16xi32>
        %parallel_loop3A_540 = arith.constant 6 : i32
        %parallel_loop3A_541 = vector.broadcast %parallel_loop3A_540 : i32 to vector<16xi32>
        %parallel_loop3A_542 = arith.addi %parallel_loop3A_539, %parallel_loop3A_541 : vector<16xi32>
        %parallel_loop3A_543 = arith.constant 0 : i32
        %parallel_loop3A_544 = arith.addi %parallel_loop3A_543, %parallel_loop3A_364 : i32
        %parallel_loop3A_545 = arith.index_cast %parallel_loop3A_544 : i32 to index
        %parallel_loop3A_546 = arith.constant 48 : index
        %parallel_loop3A_547 = tpu.vector_load %arg9[%parallel_loop3A_545, %parallel_loop3A_546] {strides = array<i32>} : memref<256x64xf32, #tpu.memory_space<vmem>>, vector<16xf32>,
        %parallel_loop3A_548 = arith.addf %parallel_loop3A_547, %get3A_295 : vector<16xf32>
        tpu.vector_store_idx %arg11[%parallel_loop3A_542, %parallel_loop3A_388, %parallel_loop3A_366], %parallel_loop3A_548 : memref<16x8x129xf32, #tpu.memory_space<vmem>>[vector<16xi32>, vector<16xi32>, vector<16xi32>], vector<16xf32>,
      } {sc.loop_unroll_factor = 4 : i64, sc.parallel_access}
      %mul3A_299 = arith.constant 2 : i32
      %mul3A_300 = arith.muli %add3A_279, %mul3A_299 : i32
      %add3A_301 = arith.constant 1 : i32
      %add3A_302 = arith.addi %mul3A_300, %add3A_301 : i32
      %get3A_303 = arith.index_cast %add3A_302 : i32 to index
      %get3A_304 = arith.constant 0 : index
      %get3A_305 = tpu.vector_load %arg6[%get3A_303, %get3A_304] {strides = array<i32>} : memref<200x64xf32, #tpu.memory_space<vmem>>, vector<16xf32>,
      %get3A_306 = arith.index_cast %add3A_302 : i32 to index
      %get3A_307 = arith.constant 16 : index
      %get3A_308 = tpu.vector_load %arg6[%get3A_306, %get3A_307] {strides = array<i32>} : memref<200x64xf32, #tpu.memory_space<vmem>>, vector<16xf32>,
      %get3A_309 = arith.index_cast %add3A_302 : i32 to index
      %get3A_310 = arith.constant 32 : index
      %get3A_311 = tpu.vector_load %arg6[%get3A_309, %get3A_310] {strides = array<i32>} : memref<200x64xf32, #tpu.memory_space<vmem>>, vector<16xf32>,
      %get3A_312 = arith.index_cast %add3A_302 : i32 to index
      %get3A_313 = arith.constant 48 : index
      %get3A_314 = tpu.vector_load %arg6[%get3A_312, %get3A_313] {strides = array<i32>} : memref<200x64xf32, #tpu.memory_space<vmem>>, vector<16xf32>,
      %parallel_loop3A_315 = arith.constant 0 : i32
      %parallel_loop3A_316 = arith.constant 128 : i32
      %parallel_loop3A_317 = arith.constant 1 : i32
      scf.for %parallel_loop3A_364 = %parallel_loop3A_315 to %parallel_loop3A_316 step %parallel_loop3A_317  : i32 {
        %parallel_loop3A_365 = tpu.iota {dimensions = array<i32: 0>} : vector<16xi32>
        %parallel_loop3A_366 = vector.broadcast %parallel_loop3A_364 : i32 to vector<16xi32>
        %parallel_loop3A_367 = arith.constant 8 : i32
        %parallel_loop3A_368 = arith.constant 0 : i32
        %parallel_loop3A_369 = arith.cmpi eq, %parallel_loop3A_367, %parallel_loop3A_368 : i32
        %parallel_loop3A_370 = arith.constant 1 : i32
        %parallel_loop3A_371 = arith.select %parallel_loop3A_369, %parallel_loop3A_370, %parallel_loop3A_367 : i32
        %parallel_loop3A_372 = vector.broadcast %parallel_loop3A_371 : i32 to vector<16xi32>
        %parallel_loop3A_373 = arith.remsi %parallel_loop3A_365, %parallel_loop3A_372 : vector<16xi32>
        %parallel_loop3A_374 = arith.constant 0 : i32
        %parallel_loop3A_375 = vector.broadcast %parallel_loop3A_374 : i32 to vector<16xi32>
        %parallel_loop3A_376 = arith.cmpi ne, %parallel_loop3A_373, %parallel_loop3A_375 : vector<16xi32>
        %parallel_loop3A_377 = arith.constant 0 : i32
        %parallel_loop3A_378 = vector.broadcast %parallel_loop3A_377 : i32 to vector<16xi32>
        %parallel_loop3A_379 = arith.cmpi slt, %parallel_loop3A_373, %parallel_loop3A_378 : vector<16xi32>
        %parallel_loop3A_380 = arith.constant 0 : i32
        %parallel_loop3A_381 = arith.cmpi slt, %parallel_loop3A_371, %parallel_loop3A_380 : i32
        %parallel_loop3A_382 = vector.broadcast %parallel_loop3A_381 : i1 to vector<16xi1>
        %parallel_loop3A_383 = vector.broadcast %parallel_loop3A_382 : vector<16xi1> to vector<16xi1>
        %parallel_loop3A_384 = arith.xori %parallel_loop3A_379, %parallel_loop3A_383 : vector<16xi1>
        %parallel_loop3A_385 = arith.andi %parallel_loop3A_384, %parallel_loop3A_376 : vector<16xi1>
        %parallel_loop3A_386 = vector.broadcast %parallel_loop3A_371 : i32 to vector<16xi32>
        %parallel_loop3A_387 = arith.addi %parallel_loop3A_373, %parallel_loop3A_386 : vector<16xi32>
        %parallel_loop3A_388 = arith.select %parallel_loop3A_385, %parallel_loop3A_387, %parallel_loop3A_373 : vector<16xi1>, vector<16xi32>
        %parallel_loop3A_389 = arith.constant 8 : i32
        %parallel_loop3A_390 = vector.broadcast %parallel_loop3A_389 : i32 to vector<16xi32>
        %parallel_loop3A_391 = arith.divsi %parallel_loop3A_365, %parallel_loop3A_390 : vector<16xi32>
        %parallel_loop3A_392 = arith.constant 0 : i32
        %parallel_loop3A_393 = vector.broadcast %parallel_loop3A_392 : i32 to vector<16xi32>
        %parallel_loop3A_394 = arith.cmpi sgt, %parallel_loop3A_365, %parallel_loop3A_393 : vector<16xi32>
        %parallel_loop3A_395 = arith.extui %parallel_loop3A_394 : vector<16xi1> to vector<16xi32>
        %parallel_loop3A_396 = arith.constant 0 : i32
        %parallel_loop3A_397 = vector.broadcast %parallel_loop3A_396 : i32 to vector<16xi32>
        %parallel_loop3A_398 = arith.cmpi slt, %parallel_loop3A_365, %parallel_loop3A_397 : vector<16xi32>
        %parallel_loop3A_399 = arith.extui %parallel_loop3A_398 : vector<16xi1> to vector<16xi32>
        %parallel_loop3A_400 = arith.subi %parallel_loop3A_395, %parallel_loop3A_399 : vector<16xi32>
        %parallel_loop3A_401 = arith.constant 0 : i32
        %parallel_loop3A_402 = arith.cmpi sgt, %parallel_loop3A_389, %parallel_loop3A_401 : i32
        %parallel_loop3A_403 = arith.extui %parallel_loop3A_402 : i1 to i32
        %parallel_loop3A_404 = arith.constant 0 : i32
        %parallel_loop3A_405 = arith.cmpi slt, %parallel_loop3A_389, %parallel_loop3A_404 : i32
        %parallel_loop3A_406 = arith.extui %parallel_loop3A_405 : i1 to i32
        %parallel_loop3A_407 = arith.subi %parallel_loop3A_403, %parallel_loop3A_406 : i32
        %parallel_loop3A_408 = vector.broadcast %parallel_loop3A_407 : i32 to vector<16xi32>
        %parallel_loop3A_409 = arith.cmpi ne, %parallel_loop3A_400, %parallel_loop3A_408 : vector<16xi32>
        %parallel_loop3A_410 = vector.broadcast %parallel_loop3A_389 : i32 to vector<16xi32>
        %parallel_loop3A_411 = arith.remsi %parallel_loop3A_365, %parallel_loop3A_410 : vector<16xi32>
        %parallel_loop3A_412 = arith.constant 0 : i32
        %parallel_loop3A_413 = vector.broadcast %parallel_loop3A_412 : i32 to vector<16xi32>
        %parallel_loop3A_414 = arith.cmpi ne, %parallel_loop3A_411, %parallel_loop3A_413 : vector<16xi32>
        %parallel_loop3A_415 = arith.andi %parallel_loop3A_409, %parallel_loop3A_414 : vector<16xi1>
        %parallel_loop3A_416 = arith.constant 1 : i32
        %parallel_loop3A_417 = vector.broadcast %parallel_loop3A_416 : i32 to vector<16xi32>
        %parallel_loop3A_418 = arith.subi %parallel_loop3A_391, %parallel_loop3A_417 : vector<16xi32>
        %parallel_loop3A_419 = arith.select %parallel_loop3A_415, %parallel_loop3A_418, %parallel_loop3A_391 : vector<16xi1>, vector<16xi32>
        %parallel_loop3A_420 = arith.constant 8 : i32
        %parallel_loop3A_421 = vector.broadcast %parallel_loop3A_420 : i32 to vector<16xi32>
        %parallel_loop3A_422 = arith.addi %parallel_loop3A_419, %parallel_loop3A_421 : vector<16xi32>
        %parallel_loop3A_423 = arith.constant 128 : i32
        %parallel_loop3A_424 = arith.addi %parallel_loop3A_423, %parallel_loop3A_364 : i32
        %parallel_loop3A_425 = arith.index_cast %parallel_loop3A_424 : i32 to index
        %parallel_loop3A_426 = arith.constant 0 : index
        %parallel_loop3A_427 = tpu.vector_load %arg9[%parallel_loop3A_425, %parallel_loop3A_426] {strides = array<i32>} : memref<256x64xf32, #tpu.memory_space<vmem>>, vector<16xf32>,
        %parallel_loop3A_428 = arith.addf %parallel_loop3A_427, %get3A_305 : vector<16xf32>
        tpu.vector_store_idx %arg11[%parallel_loop3A_422, %parallel_loop3A_388, %parallel_loop3A_366], %parallel_loop3A_428 : memref<16x8x129xf32, #tpu.memory_space<vmem>>[vector<16xi32>, vector<16xi32>, vector<16xi32>], vector<16xf32>,
        %parallel_loop3A_429 = arith.constant 8 : i32
        %parallel_loop3A_430 = vector.broadcast %parallel_loop3A_429 : i32 to vector<16xi32>
        %parallel_loop3A_431 = arith.divsi %parallel_loop3A_365, %parallel_loop3A_430 : vector<16xi32>
        %parallel_loop3A_432 = arith.constant 0 : i32
        %parallel_loop3A_433 = vector.broadcast %parallel_loop3A_432 : i32 to vector<16xi32>
        %parallel_loop3A_434 = arith.cmpi sgt, %parallel_loop3A_365, %parallel_loop3A_433 : vector<16xi32>
        %parallel_loop3A_435 = arith.extui %parallel_loop3A_434 : vector<16xi1> to vector<16xi32>
        %parallel_loop3A_436 = arith.constant 0 : i32
        %parallel_loop3A_437 = vector.broadcast %parallel_loop3A_436 : i32 to vector<16xi32>
        %parallel_loop3A_438 = arith.cmpi slt, %parallel_loop3A_365, %parallel_loop3A_437 : vector<16xi32>
        %parallel_loop3A_439 = arith.extui %parallel_loop3A_438 : vector<16xi1> to vector<16xi32>
        %parallel_loop3A_440 = arith.subi %parallel_loop3A_435, %parallel_loop3A_439 : vector<16xi32>
        %parallel_loop3A_441 = arith.constant 0 : i32
        %parallel_loop3A_442 = arith.cmpi sgt, %parallel_loop3A_429, %parallel_loop3A_441 : i32
        %parallel_loop3A_443 = arith.extui %parallel_loop3A_442 : i1 to i32
        %parallel_loop3A_444 = arith.constant 0 : i32
        %parallel_loop3A_445 = arith.cmpi slt, %parallel_loop3A_429, %parallel_loop3A_444 : i32
        %parallel_loop3A_446 = arith.extui %parallel_loop3A_445 : i1 to i32
        %parallel_loop3A_447 = arith.subi %parallel_loop3A_443, %parallel_loop3A_446 : i32
        %parallel_loop3A_448 = vector.broadcast %parallel_loop3A_447 : i32 to vector<16xi32>
        %parallel_loop3A_449 = arith.cmpi ne, %parallel_loop3A_440, %parallel_loop3A_448 : vector<16xi32>
        %parallel_loop3A_450 = vector.broadcast %parallel_loop3A_429 : i32 to vector<16xi32>
        %parallel_loop3A_451 = arith.remsi %parallel_loop3A_365, %parallel_loop3A_450 : vector<16xi32>
        %parallel_loop3A_452 = arith.constant 0 : i32
        %parallel_loop3A_453 = vector.broadcast %parallel_loop3A_452 : i32 to vector<16xi32>
        %parallel_loop3A_454 = arith.cmpi ne, %parallel_loop3A_451, %parallel_loop3A_453 : vector<16xi32>
        %parallel_loop3A_455 = arith.andi %parallel_loop3A_449, %parallel_loop3A_454 : vector<16xi1>
        %parallel_loop3A_456 = arith.constant 1 : i32
        %parallel_loop3A_457 = vector.broadcast %parallel_loop3A_456 : i32 to vector<16xi32>
        %parallel_loop3A_458 = arith.subi %parallel_loop3A_431, %parallel_loop3A_457 : vector<16xi32>
        %parallel_loop3A_459 = arith.select %parallel_loop3A_455, %parallel_loop3A_458, %parallel_loop3A_431 : vector<16xi1>, vector<16xi32>
        %parallel_loop3A_460 = arith.constant 10 : i32
        %parallel_loop3A_461 = vector.broadcast %parallel_loop3A_460 : i32 to vector<16xi32>
        %parallel_loop3A_462 = arith.addi %parallel_loop3A_459, %parallel_loop3A_461 : vector<16xi32>
        %parallel_loop3A_463 = arith.constant 128 : i32
        %parallel_loop3A_464 = arith.addi %parallel_loop3A_463, %parallel_loop3A_364 : i32
        %parallel_loop3A_465 = arith.index_cast %parallel_loop3A_464 : i32 to index
        %parallel_loop3A_466 = arith.constant 16 : index
        %parallel_loop3A_467 = tpu.vector_load %arg9[%parallel_loop3A_465, %parallel_loop3A_466] {strides = array<i32>} : memref<256x64xf32, #tpu.memory_space<vmem>>, vector<16xf32>,
        %parallel_loop3A_468 = arith.addf %parallel_loop3A_467, %get3A_308 : vector<16xf32>
        tpu.vector_store_idx %arg11[%parallel_loop3A_462, %parallel_loop3A_388, %parallel_loop3A_366], %parallel_loop3A_468 : memref<16x8x129xf32, #tpu.memory_space<vmem>>[vector<16xi32>, vector<16xi32>, vector<16xi32>], vector<16xf32>,
        %parallel_loop3A_469 = arith.constant 8 : i32
        %parallel_loop3A_470 = vector.broadcast %parallel_loop3A_469 : i32 to vector<16xi32>
        %parallel_loop3A_471 = arith.divsi %parallel_loop3A_365, %parallel_loop3A_470 : vector<16xi32>
        %parallel_loop3A_472 = arith.constant 0 : i32
        %parallel_loop3A_473 = vector.broadcast %parallel_loop3A_472 : i32 to vector<16xi32>
        %parallel_loop3A_474 = arith.cmpi sgt, %parallel_loop3A_365, %parallel_loop3A_473 : vector<16xi32>
        %parallel_loop3A_475 = arith.extui %parallel_loop3A_474 : vector<16xi1> to vector<16xi32>
        %parallel_loop3A_476 = arith.constant 0 : i32
        %parallel_loop3A_477 = vector.broadcast %parallel_loop3A_476 : i32 to vector<16xi32>
        %parallel_loop3A_478 = arith.cmpi slt, %parallel_loop3A_365, %parallel_loop3A_477 : vector<16xi32>
        %parallel_loop3A_479 = arith.extui %parallel_loop3A_478 : vector<16xi1> to vector<16xi32>
        %parallel_loop3A_480 = arith.subi %parallel_loop3A_475, %parallel_loop3A_479 : vector<16xi32>
        %parallel_loop3A_481 = arith.constant 0 : i32
        %parallel_loop3A_482 = arith.cmpi sgt, %parallel_loop3A_469, %parallel_loop3A_481 : i32
        %parallel_loop3A_483 = arith.extui %parallel_loop3A_482 : i1 to i32
        %parallel_loop3A_484 = arith.constant 0 : i32
        %parallel_loop3A_485 = arith.cmpi slt, %parallel_loop3A_469, %parallel_loop3A_484 : i32
        %parallel_loop3A_486 = arith.extui %parallel_loop3A_485 : i1 to i32
        %parallel_loop3A_487 = arith.subi %parallel_loop3A_483, %parallel_loop3A_486 : i32
        %parallel_loop3A_488 = vector.broadcast %parallel_loop3A_487 : i32 to vector<16xi32>
        %parallel_loop3A_489 = arith.cmpi ne, %parallel_loop3A_480, %parallel_loop3A_488 : vector<16xi32>
        %parallel_loop3A_490 = vector.broadcast %parallel_loop3A_469 : i32 to vector<16xi32>
        %parallel_loop3A_491 = arith.remsi %parallel_loop3A_365, %parallel_loop3A_490 : vector<16xi32>
        %parallel_loop3A_492 = arith.constant 0 : i32
        %parallel_loop3A_493 = vector.broadcast %parallel_loop3A_492 : i32 to vector<16xi32>
        %parallel_loop3A_494 = arith.cmpi ne, %parallel_loop3A_491, %parallel_loop3A_493 : vector<16xi32>
        %parallel_loop3A_495 = arith.andi %parallel_loop3A_489, %parallel_loop3A_494 : vector<16xi1>
        %parallel_loop3A_496 = arith.constant 1 : i32
        %parallel_loop3A_497 = vector.broadcast %parallel_loop3A_496 : i32 to vector<16xi32>
        %parallel_loop3A_498 = arith.subi %parallel_loop3A_471, %parallel_loop3A_497 : vector<16xi32>
        %parallel_loop3A_499 = arith.select %parallel_loop3A_495, %parallel_loop3A_498, %parallel_loop3A_471 : vector<16xi1>, vector<16xi32>
        %parallel_loop3A_500 = arith.constant 12 : i32
        %parallel_loop3A_501 = vector.broadcast %parallel_loop3A_500 : i32 to vector<16xi32>
        %parallel_loop3A_502 = arith.addi %parallel_loop3A_499, %parallel_loop3A_501 : vector<16xi32>
        %parallel_loop3A_503 = arith.constant 128 : i32
        %parallel_loop3A_504 = arith.addi %parallel_loop3A_503, %parallel_loop3A_364 : i32
        %parallel_loop3A_505 = arith.index_cast %parallel_loop3A_504 : i32 to index
        %parallel_loop3A_506 = arith.constant 32 : index
        %parallel_loop3A_507 = tpu.vector_load %arg9[%parallel_loop3A_505, %parallel_loop3A_506] {strides = array<i32>} : memref<256x64xf32, #tpu.memory_space<vmem>>, vector<16xf32>,
        %parallel_loop3A_508 = arith.addf %parallel_loop3A_507, %get3A_311 : vector<16xf32>
        tpu.vector_store_idx %arg11[%parallel_loop3A_502, %parallel_loop3A_388, %parallel_loop3A_366], %parallel_loop3A_508 : memref<16x8x129xf32, #tpu.memory_space<vmem>>[vector<16xi32>, vector<16xi32>, vector<16xi32>], vector<16xf32>,
        %parallel_loop3A_509 = arith.constant 8 : i32
        %parallel_loop3A_510 = vector.broadcast %parallel_loop3A_509 : i32 to vector<16xi32>
        %parallel_loop3A_511 = arith.divsi %parallel_loop3A_365, %parallel_loop3A_510 : vector<16xi32>
        %parallel_loop3A_512 = arith.constant 0 : i32
        %parallel_loop3A_513 = vector.broadcast %parallel_loop3A_512 : i32 to vector<16xi32>
        %parallel_loop3A_514 = arith.cmpi sgt, %parallel_loop3A_365, %parallel_loop3A_513 : vector<16xi32>
        %parallel_loop3A_515 = arith.extui %parallel_loop3A_514 : vector<16xi1> to vector<16xi32>
        %parallel_loop3A_516 = arith.constant 0 : i32
        %parallel_loop3A_517 = vector.broadcast %parallel_loop3A_516 : i32 to vector<16xi32>
        %parallel_loop3A_518 = arith.cmpi slt, %parallel_loop3A_365, %parallel_loop3A_517 : vector<16xi32>
        %parallel_loop3A_519 = arith.extui %parallel_loop3A_518 : vector<16xi1> to vector<16xi32>
        %parallel_loop3A_520 = arith.subi %parallel_loop3A_515, %parallel_loop3A_519 : vector<16xi32>
        %parallel_loop3A_521 = arith.constant 0 : i32
        %parallel_loop3A_522 = arith.cmpi sgt, %parallel_loop3A_509, %parallel_loop3A_521 : i32
        %parallel_loop3A_523 = arith.extui %parallel_loop3A_522 : i1 to i32
        %parallel_loop3A_524 = arith.constant 0 : i32
        %parallel_loop3A_525 = arith.cmpi slt, %parallel_loop3A_509, %parallel_loop3A_524 : i32
        %parallel_loop3A_526 = arith.extui %parallel_loop3A_525 : i1 to i32
        %parallel_loop3A_527 = arith.subi %parallel_loop3A_523, %parallel_loop3A_526 : i32
        %parallel_loop3A_528 = vector.broadcast %parallel_loop3A_527 : i32 to vector<16xi32>
        %parallel_loop3A_529 = arith.cmpi ne, %parallel_loop3A_520, %parallel_loop3A_528 : vector<16xi32>
        %parallel_loop3A_530 = vector.broadcast %parallel_loop3A_509 : i32 to vector<16xi32>
        %parallel_loop3A_531 = arith.remsi %parallel_loop3A_365, %parallel_loop3A_530 : vector<16xi32>
        %parallel_loop3A_532 = arith.constant 0 : i32
        %parallel_loop3A_533 = vector.broadcast %parallel_loop3A_532 : i32 to vector<16xi32>
        %parallel_loop3A_534 = arith.cmpi ne, %parallel_loop3A_531, %parallel_loop3A_533 : vector<16xi32>
        %parallel_loop3A_535 = arith.andi %parallel_loop3A_529, %parallel_loop3A_534 : vector<16xi1>
        %parallel_loop3A_536 = arith.constant 1 : i32
        %parallel_loop3A_537 = vector.broadcast %parallel_loop3A_536 : i32 to vector<16xi32>
        %parallel_loop3A_538 = arith.subi %parallel_loop3A_511, %parallel_loop3A_537 : vector<16xi32>
        %parallel_loop3A_539 = arith.select %parallel_loop3A_535, %parallel_loop3A_538, %parallel_loop3A_511 : vector<16xi1>, vector<16xi32>
        %parallel_loop3A_540 = arith.constant 14 : i32
        %parallel_loop3A_541 = vector.broadcast %parallel_loop3A_540 : i32 to vector<16xi32>
        %parallel_loop3A_542 = arith.addi %parallel_loop3A_539, %parallel_loop3A_541 : vector<16xi32>
        %parallel_loop3A_543 = arith.constant 128 : i32
        %parallel_loop3A_544 = arith.addi %parallel_loop3A_543, %parallel_loop3A_364 : i32
        %parallel_loop3A_545 = arith.index_cast %parallel_loop3A_544 : i32 to index
        %parallel_loop3A_546 = arith.constant 48 : index
        %parallel_loop3A_547 = tpu.vector_load %arg9[%parallel_loop3A_545, %parallel_loop3A_546] {strides = array<i32>} : memref<256x64xf32, #tpu.memory_space<vmem>>, vector<16xf32>,
        %parallel_loop3A_548 = arith.addf %parallel_loop3A_547, %get3A_314 : vector<16xf32>
        tpu.vector_store_idx %arg11[%parallel_loop3A_542, %parallel_loop3A_388, %parallel_loop3A_366], %parallel_loop3A_548 : memref<16x8x129xf32, #tpu.memory_space<vmem>>[vector<16xi32>, vector<16xi32>, vector<16xi32>], vector<16xf32>,
      } {sc.loop_unroll_factor = 4 : i64, sc.parallel_access}
      %add3A_318 = arith.constant 1 : i32
      %add3A_319 = arith.addi %mul3A_114, %add3A_318 : i32
      %mul3A_320 = arith.constant 2 : i32
      %mul3A_321 = arith.muli %add3A_319, %mul3A_320 : i32
      %add3A_322 = arith.constant 0 : i32
      %add3A_323 = arith.addi %mul3A_321, %add3A_322 : i32
      %dma_start3A_324 = arith.constant 0 : i32
      %dma_start3A_325 = arith.constant 0 : i32
      %dma_start3A_326 = arith.constant 0 : i32
      %dma_start3A_327 = tpu.memref_slice %arg11[%dma_start3A_324, %dma_start3A_325, %dma_start3A_326] : memref<16x8x129xf32, #tpu.memory_space<vmem>> -> memref<8x8x128xf32, #tpu.memory_space<vmem>>
      %dma_start3A_328 = arith.constant 0 : i32
      %dma_start3A_329 = arith.constant 0 : i32
      %dma_start3A_330 = arith.constant 0 : i32
      %dma_start3A_331 = tpu.memref_slice %arg5[%add3A_323, %dma_start3A_328, %add3A, %dma_start3A_329, %dma_start3A_330] : memref<200x8x32x8x128xf32, #tpu.memory_space<hbm>> -> memref<1x8x1x8x128xf32, #tpu.memory_space<hbm>>
      %dma_start3A_332 = tpu.memref_squeeze %dma_start3A_331 : memref<1x8x1x8x128xf32, #tpu.memory_space<hbm>> -> memref<8x8x128xf32, #tpu.memory_space<hbm>>
      %dma_start3A_333 = arith.constant 0 : i32
      %dma_start3A_334 = arith.constant 0 : i32
      %dma_start3A_335 = arith.constant 0 : i32
      %dma_start3A_336 = tpu.memref_slice %arg5[%add3A_323, %dma_start3A_333, %add3A, %dma_start3A_334, %dma_start3A_335] : memref<200x8x32x8x128xf32, #tpu.memory_space<hbm>> -> memref<1x8x1x8x128xf32, #tpu.memory_space<hbm>>
      %dma_start3A_337 = tpu.memref_squeeze %dma_start3A_336 : memref<1x8x1x8x128xf32, #tpu.memory_space<hbm>> -> memref<8x8x128xf32, #tpu.memory_space<hbm>>
      %dma_start3A_338 = arith.constant 0 : i32
      %dma_start3A_339 = arith.constant 0 : i32
      %dma_start3A_340 = arith.constant 0 : i32
      %dma_start3A_341 = tpu.memref_slice %arg11[%dma_start3A_338, %dma_start3A_339, %dma_start3A_340] : memref<16x8x129xf32, #tpu.memory_space<vmem>> -> memref<8x8x128xf32, #tpu.memory_space<vmem>>
      tpu.enqueue_dma source(%dma_start3A_341 : memref<8x8x128xf32, #tpu.memory_space<vmem>>) target(%dma_start3A_337 : memref<8x8x128xf32, #tpu.memory_space<hbm>>) target_semaphore(%arg15 : memref<!tpu.dma_semaphore, #tpu.memory_space<semaphore_mem>>)
      %mul3A_342 = arith.constant 2 : i32
      %mul3A_343 = arith.muli %add3A_319, %mul3A_342 : i32
      %add3A_344 = arith.constant 1 : i32
      %add3A_345 = arith.addi %mul3A_343, %add3A_344 : i32
      %dma_start3A_346 = arith.constant 8 : i32
      %dma_start3A_347 = arith.constant 0 : i32
      %dma_start3A_348 = arith.constant 0 : i32
      %dma_start3A_349 = tpu.memref_slice %arg11[%dma_start3A_346, %dma_start3A_347, %dma_start3A_348] : memref<16x8x129xf32, #tpu.memory_space<vmem>> -> memref<8x8x128xf32, #tpu.memory_space<vmem>>
      %dma_start3A_350 = arith.constant 0 : i32
      %dma_start3A_351 = arith.constant 0 : i32
      %dma_start3A_352 = arith.constant 0 : i32
      %dma_start3A_353 = tpu.memref_slice %arg5[%add3A_345, %dma_start3A_350, %add3A, %dma_start3A_351, %dma_start3A_352] : memref<200x8x32x8x128xf32, #tpu.memory_space<hbm>> -> memref<1x8x1x8x128xf32, #tpu.memory_space<hbm>>
      %dma_start3A_354 = tpu.memref_squeeze %dma_start3A_353 : memref<1x8x1x8x128xf32, #tpu.memory_space<hbm>> -> memref<8x8x128xf32, #tpu.memory_space<hbm>>
      %dma_start3A_355 = arith.constant 0 : i32
      %dma_start3A_356 = arith.constant 0 : i32
      %dma_start3A_357 = arith.constant 0 : i32
      %dma_start3A_358 = tpu.memref_slice %arg5[%add3A_345, %dma_start3A_355, %add3A, %dma_start3A_356, %dma_start3A_357] : memref<200x8x32x8x128xf32, #tpu.memory_space<hbm>> -> memref<1x8x1x8x128xf32, #tpu.memory_space<hbm>>
      %dma_start3A_359 = tpu.memref_squeeze %dma_start3A_358 : memref<1x8x1x8x128xf32, #tpu.memory_space<hbm>> -> memref<8x8x128xf32, #tpu.memory_space<hbm>>
      %dma_start3A_360 = arith.constant 8 : i32
      %dma_start3A_361 = arith.constant 0 : i32
      %dma_start3A_362 = arith.constant 0 : i32
      %dma_start3A_363 = tpu.memref_slice %arg11[%dma_start3A_360, %dma_start3A_361, %dma_start3A_362] : memref<16x8x129xf32, #tpu.memory_space<vmem>> -> memref<8x8x128xf32, #tpu.memory_space<vmem>>
      tpu.enqueue_dma source(%dma_start3A_363 : memref<8x8x128xf32, #tpu.memory_space<vmem>>) target(%dma_start3A_359 : memref<8x8x128xf32, #tpu.memory_space<hbm>>) target_semaphore(%arg15 : memref<!tpu.dma_semaphore, #tpu.memory_space<semaphore_mem>>)
    }
    %scan3A_36 = arith.constant 50 : i32
    %dma_wait3A = arith.constant 0 : i32
    %dma_wait3A_37 = arith.constant 0 : i32
    %dma_wait3A_38 = arith.constant 0 : i32
    %dma_wait3A_39 = arith.constant 0 : i32
    %dma_wait3A_40 = tpu.memref_slice %arg10[%dma_wait3A_37, %dma_wait3A_38, %dma_wait3A_39] : memref<16x8x129xf32, #tpu.memory_space<vmem>> -> memref<8x8x128xf32, #tpu.memory_space<vmem>>
    %dma_wait3A_41 = arith.constant 0 : i32
    %dma_wait3A_42 = arith.constant 0 : i32
    %dma_wait3A_43 = arith.constant 0 : i32
    %dma_wait3A_44 = tpu.memref_slice %arg5[%dma_wait3A, %dma_wait3A_41, %add3A, %dma_wait3A_42, %dma_wait3A_43] : memref<200x8x32x8x128xf32, #tpu.memory_space<hbm>> -> memref<1x8x1x8x128xf32, #tpu.memory_space<hbm>>
    %dma_wait3A_45 = tpu.memref_squeeze %dma_wait3A_44 : memref<1x8x1x8x128xf32, #tpu.memory_space<hbm>> -> memref<8x8x128xf32, #tpu.memory_space<hbm>>
    %dma_wait3A_46 = arith.constant 0 : i32
    %dma_wait3A_47 = arith.constant 0 : i32
    %dma_wait3A_48 = arith.constant 0 : i32
    %dma_wait3A_49 = tpu.memref_slice %arg5[%dma_wait3A, %dma_wait3A_46, %add3A, %dma_wait3A_47, %dma_wait3A_48] : memref<200x8x32x8x128xf32, #tpu.memory_space<hbm>> -> memref<1x8x1x8x128xf32, #tpu.memory_space<hbm>>
    %dma_wait3A_50 = tpu.memref_squeeze %dma_wait3A_49 : memref<1x8x1x8x128xf32, #tpu.memory_space<hbm>> -> memref<8x8x128xf32, #tpu.memory_space<hbm>>
    %dma_wait3A_51 = arith.constant 0 : i32
    %dma_wait3A_52 = arith.constant 0 : i32
    %dma_wait3A_53 = arith.constant 0 : i32
    %dma_wait3A_54 = tpu.memref_slice %arg10[%dma_wait3A_51, %dma_wait3A_52, %dma_wait3A_53] : memref<16x8x129xf32, #tpu.memory_space<vmem>> -> memref<8x8x128xf32, #tpu.memory_space<vmem>>
    tpu.wait_dma2 semaphore(%arg14 : memref<!tpu.dma_semaphore, #tpu.memory_space<semaphore_mem>>) src(%dma_wait3A_54 : memref<8x8x128xf32, #tpu.memory_space<vmem>>) dst(%dma_wait3A_50 : memref<8x8x128xf32, #tpu.memory_space<hbm>>)
    %dma_wait3A_55 = arith.constant 0 : i32
    %dma_wait3A_56 = arith.constant 8 : i32
    %dma_wait3A_57 = arith.constant 0 : i32
    %dma_wait3A_58 = arith.constant 0 : i32
    %dma_wait3A_59 = tpu.memref_slice %arg10[%dma_wait3A_56, %dma_wait3A_57, %dma_wait3A_58] : memref<16x8x129xf32, #tpu.memory_space<vmem>> -> memref<8x8x128xf32, #tpu.memory_space<vmem>>
    %dma_wait3A_60 = arith.constant 0 : i32
    %dma_wait3A_61 = arith.constant 0 : i32
    %dma_wait3A_62 = arith.constant 0 : i32
    %dma_wait3A_63 = tpu.memref_slice %arg5[%dma_wait3A_55, %dma_wait3A_60, %add3A, %dma_wait3A_61, %dma_wait3A_62] : memref<200x8x32x8x128xf32, #tpu.memory_space<hbm>> -> memref<1x8x1x8x128xf32, #tpu.memory_space<hbm>>
    %dma_wait3A_64 = tpu.memref_squeeze %dma_wait3A_63 : memref<1x8x1x8x128xf32, #tpu.memory_space<hbm>> -> memref<8x8x128xf32, #tpu.memory_space<hbm>>
    %dma_wait3A_65 = arith.constant 0 : i32
    %dma_wait3A_66 = arith.constant 0 : i32
    %dma_wait3A_67 = arith.constant 0 : i32
    %dma_wait3A_68 = tpu.memref_slice %arg5[%dma_wait3A_55, %dma_wait3A_65, %add3A, %dma_wait3A_66, %dma_wait3A_67] : memref<200x8x32x8x128xf32, #tpu.memory_space<hbm>> -> memref<1x8x1x8x128xf32, #tpu.memory_space<hbm>>
    %dma_wait3A_69 = tpu.memref_squeeze %dma_wait3A_68 : memref<1x8x1x8x128xf32, #tpu.memory_space<hbm>> -> memref<8x8x128xf32, #tpu.memory_space<hbm>>
    %dma_wait3A_70 = arith.constant 8 : i32
    %dma_wait3A_71 = arith.constant 0 : i32
    %dma_wait3A_72 = arith.constant 0 : i32
    %dma_wait3A_73 = tpu.memref_slice %arg10[%dma_wait3A_70, %dma_wait3A_71, %dma_wait3A_72] : memref<16x8x129xf32, #tpu.memory_space<vmem>> -> memref<8x8x128xf32, #tpu.memory_space<vmem>>
    tpu.wait_dma2 semaphore(%arg14 : memref<!tpu.dma_semaphore, #tpu.memory_space<semaphore_mem>>) src(%dma_wait3A_73 : memref<8x8x128xf32, #tpu.memory_space<vmem>>) dst(%dma_wait3A_69 : memref<8x8x128xf32, #tpu.memory_space<hbm>>)
    %dma_wait3A_74 = arith.constant 0 : i32
    %dma_wait3A_75 = arith.constant 0 : i32
    %dma_wait3A_76 = arith.constant 0 : i32
    %dma_wait3A_77 = arith.constant 0 : i32
    %dma_wait3A_78 = tpu.memref_slice %arg11[%dma_wait3A_75, %dma_wait3A_76, %dma_wait3A_77] : memref<16x8x129xf32, #tpu.memory_space<vmem>> -> memref<8x8x128xf32, #tpu.memory_space<vmem>>
    %dma_wait3A_79 = arith.constant 0 : i32
    %dma_wait3A_80 = arith.constant 0 : i32
    %dma_wait3A_81 = arith.constant 0 : i32
    %dma_wait3A_82 = tpu.memref_slice %arg5[%dma_wait3A_74, %dma_wait3A_79, %add3A, %dma_wait3A_80, %dma_wait3A_81] : memref<200x8x32x8x128xf32, #tpu.memory_space<hbm>> -> memref<1x8x1x8x128xf32, #tpu.memory_space<hbm>>
    %dma_wait3A_83 = tpu.memref_squeeze %dma_wait3A_82 : memref<1x8x1x8x128xf32, #tpu.memory_space<hbm>> -> memref<8x8x128xf32, #tpu.memory_space<hbm>>
    %dma_wait3A_84 = arith.constant 0 : i32
    %dma_wait3A_85 = arith.constant 0 : i32
    %dma_wait3A_86 = arith.constant 0 : i32
    %dma_wait3A_87 = tpu.memref_slice %arg5[%dma_wait3A_74, %dma_wait3A_84, %add3A, %dma_wait3A_85, %dma_wait3A_86] : memref<200x8x32x8x128xf32, #tpu.memory_space<hbm>> -> memref<1x8x1x8x128xf32, #tpu.memory_space<hbm>>
    %dma_wait3A_88 = tpu.memref_squeeze %dma_wait3A_87 : memref<1x8x1x8x128xf32, #tpu.memory_space<hbm>> -> memref<8x8x128xf32, #tpu.memory_space<hbm>>
    %dma_wait3A_89 = arith.constant 0 : i32
    %dma_wait3A_90 = arith.constant 0 : i32
    %dma_wait3A_91 = arith.constant 0 : i32
    %dma_wait3A_92 = tpu.memref_slice %arg11[%dma_wait3A_89, %dma_wait3A_90, %dma_wait3A_91] : memref<16x8x129xf32, #tpu.memory_space<vmem>> -> memref<8x8x128xf32, #tpu.memory_space<vmem>>
    tpu.wait_dma2 semaphore(%arg15 : memref<!tpu.dma_semaphore, #tpu.memory_space<semaphore_mem>>) src(%dma_wait3A_92 : memref<8x8x128xf32, #tpu.memory_space<vmem>>) dst(%dma_wait3A_88 : memref<8x8x128xf32, #tpu.memory_space<hbm>>)
    %dma_wait3A_93 = arith.constant 0 : i32
    %dma_wait3A_94 = arith.constant 8 : i32
    %dma_wait3A_95 = arith.constant 0 : i32
    %dma_wait3A_96 = arith.constant 0 : i32
    %dma_wait3A_97 = tpu.memref_slice %arg11[%dma_wait3A_94, %dma_wait3A_95, %dma_wait3A_96] : memref<16x8x129xf32, #tpu.memory_space<vmem>> -> memref<8x8x128xf32, #tpu.memory_space<vmem>>
    %dma_wait3A_98 = arith.constant 0 : i32
    %dma_wait3A_99 = arith.constant 0 : i32
    %dma_wait3A_100 = arith.constant 0 : i32
    %dma_wait3A_101 = tpu.memref_slice %arg5[%dma_wait3A_93, %dma_wait3A_98, %add3A, %dma_wait3A_99, %dma_wait3A_100] : memref<200x8x32x8x128xf32, #tpu.memory_space<hbm>> -> memref<1x8x1x8x128xf32, #tpu.memory_space<hbm>>
    %dma_wait3A_102 = tpu.memref_squeeze %dma_wait3A_101 : memref<1x8x1x8x128xf32, #tpu.memory_space<hbm>> -> memref<8x8x128xf32, #tpu.memory_space<hbm>>
    %dma_wait3A_103 = arith.constant 0 : i32
    %dma_wait3A_104 = arith.constant 0 : i32
    %dma_wait3A_105 = arith.constant 0 : i32
    %dma_wait3A_106 = tpu.memref_slice %arg5[%dma_wait3A_93, %dma_wait3A_103, %add3A, %dma_wait3A_104, %dma_wait3A_105] : memref<200x8x32x8x128xf32, #tpu.memory_space<hbm>> -> memref<1x8x1x8x128xf32, #tpu.memory_space<hbm>>
    %dma_wait3A_107 = tpu.memref_squeeze %dma_wait3A_106 : memref<1x8x1x8x128xf32, #tpu.memory_space<hbm>> -> memref<8x8x128xf32, #tpu.memory_space<hbm>>
    %dma_wait3A_108 = arith.constant 8 : i32
    %dma_wait3A_109 = arith.constant 0 : i32
    %dma_wait3A_110 = arith.constant 0 : i32
    %dma_wait3A_111 = tpu.memref_slice %arg11[%dma_wait3A_108, %dma_wait3A_109, %dma_wait3A_110] : memref<16x8x129xf32, #tpu.memory_space<vmem>> -> memref<8x8x128xf32, #tpu.memory_space<vmem>>
    tpu.wait_dma2 semaphore(%arg15 : memref<!tpu.dma_semaphore, #tpu.memory_space<semaphore_mem>>) src(%dma_wait3A_111 : memref<8x8x128xf32, #tpu.memory_space<vmem>>) dst(%dma_wait3A_107 : memref<8x8x128xf32, #tpu.memory_space<hbm>>)
    return
  }
}

</mosaic_0001>

<sc_bundles>
// kernel: kernel.3.cloned.1.call-start
scs
__scs_entry_jumppad:
0x0: {  	(pc) =	sbr.rel $0x88, $3  }
0x1: {  	(tag) =	ssettag $0x0;
	lr =	simm.s32 $0x1  }
0x2: {  	[smem:$0x3F9F] =	sst lr;
	_ =	strace $0xD0000000  }
0x3: {  	_ = 	snop  }
0x4: {  	_ = 	snop  }
0x5: {  	_ = 	snop  }
0x6: {  	_ = 	snop  }
0x7: {  	_ = 	snop  }
__scs_overlays_trampoline_lowered:
0x8: {  	[smem:$0x3FAE] =	sst s0  }
0x9: {  	[smem:$0x3FAF] =	sst s1  }
0xa: {  	[smem:$0x3FB0] =	sst s2  }
0xb: {  	[smem:$0x3FB1] =	sst s3  }
0xc: {  	[smem:$0x3FB2] =	sst s4  }
0xd: {  	[smem:$0x3FB3] =	sst s5  }
0xe: {  	[smem:$0x3FB4] =	sst s6  }
0xf: {  	[smem:$0x3FB5] =	sst s7  }
0x10: {  	[smem:$0x3FB6] =	sst s8  }
0x11: {  	[smem:$0x3FB7] =	sst s9;
	s0 =	simm.s32 @!p0 $0x0  }
0x12: {  	s1 =	sld [smem:$0x3F9D];
	s0 =	simm.s32 @p0 $0x1  }
0x13: {  	[smem:$0x3FB8] =	sst s0;
	s0 =	simm.s32 @!p1 $0x0  }
0x14: {  	s2 =	sld [smem:$0x3F9C];
	s0 =	simm.s32 @p1 $0x1  }
0x15: {  	[smem:$0x3FB9] =	sst s0;
	s0 =	simm.s32 @!p2 $0x0  }
0x16: {  	s3 =	sld [smem:$0x3FDB];
	s0 =	simm.s32 @p2 $0x1  }
0x17: {  	s4 =	simm.s32 $0x1BF5;
	[smem:$0x3FBB] =	sst s0  }
0x18: {  	s0 =	sld [smem:$0x3F9E];
	_ =	swait.ge [sflag:s4], $0x0  }
0x19: {  	s7 =	sld [smem:$0x3F9F]  }
0x1a: {  	s8 =	sadd.s32 $0xFFFFE003, lr  }
0x1b: {  	s9 =	sadd.s32 $0xFFFFFEF7, lr;
	s5 =	simm.s32 $0xFFFFFFFF;
	p2 =	slt.u32 s8, $0xFFFFF086  }
0x1c: {  	p1 =	slt.u32 s9, $0xF7A;
	s5 =	simm.s32 @!p2 $0x0  }
0x1d: {  	s5 =	simm.s32 @p1 $0x1;
	p0 =	seq.s32 s7, s2  }
0x1e: {  	s7 =	smul.u32 @!p0 $0xF7A, s2;
	p2 =	seq.s32 @!p0 s5, $0x0  }
0x1f: {  	s9 =	smul.u32 $0xF7A, s1;
	s8 =	simm.s32 @!p0 $0x1BF5;
	p2 =	por !p2, p0  }
0x20: {  	[sflag:s8] =	ssyncset.s32 @!p0 $0xFFFFF086;
	s6 =	sadd.s32 @!p0 s3, s7;
	s7 =	simm.s32 @!p0 $0x108  }
0x21: {  	s3 =	sadd.s32 s3, s9;
	s6 =	sadd.s32 @!p0 $0x88, s6;
	s7 =	simm.s32 @p2 $0x1082  }
0x22: {  	[simem:s7], [sflag:s8] =	dma.local @!p0 [hbm:s6], $0xF7A  }
0x23: {  	s9 =	sor.u32 $0xD0000000, s2;
	s6 =	simm.s32 $0x108;
	_ =	swait.ge @!p0 [sflag:s8], $0x0  }
0x24: {  	s3 =	sadd.s32 $0x88, s3;
	s6 =	simm.s32 @!p1 $0x1082;
	[sflag:s4] =	ssyncset.s32 $0xFFFFF086  }
0x25: {  	[simem:s6], [sflag:s4] =	dma.local [hbm:s3], $0xF7A  }
0x26: {  	[smem:$0x3F9F] =	sst s1;
	(tag) =	ssettag s2;
	_ =	strace s9  }
0x27: {  	s1 =	sld [smem:$0x3FAF]  }
0x28: {  	s2 =	sld [smem:$0x3FB0]  }
0x29: {  	s4 =	sld [smem:$0x3FB2]  }
0x2a: {  	p0 =	seq.s32 s5, $0x0;
	s5 =	sld [smem:$0x3FB3]  }
0x2b: {  	s6 =	sld [smem:$0x3FB4]  }
0x2c: {  	s7 =	sld [smem:$0x3FB5]  }
0x2d: {  	s3 =	simm.s32 $0x108;
	s8 =	sld [smem:$0x3FB6]  }
0x2e: {  	s3 =	simm.s32 @!p0 $0x1082;
	s9 =	sld [smem:$0x3FB7]  }
0x2f: {  	lr =	sadd.s32 s0, s3;
	s0 =	sld [smem:$0x3FAE]  }
0x30: {  	s3 =	sld [smem:$0x3FB1]  }
0x31: {  	[smem:$0x3FBA] =	sst s10  }
0x32: {  	s10 =	sld [smem:$0x3FB8];
	_ =	sdelay $0x3  }
0x33: {  	p0 =	seq.s32 s10, $0x1;
	s10 =	sld [smem:$0x3FBA];
	_ =	sdelay $0x3  }
0x34: {  	[smem:$0x3FBA] =	sst s10  }
0x35: {  	s10 =	sld [smem:$0x3FB9];
	_ =	sdelay $0x3  }
0x36: {  	p1 =	seq.s32 s10, $0x1;
	s10 =	sld [smem:$0x3FBA];
	_ =	sdelay $0x3  }
0x37: {  	[smem:$0x3FBA] =	sst s10  }
0x38: {  	s10 =	sld [smem:$0x3FBB]  }
0x39: {  	_ = 	snop;
	(pc) =	sbr.ind lr, $3  }
0x3a: {  	_ = 	snop  }
0x3b: {  	_ = 	snop  }
0x3c: {  	p2 =	seq.s32 s10, $0x1;
	s10 =	sld [smem:$0x3FBA]  }
0x3d: {  	_ =	shalt  }
0x3e: {  	_ =	shalt  }
0x3f: {  	_ =	shalt  }
0x40: {  	_ =	shalt  }
0x41: {  	_ =	shalt  }
0x42: {  	_ =	shalt  }
0x43: {  	_ =	shalt  }
0x44: {  	_ =	shalt  }
0x45: {  	_ =	shalt  }
0x46: {  	_ =	shalt  }
0x47: {  	_ =	shalt  }
0x48: {  	_ =	shalt  }
0x49: {  	_ =	shalt  }
0x4a: {  	_ =	shalt  }
0x4b: {  	_ =	shalt  }
0x4c: {  	_ =	shalt  }
0x4d: {  	_ =	shalt  }
0x4e: {  	_ =	shalt  }
0x4f: {  	_ =	shalt  }
0x50: {  	_ =	shalt  }
0x51: {  	_ =	shalt  }
0x52: {  	_ =	shalt  }
0x53: {  	_ =	shalt  }
0x54: {  	_ =	shalt  }
0x55: {  	_ =	shalt  }
0x56: {  	_ =	shalt  }
0x57: {  	_ =	shalt  }
0x58: {  	_ =	shalt  }
0x59: {  	_ =	shalt  }
0x5a: {  	_ =	shalt  }
0x5b: {  	_ =	shalt  }
0x5c: {  	_ =	shalt  }
0x5d: {  	_ =	shalt  }
0x5e: {  	_ =	shalt  }
0x5f: {  	_ =	shalt  }
0x60: {  	_ =	shalt  }
0x61: {  	_ =	shalt  }
0x62: {  	_ =	shalt  }
0x63: {  	_ =	shalt  }
0x64: {  	_ =	shalt  }
0x65: {  	_ =	shalt  }
0x66: {  	_ =	shalt  }
0x67: {  	_ =	shalt  }
0x68: {  	_ =	shalt  }
0x69: {  	_ =	shalt  }
0x6a: {  	_ =	shalt  }
0x6b: {  	_ =	shalt  }
0x6c: {  	_ =	shalt  }
0x6d: {  	_ =	shalt  }
0x6e: {  	_ =	shalt  }
0x6f: {  	_ =	shalt  }
0x70: {  	_ =	shalt  }
0x71: {  	_ =	shalt  }
0x72: {  	_ =	shalt  }
0x73: {  	_ =	shalt  }
0x74: {  	_ =	shalt  }
0x75: {  	_ =	shalt  }
0x76: {  	_ =	shalt  }
0x77: {  	_ =	shalt  }
0x78: {  	_ =	shalt  }
0x79: {  	_ =	shalt  }
0x7a: {  	_ =	shalt  }
0x7b: {  	_ =	shalt  }
0x7c: {  	_ =	shalt  }
0x7d: {  	_ =	shalt  }
0x7e: {  	_ =	shalt  }
0x7f: {  	_ =	shalt  }
0x80: {  	_ =	shalt  }
0x81: {  	_ =	shalt  }
0x82: {  	_ =	shalt  }
0x83: {  	_ =	shalt  }
0x84: {  	_ =	shalt  }
0x85: {  	_ =	shalt  }
0x86: {  	_ =	shalt  }
0x87: {  	_ =	shalt  }
.Lfunc_end0:
.L_simem_size_0:
called_computation_lowered:
.L_overlay_start_0:
0x88: {  	s2 =	sld [smem:$0x3FD9]  }
0x89: {  	s3 =	sld [smem:$0x3FFE];
	_ =	sdelay $0x1  }
0x8a: {  	s1 =	srdreg.scid  }
0x8b: {  	s0 =	sand.u32 $0x1, s1  }
0x8c: {  	s17 =	sshll.u32 s0, $0xA;
	s2 =	sadd.s32 s3, s2  }
0x8d: {  	s2 =	sadd.s32 s2, s17  }
0x8e: {  	[smem:$0x3FC6] =	sst s2  }
0x8f: {  	_ = 	snop  }
0x90: {  	s2 =	sld [smem:$0x3FD0];
	(tm) =	ssettm $0x1  }
0x91: {  	s18 =	sld [smem:$0x3FFB];
	_ =	sdelay $0x3  }
0x92: {  	_ =	strace s18  }
0x93: {  	s3 =	sld [smem:$0x3FFC];
	_ =	sdelay $0x3  }
0x94: {  	_ =	strace s3  }
0x95: {  	s3 =	sld [smem:$0x3FFD];
	_ =	sdelay $0x3  }
0x96: {  	_ =	strace s3  }
0x97: {  	_ =	strace $0x8FFFFFFF  }
0x98: {  	s19 =	sld [smem:$0x3FDB];
	_ =	sdelay $0x1  }
0x99: {  	s4 =	simm.s32 $_scs_section_size  }
0x9a: {  	s5 =	simm.s32 $_size__tile_overlayer_lowered;
	s6 =	simm.s32 $_tile_overlayer_lowered  }
0x9b: {  	s22 =	simm.s32 $0x1BFF;
	s21 =	sshll.u32 s6, $0x1;
	s3 =	sadd.s32 s4, s19  }
0x9c: {  	s7 =	simm.s32 $0x0;
	s20 =	sshll.u32 s5, $0x1;
	s5 =	sadd.s32 s21, s3  }
0x9d: {  	[timem:s7], [sflag:s22] =	dma.local [hbm:s5], s20  }
0x9e: {  	_ =	swait.ge [sflag:s22], s20  }
0x9f: {  	s4 =	ssub.s32 $0x0, s20;
	[sflag:s22] =	ssyncset.done $0x0  }
0xa0: {  	[sflag:s22] =	ssyncadd.s32 s4;
	_ =	sdelay $0x1  }
0xa1: {  	s23 =	simm.s32 $0x1B8B  }
0xa2: {  	_ =	swait.ge [sflag:s23], $0x1  }
0xa3: {  	[sflag:s23] =	ssyncset.done $0x0  }
0xa4: {  	s25 =	simm.s32 $0x1B8E;
	s24 =	sld [smem:$0x3FFE];
	[sflag:s23] =	ssyncadd.s32 $0xFFFFFFFF  }
0xa5: {  	s26 =	simm.s32 $execute0_lowered;
	[smem:$0x3FD2] =	sst s25  }
0xa6: {  	s5 =	sshll.u32 s26, $0x1;
	_ =	strace $0x80000046;
	[dreg:$0x1] =	wrdreg $0xFFFFFFFF  }
0xa7: {  	s28 =	simm.s32 $_size_execute0_lowered;
	s3 =	sadd.s32 s3, s5;
	[dreg:$0x0] =	wrdreg $0x0  }
0xa8: {  	s5 =	sshll.u32 s28, $0x1;
	[dreg:$0x2] =	wrdreg s3  }
0xa9: {  	[dreg:$0x3] =	wrdreg s5  }
0xaa: {  	[dreg:$0x4] =	wrdreg $0xC0  }
0xab: {  	_ =	task [dreg:s7], $0x5FFFF  }
0xac: {  	[dreg:$0x1] =	wrdreg $0xFFFFFFFF  }
0xad: {  	[dreg:$0x0] =	wrdreg $0x60  }
0xae: {  	[dreg:$0x2] =	wrdreg s24  }
0xaf: {  	[dreg:$0x3] =	wrdreg s2  }
0xb0: {  	[dreg:$0x4] =	wrdreg $0x9  }
0xb1: {  	_ =	task.clear_ibuf [dreg:s7], $0x5FFFF;
	_ =	strace $0x90000046  }
0xb2: {  	s29 =	simm.s32 $0x9;
	_ =	strace $0x80000048  }
0xb3: {  	_ =	swait.ge [sflag:s29], $0x1  }
0xb4: {  	[sflag:s29] =	ssyncadd.s32 $0xFFFFFFFF  }
0xb5: {  	_ =	strace $0x90000048  }
0xb6: {  	_ =	sfence  }
0xb7: {  	s30 =	sld [smem:$0x0];
	_ =	sdelay $0x2  }
0xb8: {  	s31 =	sshll.u32 s1, $0xD;
	s1 =	sshrl.u32 s1, $0x2  }
0xb9: {  	s3 =	sand.u32 $0x4000, s31;
	s1 =	sadd.s32 s1, s30  }
0xba: {  	s0 =	sor.u32 s3, s0;
	s1 =	sshll.u32 s1, $0x11  }
0xbb: {  	s0 =	sor.u32 s1, s0  }
0xbc: {  	s0 =	sadd.s32 $0x8F2B, s0  }
0xbd: {  	[sflag:s0] =	ssyncadd.remote.s32 $0x1  }
0xbe: {  	_ =	sfence.sel $0xFFFF  }
0xbf: {  	[dreg:$0x0] =	wrdreg $0xFFFFFFFF;
	(pc) =	sbr.abs _section_cstart, $3  }
0xc0: {  	[dreg:$0x1] =	wrdreg $0xFFFFFFFF  }
0xc1: {  	_ =	task.clear_ibuf [dreg:s7], $0x2FFFF;
	_ =	strace $0x9FFFFFFF  }
0xc2: {  	(tm) =	ssettm $0x7FFFFFFF  }
0xc3: {  	_ =	shalt  }
tec
execute0_lowered:
.L_overlay_start_1:
0x0: {  	(tag) =	ssettag $0x1  }
0x1: {  	s0 =	rddreg [dreg:$0x0];
	s1 =	srdreg.scid  }
0x2: {  	s3 =	stileid.u32;
	s2 =	rddreg [dreg:$0x1]  }
0x3: {  	s10 =	simm.s32 $0x6;
	s11 =	simm.s32 $0x80;
	s12 =	simm.s32 $0x1000  }
0x4: {  	s13 =	simm.s32 $0x3200;
	s18 =	simm.s32 $0xD600;
	s19 =	simm.s32 $0xF600  }
0x5: {  	s20 =	simm.s32 $0x1;
	s21 =	simm.s32 $0x11600;
	s22 =	simm.s32 $0x2  }
0x6: {  	s23 =	simm.s32 $0x15A00;
	s24 =	simm.s32 $0x3;
	s25 =	simm.s32 $0x4  }
0x7: {  	v0 =	vlaneseq.u32;
	s26 =	simm.s32 $0x0;
	s1 =	sand.u32 $0x1, s1;
	s4 =	sshll.u32 s3, $0x1  }
0x8: {  	s3 =	simm.s32 $0x0;
	s5 =	sadd.s32 $0x400, s0;
	v0 =	vmul.u32 $0x88, v0;
	s8 =	sor.u32 s1, s4  }
0x9: {  	[smem:$0x7FF] =	sst s3;
	s1 =	ssub.s32 $0x2, s1;
	s4 =	sshll.u32 s8, $0x4  }
0xa: {  	_ =	strace $0x80000047;
	s6 =	sshrl.u32 s1, $0x1;
	s8 =	sshll.u32 s8, $0xA;
	v1 =	vadd.s32 $0x880, v0  }
0xb: {  	v2 =	vadd.s32 $0x1100, v0;
	v3 =	vadd.s32 $0x1980, v0;
	v4 =	vadd.s32 $0x2200, v0;
	s7 =	sadd.s32 s4, s0;
	s4 =	sadd.s32 $0x19C00, s0;
	s31 =	ssub.s32 s1, s6  }
0xc: {  	v5 =	vadd.s32 $0x2A80, v0;
	v6 =	vadd.s32 $0x3300, v0;
	v7 =	vadd.s32 $0x3B80, v0;
	s6 =	sadd.s32 $0xC00, s7;
	s7 =	sadd.s32 $0x1C00, s7;
	s9 =	smax.u32 s31, $0x1  }
.LBB2_1:
0xd: {  	[tilespmem:s3], [sflag:$0x6] =	stream.linear.gather [hbm4b:s5+s3], $0x3200, $0x38;
	[tilespmem:$0x19E00] =	vst v63  }
0xe: {  	_ =	swait.ge [sflag:s10], $0x3200  }
0xf: {  	[sflag:s10] =	ssyncset.done $0x0  }
0x10: {  	[sflag:s10] =	ssyncadd.s32 $0xFFFFCE00  }
0x11: {  	[tilespmem:s13], [sflag:$0x6] =	stream.strided.gather [hbm4b:s6+s11], $0x400, s12, s11, $0x38;
	[tilespmem:$0x19E00] =	vst v63  }
0x12: {  	_ =	swait.ge [sflag:s10], $0x400  }
0x13: {  	[sflag:s10] =	ssyncset.done $0x0  }
0x14: {  	s0 =	simm.s32 $0x3600;
	[sflag:s10] =	ssyncadd.s32 $0xFFFFFC00  }
0x15: {  	[tilespmem:s0], [sflag:$0x5] =	stream.strided.gather [hbm4b:s7+s11], $0x6000, s12, s11, $0x38;
	[tilespmem:$0x19E00] =	vst v63  }
0x16: {  	s30 =	simm.s32 $0x9600  }
0x17: {  	[tilespmem:s30], [sflag:$0x1] =	stream.indirect.gather [hbm4b:s4+s11], $0x40, s13, s11, $0xb8;
	[tilespmem:$0x19E00] =	vst v63  }
0x18: {  	s31 =	simm.s32 $0x3280;
	s1 =	simm.s32 $0xB600;
	s28 =	simm.s32 $0x0  }
0x19: {  	[tilespmem:s1], [sflag:$0x1] =	stream.indirect.gather [hbm4b:s4+s11], $0x40, s31, s11, $0xb8;
	[tilespmem:$0x19E00] =	vst v63  }
.LBB2_2:
0x1a: {  	p0 =	sne.s32 s28, $0x1;
	s31 =	sshll.u32 s28, $0x2  }
0x1b: {  	s0 =	simm.s32 @!p0 $0x5;
	s30 =	sor.u32 $0x2, s31  }
0x1c: {  	s29 =	sshllo.u32 s28, $0x2;
	_ =	swait.ge @!p0 [sflag:s0], $0x6000;
	s1 =	sshll.u32 s30, $0x7  }
0x1d: {  	s16 =	sshll.u32 s29, $0x7;
	[sflag:s0] =	ssyncset.done @!p0 $0x0;
	s1 =	sand.u32 $0x3FFFFF00, s1  }
0x1e: {  	[sflag:s0] =	ssyncadd.s32 @!p0 $0xFFFFA000;
	s15 =	sadd.s32 $0x3200, s1;
	s0 =	sand.u32 $0x3FFFFF80, s16  }
0x1f: {  	[tilespmem:s18], [sflag:$0x2] =	stream.indirect.gather [hbm4b:s4+s11], $0x40, s15, s11, $0xb8;
	[tilespmem:$0x19E00] =	vst v63  }
0x20: {  	s0 =	sadd.s32 $0x3200, s0  }
0x21: {  	[tilespmem:s19], [sflag:$0x2] =	stream.indirect.gather [hbm4b:s4+s11], $0x40, s0, s11, $0xb8;
	[tilespmem:$0x19E00] =	vst v63  }
0x22: {  	_ =	swait.ge [sflag:s20], $0x2000  }
0x23: {  	[sflag:s20] =	ssyncset.done $0x0  }
0x24: {  	[sflag:s20] =	ssyncadd.s32 $0xFFFFE000  }
0x25: {  	_ =	swait.ge [sflag:s20], $0x2000  }
0x26: {  	p0 =	seq.s32 s28, $0x0;
	[sflag:s20] =	ssyncset.done $0x0  }
0x27: {  	s0 =	simm.s32 @!p0 $0x3;
	[sflag:s20] =	ssyncadd.s32 $0xFFFFE000  }
0x28: {  	_ =	swait.ge @!p0 [sflag:s0], $0x2000  }
0x29: {  	[sflag:s0] =	ssyncset.done @!p0 $0x0  }
0x2a: {  	[sflag:s0] =	ssyncadd.s32 @!p0 $0xFFFFE000  }
0x2b: {  	_ =	swait.ge @!p0 [sflag:s0], $0x2000  }
0x2c: {  	s17 =	sshll.u32 s28, $0x8;
	[sflag:s0] =	ssyncset.done @!p0 $0x0  }
0x2d: {  	[sflag:s0] =	ssyncadd.s32 @!p0 $0xFFFFE000;
	s0 =	sand.u32 $0x3FFFFF00, s17  }
0x2e: {  	s14 =	simm.s32 $0x3;
	s15 =	simm.s32 $0x9680;
	v13 =	vld [tilespmem:s0+$0x0]  }
0x2f: {  	v8 =	vmov s14;
	v11 =	vld [tilespmem:s15+$0x40]  }
0x30: {  	v17 =	vand.u32 $0x7F, v8  }
0x31: {  	v12 =	vadd.s32 v0, v17;
	s16 =	simm.s32 $0x0;
	v10 =	vld [tilespmem:s0+$0x10]  }
0x32: {  	s14 =	simm.s32 $0x2;
	v8 =	vmov s16;
	s17 =	simm.s32 $0x1;
	v14 =	vld [tilespmem:s15+$0xFFFFFF80]  }
0x33: {  	v18 =	vmov s14;
	v16 =	vand.u32 $0x7C, v8;
	v8 =	vmov s17;
	v15 =	vld [tilespmem:s15+$0xFFFFFFC0]  }
0x34: {  	v19 =	vadd.s32 v0, v16;
	v20 =	vld [tilespmem:s15+$0x0];
	v23 =	vand.u32 $0x7D, v8;
	v11 =	vadd.f32 v11, v13  }
0x35: {  	v24 =	vand.u32 $0x7E, v18;
	v9 =	vld [tilespmem:s0+$0x20];
	v21 =	vadd.s32 v0, v23  }
0x36: {  	v18 =	vadd.s32 v0, v24;
	v8 =	vld [tilespmem:s0+$0x30];
	[tilespmem:v12+s21+$0x0] =	vst.idx.msk $0xffff, v11  }
0x37: {  	v11 =	vadd.f32 v14, v13;
	v12 =	vld [tilespmem:s15+$0x50]  }
0x38: {  	v14 =	vadd.f32 v15, v13  }
0x39: {  	v15 =	vadd.s32 v1, v17;
	[tilespmem:v19+s21+$0x0] =	vst.idx.msk $0xffff, v11;
	v11 =	vadd.f32 v20, v13  }
0x3a: {  	[tilespmem:v21+s21+$0x0] =	vst.idx.msk $0xffff, v14;
	v19 =	vld [tilespmem:s15+$0xFFFFFF90]  }
0x3b: {  	v14 =	vld [tilespmem:s15+$0xFFFFFFD0];
	[tilespmem:v18+s21+$0x0] =	vst.idx.msk $0xffff, v11  }
0x3c: {  	v18 =	vld [tilespmem:s15+$0x10];
	v11 =	vadd.f32 v12, v10  }
0x3d: {  	s1 =	simm.s32 $0x9780;
	s17 =	simm.s32 $0x7;
	v20 =	vadd.s32 v1, v23  }
0x3e: {  	v30 =	vadd.s32 v2, v17;
	s16 =	simm.s32 $0x4;
	v22 =	vld [tilespmem:s1+$0x40];
	v21 =	vadd.s32 v1, v24;
	[tilespmem:v15+s21+$0x0] =	vst.idx.msk $0xffff, v11;
	v11 =	vmov s17  }
0x3f: {  	v25 =	vadd.s32 v1, v16;
	v12 =	vmov s16;
	v11 =	vand.u32 $0x7F, v11;
	v26 =	vld [tilespmem:s15+$0x60]  }
0x40: {  	v27 =	vld [tilespmem:s1+$0xFFFFFF80];
	s16 =	simm.s32 $0x5;
	v12 =	vand.u32 $0x7C, v12;
	v14 =	vadd.f32 v14, v10;
	v28 =	vadd.s32 v0, v11  }
0x41: {  	v29 =	vld [tilespmem:s1+$0xFFFFFFC0];
	v19 =	vadd.f32 v19, v10;
	s17 =	simm.s32 $0x6;
	v15 =	vadd.f32 v18, v10;
	v18 =	vmov s16  }
0x42: {  	v31 =	vadd.s32 v0, v12;
	[tilespmem:v20+s21+$0x0] =	vst.idx.msk $0xffff, v14;
	v20 =	vmov s17;
	v14 =	vand.u32 $0x7D, v18;
	v18 =	vld [tilespmem:s1+$0x0]  }
0x43: {  	[tilespmem:v21+s21+$0x0] =	vst.idx.msk $0xffff, v15;
	v21 =	vadd.s32 v0, v14;
	v15 =	vand.u32 $0x7E, v20;
	v20 =	vadd.f32 v22, v13;
	v22 =	vld [tilespmem:s15+$0xFFFFFFE0]  }
0x44: {  	[tilespmem:v25+s21+$0x0] =	vst.idx.msk $0xffff, v19;
	v19 =	vadd.s32 v0, v15;
	v25 =	vld [tilespmem:s15+$0x20];
	v26 =	vadd.f32 v26, v9  }
0x45: {  	v27 =	vadd.f32 v27, v13;
	[tilespmem:v28+s21+$0x0] =	vst.idx.msk $0xffff, v20;
	v20 =	vld [tilespmem:s15+$0xFFFFFFA0];
	v28 =	vadd.s32 v2, v23  }
0x46: {  	v33 =	vadd.s32 v2, v24;
	v29 =	vadd.f32 v29, v13;
	v32 =	vld [tilespmem:s1+$0x50];
	[tilespmem:v30+s21+$0x0] =	vst.idx.msk $0xffff, v26  }
0x47: {  	[tilespmem:v31+s21+$0x0] =	vst.idx.msk $0xffff, v27;
	v27 =	vadd.s32 v2, v16;
	v18 =	vadd.f32 v18, v13;
	v30 =	vld [tilespmem:s15+$0x70]  }
0x48: {  	v31 =	vld [tilespmem:s1+$0xFFFFFF90];
	[tilespmem:v21+s21+$0x0] =	vst.idx.msk $0xffff, v29;
	v29 =	vadd.s32 v1, v11;
	v22 =	vadd.f32 v22, v9  }
0x49: {  	v35 =	vadd.s32 v3, v17;
	v34 =	vld [tilespmem:s1+$0xFFFFFFD0];
	[tilespmem:v19+s21+$0x0] =	vst.idx.msk $0xffff, v18;
	v18 =	vadd.f32 v25, v9  }
0x4a: {  	v26 =	vadd.s32 v1, v12;
	v21 =	vld [tilespmem:s1+$0x10];
	v17 =	vadd.f32 v20, v9;
	[tilespmem:v28+s21+$0x0] =	vst.idx.msk $0xffff, v22  }
0x4b: {  	s14 =	simm.s32 $0x8;
	v25 =	vadd.s32 v1, v14;
	[tilespmem:v33+s21+$0x0] =	vst.idx.msk $0xffff, v18;
	v22 =	vadd.f32 v32, v10;
	v20 =	vld [tilespmem:s15+$0xFFFFFFF0]  }
0x4c: {  	v28 =	vmov s14;
	v18 =	vadd.s32 v1, v15;
	v19 =	vld [tilespmem:s15+$0x30];
	[tilespmem:v27+s21+$0x0] =	vst.idx.msk $0xffff, v17;
	v63 =	vadd.f32 v30, v8  }
0x4d: {  	s0 =	simm.s32 $0x9880;
	s16 =	simm.s32 $0xB;
	v23 =	vadd.s32 v3, v23;
	v17 =	vand.u32 $0x7C, v28;
	v28 =	vadd.f32 v31, v10;
	[tilespmem:v29+s21+$0x0] =	vst.idx.msk $0xffff, v22;
	v22 =	vld [tilespmem:s15+$0xFFFFFFB0]  }
0x4e: {  	v24 =	vadd.s32 v3, v24;
	v30 =	vmov s16;
	v27 =	vld [tilespmem:s0+$0x40];
	s15 =	simm.s32 $0xC;
	v29 =	vadd.f32 v34, v10;
	[tilespmem:v35+s21+$0x0] =	vst.idx.msk $0xffff, v63  }
.LBB2_3:
0x4f: {  	p1 =	slt.u32 s15, $0x7C;
	s16 =	sadd.s32 $0x1, s14;
	v30 =	vand.u32 $0x7F, v30;
	[tilespmem:v26+s21+$0x0] =	vst.idx.msk $0xffff, v28;
	v21 =	vadd.f32 v21, v10;
	v26 =	vld [tilespmem:s1+$0x60];
	v28 =	vadd.s32 v3, v16  }
0x50: {  	v34 =	vmovc v15;
	v31 =	vld [tilespmem:s0+$0xFFFFFF80];
	v32 =	vmov s16;
	s16 =	sadd.s32 $0x2, s14;
	v33 =	vadd.s32 v0, v30;
	[tilespmem:v25+s21+$0x0] =	vst.idx.msk $0xffff, v29;
	v20 =	vadd.f32 v20, v8;
	s14 =	smov.u32 s15  }
0x51: {  	v16 =	vmovc v12;
	v25 =	vld [tilespmem:s0+$0xFFFFFFC0];
	v15 =	vmov s16;
	[tilespmem:v18+s21+$0x0] =	vst.idx.msk $0xffff, v21;
	v18 =	vadd.s32 v2, v11;
	v19 =	vadd.f32 v19, v8  }
0x52: {  	v21 =	vadd.s32 v0, v17;
	v32 =	vand.u32 $0x7D, v32;
	v29 =	vld [tilespmem:s0+$0x0];
	v35 =	vadd.f32 v22, v8;
	[tilespmem:v23+s21+$0x0] =	vst.idx.msk $0xffff, v20  }
0x53: {  	v20 =	vadd.s32 v0, v32;
	v15 =	vand.u32 $0x7E, v15;
	v22 =	vadd.f32 v27, v13;
	v23 =	vld [tilespmem:s1+$0xFFFFFFE0];
	[tilespmem:v24+s21+$0x0] =	vst.idx.msk $0xffff, v19  }
0x54: {  	v12 =	vmov v17;
	v19 =	vadd.s32 v0, v15;
	v24 =	vld [tilespmem:s1+$0x20];
	v26 =	vadd.f32 v26, v9;
	[tilespmem:v28+s21+$0x0] =	vst.idx.msk $0xffff, v35  }
0x55: {  	v27 =	vadd.s32 v2, v14;
	v17 =	vadd.f32 v31, v13;
	[tilespmem:v33+s21+$0x0] =	vst.idx.msk $0xffff, v22;
	v22 =	vld [tilespmem:s1+$0xFFFFFFA0]  }
0x56: {  	v31 =	vadd.s32 v2, v34;
	v25 =	vadd.f32 v25, v13;
	v28 =	vld [tilespmem:s0+$0x50];
	[tilespmem:v18+s21+$0x0] =	vst.idx.msk $0xffff, v26  }
0x57: {  	[tilespmem:v21+s21+$0x0] =	vst.idx.msk $0xffff, v17;
	v17 =	vadd.f32 v29, v13;
	v29 =	vadd.s32 v2, v16;
	v33 =	vld [tilespmem:s1+$0x70]  }
0x58: {  	v36 =	vadd.s32 v1, v30;
	v35 =	vld [tilespmem:s0+$0xFFFFFF90];
	[tilespmem:v20+s21+$0x0] =	vst.idx.msk $0xffff, v25;
	v18 =	vadd.f32 v23, v9  }
0x59: {  	v38 =	vadd.s32 v3, v11;
	v11 =	vmov v30;
	v37 =	vld [tilespmem:s0+$0xFFFFFFD0];
	[tilespmem:v19+s21+$0x0] =	vst.idx.msk $0xffff, v17;
	v17 =	vadd.f32 v24, v9  }
.Ltmp0:
0x5a: {  	v26 =	vadd.s32 v1, v12;
	v21 =	vld [tilespmem:s0+$0x10];
	v19 =	vadd.f32 v22, v9;
	[tilespmem:v27+s21+$0x0] =	vst.idx.msk $0xffff, v18;
	(pc) =	sbr.rel @p1 .LBB2_3-.Ltmp0, $4  }
0x5b: {  	v25 =	vadd.s32 v1, v32;
	v22 =	vadd.f32 v28, v10;
	v20 =	vld [tilespmem:s1+$0xFFFFFFF0];
	[tilespmem:v31+s21+$0x0] =	vst.idx.msk $0xffff, v17  }
0x5c: {  	v18 =	vadd.s32 v1, v15;
	v17 =	vmov s15;
	[tilespmem:v29+s21+$0x0] =	vst.idx.msk $0xffff, v19;
	v19 =	vld [tilespmem:s1+$0x30];
	v31 =	vadd.f32 v33, v8  }
0x5d: {  	s16 =	sadd.s32 $0x3, s15;
	v23 =	vadd.s32 v3, v14;
	v17 =	vand.u32 $0x7C, v17;
	v28 =	vadd.f32 v35, v10;
	[tilespmem:v36+s21+$0x0] =	vst.idx.msk $0xffff, v22;
	v22 =	vld [tilespmem:s1+$0xFFFFFFB0];
	s1 =	smov.u32 s0;
	s0 =	sadd.s32 $0x100, s0  }
0x5e: {  	v30 =	vmov s16;
	v14 =	vmovc v32;
	v24 =	vadd.s32 v3, v34;
	s15 =	sadd.s32 $0x4, s15;
	v27 =	vld [tilespmem:s0+$0x40];
	v29 =	vadd.f32 v37, v10;
	[tilespmem:v38+s21+$0x0] =	vst.idx.msk $0xffff, v31  }
0x5f: {  	s15 =	sadd.s32 $0x1, s14  }
0x60: {  	v30 =	vand.u32 $0x7F, v30;
	v32 =	vld [tilespmem:s0+$0xFFFFFFC0];
	v31 =	vmov s15;
	s15 =	sadd.s32 $0x2, s14  }
0x61: {  	v35 =	vld [tilespmem:s0+$0x0];
	v33 =	vadd.s32 v0, v30;
	v34 =	vmov s15;
	v31 =	vand.u32 $0x7D, v31  }
0x62: {  	v36 =	vld [tilespmem:s0+$0xFFFFFF80];
	v37 =	vadd.s32 v0, v31;
	v34 =	vand.u32 $0x7E, v34  }
0x63: {  	v38 =	vadd.s32 v0, v34  }
0x64: {  	[tilespmem:v26+s21+$0x0] =	vst.idx.msk $0xffff, v28;
	v26 =	vadd.s32 v0, v17;
	v27 =	vadd.f32 v27, v13  }
0x65: {  	[tilespmem:v25+s21+$0x0] =	vst.idx.msk $0xffff, v29;
	v25 =	vadd.f32 v32, v13  }
0x66: {  	[tilespmem:v33+s21+$0x0] =	vst.idx.msk $0xffff, v27;
	v27 =	vadd.f32 v35, v13  }
0x67: {  	v13 =	vadd.f32 v36, v13;
	v28 =	vld [tilespmem:s0+$0x50];
	[tilespmem:v37+s21+$0x0] =	vst.idx.msk $0xffff, v25  }
0x68: {  	v21 =	vadd.f32 v21, v10;
	v16 =	vadd.s32 v3, v16;
	v25 =	vld [tilespmem:s0+$0xFFFFFFD0];
	[tilespmem:v38+s21+$0x0] =	vst.idx.msk $0xffff, v27  }
0x69: {  	v20 =	vadd.f32 v20, v8;
	[tilespmem:v26+s21+$0x0] =	vst.idx.msk $0xffff, v13;
	v13 =	vadd.s32 v1, v30;
	v26 =	vld [tilespmem:s0+$0x10]  }
0x6a: {  	[tilespmem:v18+s21+$0x0] =	vst.idx.msk $0xffff, v21;
	v18 =	vadd.f32 v19, v8;
	v21 =	vadd.s32 v1, v31;
	v19 =	vld [tilespmem:s0+$0xFFFFFF90]  }
0x6b: {  	v22 =	vadd.f32 v22, v8;
	[tilespmem:v23+s21+$0x0] =	vst.idx.msk $0xffff, v20;
	v20 =	vadd.s32 v1, v34;
	v27 =	vld [tilespmem:s1+$0x60]  }
0x6c: {  	v23 =	vld [tilespmem:s1+$0xFFFFFFE0];
	[tilespmem:v24+s21+$0x0] =	vst.idx.msk $0xffff, v18;
	v18 =	vadd.s32 v1, v17;
	v24 =	vadd.f32 v28, v10  }
0x6d: {  	v29 =	vld [tilespmem:s1+$0x20];
	[tilespmem:v16+s21+$0x0] =	vst.idx.msk $0xffff, v22;
	v28 =	vadd.s32 v2, v11;
	v16 =	vadd.f32 v25, v10  }
0x6e: {  	v22 =	vld [tilespmem:s1+$0xFFFFFFA0];
	v25 =	vadd.s32 v2, v14;
	[tilespmem:v13+s21+$0x0] =	vst.idx.msk $0xffff, v24;
	v13 =	vadd.f32 v26, v10  }
0x6f: {  	v24 =	vadd.s32 v2, v15;
	v10 =	vadd.f32 v19, v10;
	v19 =	vld [tilespmem:s0+$0x60];
	[tilespmem:v21+s21+$0x0] =	vst.idx.msk $0xffff, v16  }
0x70: {  	v16 =	vadd.f32 v27, v9;
	v21 =	vadd.s32 v2, v12;
	[tilespmem:v20+s21+$0x0] =	vst.idx.msk $0xffff, v13;
	v13 =	vld [tilespmem:s0+$0xFFFFFFE0]  }
0x71: {  	v20 =	vadd.f32 v23, v9;
	[tilespmem:v18+s21+$0x0] =	vst.idx.msk $0xffff, v10;
	v10 =	vadd.s32 v2, v30;
	v18 =	vld [tilespmem:s0+$0x20]  }
0x72: {  	v26 =	vadd.s32 v2, v31;
	[tilespmem:v28+s21+$0x0] =	vst.idx.msk $0xffff, v16;
	v16 =	vadd.f32 v29, v9;
	v23 =	vld [tilespmem:s0+$0xFFFFFFA0]  }
0x73: {  	v22 =	vadd.f32 v22, v9;
	v27 =	vld [tilespmem:s1+$0x70];
	[tilespmem:v25+s21+$0x0] =	vst.idx.msk $0xffff, v20;
	v20 =	vadd.s32 v2, v34  }
0x74: {  	v25 =	vld [tilespmem:s1+$0xFFFFFFF0];
	[tilespmem:v24+s21+$0x0] =	vst.idx.msk $0xffff, v16;
	v16 =	vadd.f32 v19, v9;
	v19 =	vadd.s32 v2, v17  }
0x75: {  	v11 =	vadd.s32 v3, v11;
	[tilespmem:v21+s21+$0x0] =	vst.idx.msk $0xffff, v22;
	v21 =	vld [tilespmem:s1+$0x30];
	v13 =	vadd.f32 v13, v9  }
0x76: {  	v14 =	vadd.s32 v3, v14;
	v22 =	vld [tilespmem:s1+$0xFFFFFFB0];
	[tilespmem:v10+s21+$0x0] =	vst.idx.msk $0xffff, v16;
	v10 =	vadd.f32 v18, v9  }
0x77: {  	v15 =	vadd.s32 v3, v15;
	v16 =	vld [tilespmem:s0+$0x70];
	v9 =	vadd.f32 v23, v9;
	[tilespmem:v26+s21+$0x0] =	vst.idx.msk $0xffff, v13  }
0x78: {  	v12 =	vadd.s32 v3, v12;
	v13 =	vadd.f32 v27, v8;
	v18 =	vld [tilespmem:s0+$0xFFFFFFF0];
	[tilespmem:v20+s21+$0x0] =	vst.idx.msk $0xffff, v10  }
0x79: {  	v10 =	vadd.f32 v25, v8;
	v20 =	vadd.s32 v3, v30;
	[tilespmem:v19+s21+$0x0] =	vst.idx.msk $0xffff, v9;
	v9 =	vld [tilespmem:s0+$0x30]  }
0x7a: {  	v19 =	vadd.s32 v3, v31;
	[tilespmem:v11+s21+$0x0] =	vst.idx.msk $0xffff, v13;
	v11 =	vadd.f32 v21, v8;
	v13 =	vld [tilespmem:s0+$0xFFFFFFB0]  }
0x7b: {  	v21 =	vadd.f32 v22, v8;
	[tilespmem:v14+s21+$0x0] =	vst.idx.msk $0xffff, v10;
	v10 =	vadd.s32 v3, v34  }
0x7c: {  	v14 =	vadd.s32 v3, v17;
	[tilespmem:v15+s21+$0x0] =	vst.idx.msk $0xffff, v11;
	v11 =	vadd.f32 v16, v8  }
0x7d: {  	[tilespmem:v12+s21+$0x0] =	vst.idx.msk $0xffff, v21;
	v12 =	vadd.f32 v18, v8  }
0x7e: {  	[tilespmem:v20+s21+$0x0] =	vst.idx.msk $0xffff, v11;
	v9 =	vadd.f32 v9, v8  }
0x7f: {  	s31 =	sor.u32 $0x1, s31;
	v8 =	vadd.f32 v13, v8;
	[tilespmem:v19+s21+$0x0] =	vst.idx.msk $0xffff, v12  }
0x80: {  	s16 =	sshll.u32 s31, $0x6;
	[tilespmem:v10+s21+$0x0] =	vst.idx.msk $0xffff, v9  }
0x81: {  	s0 =	sand.u32 $0x3FFFFFC0, s16;
	[tilespmem:v14+s21+$0x0] =	vst.idx.msk $0xffff, v8  }
0x82: {  	s17 =	simm.s32 $0x3;
	s15 =	simm.s32 $0xB6F0;
	v13 =	vld [tilespmem:s0+$0x0]  }
0x83: {  	v8 =	vmov s17;
	v11 =	vld [tilespmem:s15+$0xFFFFFFD0]  }
0x84: {  	v17 =	vand.u32 $0x7F, v8  }
0x85: {  	s14 =	simm.s32 $0x0;
	v10 =	vld [tilespmem:s0+$0x10];
	v12 =	vadd.s32 v4, v17  }
0x86: {  	s16 =	simm.s32 $0x1;
	s17 =	simm.s32 $0x2;
	v8 =	vmov s14;
	v14 =	vld [tilespmem:s15+$0xFFFFFF10]  }
0x87: {  	v15 =	vld [tilespmem:s15+$0xFFFFFF50];
	v18 =	vmov s17;
	v16 =	vand.u32 $0x7C, v8;
	v8 =	vmov s16  }
0x88: {  	v20 =	vld [tilespmem:s15+$0xFFFFFF90];
	v19 =	vadd.s32 v4, v16;
	v23 =	vand.u32 $0x7D, v8;
	v11 =	vadd.f32 v11, v13  }
0x89: {  	v9 =	vld [tilespmem:s0+$0x20];
	v24 =	vand.u32 $0x7E, v18;
	v21 =	vadd.s32 v4, v23  }
0x8a: {  	v8 =	vld [tilespmem:s0+$0x30];
	v18 =	vadd.s32 v4, v24;
	[tilespmem:v12+s21+$0x0] =	vst.idx.msk $0xffff, v11  }
0x8b: {  	v11 =	vadd.f32 v14, v13;
	v12 =	vld [tilespmem:s15+$0xFFFFFFE0]  }
0x8c: {  	v14 =	vadd.f32 v15, v13  }
0x8d: {  	v15 =	vadd.s32 v5, v17;
	[tilespmem:v19+s21+$0x0] =	vst.idx.msk $0xffff, v11;
	v11 =	vadd.f32 v20, v13  }
0x8e: {  	[tilespmem:v21+s21+$0x0] =	vst.idx.msk $0xffff, v14;
	v19 =	vld [tilespmem:s15+$0xFFFFFF20]  }
0x8f: {  	v14 =	vld [tilespmem:s15+$0xFFFFFF60];
	[tilespmem:v18+s21+$0x0] =	vst.idx.msk $0xffff, v11  }
0x90: {  	v18 =	vld [tilespmem:s15+$0xFFFFFFA0];
	v11 =	vadd.f32 v12, v10  }
0x91: {  	s1 =	simm.s32 $0xB7F0;
	s17 =	simm.s32 $0x7;
	v20 =	vadd.s32 v5, v23  }
0x92: {  	v22 =	vld [tilespmem:s1+$0xFFFFFFD0];
	s16 =	simm.s32 $0x4;
	v30 =	vadd.s32 v6, v17;
	v21 =	vadd.s32 v5, v24;
	[tilespmem:v15+s21+$0x0] =	vst.idx.msk $0xffff, v11;
	v11 =	vmov s17  }
0x93: {  	v25 =	vadd.s32 v5, v16;
	v12 =	vmov s16;
	v11 =	vand.u32 $0x7F, v11;
	v26 =	vld [tilespmem:s15+$0xFFFFFFF0]  }
0x94: {  	v27 =	vld [tilespmem:s1+$0xFFFFFF10];
	s16 =	simm.s32 $0x5;
	v12 =	vand.u32 $0x7C, v12;
	v14 =	vadd.f32 v14, v10;
	v28 =	vadd.s32 v4, v11  }
0x95: {  	v29 =	vld [tilespmem:s1+$0xFFFFFF50];
	v19 =	vadd.f32 v19, v10;
	s17 =	simm.s32 $0x6;
	v15 =	vadd.f32 v18, v10;
	v18 =	vmov s16  }
0x96: {  	v31 =	vadd.s32 v4, v12;
	[tilespmem:v20+s21+$0x0] =	vst.idx.msk $0xffff, v14;
	v20 =	vmov s17;
	v14 =	vand.u32 $0x7D, v18;
	v18 =	vld [tilespmem:s1+$0xFFFFFF90]  }
0x97: {  	[tilespmem:v21+s21+$0x0] =	vst.idx.msk $0xffff, v15;
	v21 =	vadd.s32 v4, v14;
	v15 =	vand.u32 $0x7E, v20;
	v20 =	vadd.f32 v22, v13;
	v22 =	vld [tilespmem:s15+$0xFFFFFF70]  }
0x98: {  	[tilespmem:v25+s21+$0x0] =	vst.idx.msk $0xffff, v19;
	v19 =	vadd.s32 v4, v15;
	v25 =	vld [tilespmem:s15+$0xFFFFFFB0];
	v26 =	vadd.f32 v26, v9  }
0x99: {  	v27 =	vadd.f32 v27, v13;
	[tilespmem:v28+s21+$0x0] =	vst.idx.msk $0xffff, v20;
	v20 =	vld [tilespmem:s15+$0xFFFFFF30];
	v28 =	vadd.s32 v6, v23  }
0x9a: {  	v60 =	vadd.s32 v6, v24;
	v29 =	vadd.f32 v29, v13;
	v59 =	vld [tilespmem:s1+$0xFFFFFFE0];
	[tilespmem:v30+s21+$0x0] =	vst.idx.msk $0xffff, v26  }
0x9b: {  	[tilespmem:v31+s21+$0x0] =	vst.idx.msk $0xffff, v27;
	v27 =	vadd.s32 v6, v16;
	v18 =	vadd.f32 v18, v13;
	v30 =	vld [tilespmem:s15+$0x0]  }
0x9c: {  	v31 =	vld [tilespmem:s1+$0xFFFFFF20];
	[tilespmem:v21+s21+$0x0] =	vst.idx.msk $0xffff, v29;
	v29 =	vadd.s32 v5, v11;
	v22 =	vadd.f32 v22, v9  }
0x9d: {  	v62 =	vadd.s32 v7, v17;
	v61 =	vld [tilespmem:s1+$0xFFFFFF60];
	[tilespmem:v19+s21+$0x0] =	vst.idx.msk $0xffff, v18;
	v18 =	vadd.f32 v25, v9  }
0x9e: {  	v26 =	vadd.s32 v5, v12;
	v21 =	vld [tilespmem:s1+$0xFFFFFFA0];
	v17 =	vadd.f32 v20, v9;
	[tilespmem:v28+s21+$0x0] =	vst.idx.msk $0xffff, v22  }
0x9f: {  	s14 =	simm.s32 $0x8;
	v25 =	vadd.s32 v5, v14;
	[tilespmem:v60+s21+$0x0] =	vst.idx.msk $0xffff, v18;
	v22 =	vadd.f32 v59, v10;
	v20 =	vld [tilespmem:s15+$0xFFFFFF80]  }
0xa0: {  	v28 =	vmov s14;
	v18 =	vadd.s32 v5, v15;
	v19 =	vld [tilespmem:s15+$0xFFFFFFC0];
	[tilespmem:v27+s21+$0x0] =	vst.idx.msk $0xffff, v17;
	v63 =	vadd.f32 v30, v8  }
0xa1: {  	s0 =	simm.s32 $0xB8F0;
	s16 =	simm.s32 $0xB;
	v23 =	vadd.s32 v7, v23;
	v17 =	vand.u32 $0x7C, v28;
	v28 =	vadd.f32 v31, v10;
	[tilespmem:v29+s21+$0x0] =	vst.idx.msk $0xffff, v22;
	v22 =	vld [tilespmem:s15+$0xFFFFFF40]  }
0xa2: {  	v24 =	vadd.s32 v7, v24;
	v30 =	vmov s16;
	v27 =	vld [tilespmem:s0+$0xFFFFFFD0];
	s15 =	simm.s32 $0xC;
	v29 =	vadd.f32 v61, v10;
	[tilespmem:v62+s21+$0x0] =	vst.idx.msk $0xffff, v63  }
.LBB2_5:
0xa3: {  	p1 =	slt.u32 s15, $0x7C;
	s16 =	sadd.s32 $0x1, s14;
	v30 =	vand.u32 $0x7F, v30;
	[tilespmem:v26+s21+$0x0] =	vst.idx.msk $0xffff, v28;
	v21 =	vadd.f32 v21, v10;
	v26 =	vld [tilespmem:s1+$0xFFFFFFF0];
	v28 =	vadd.s32 v7, v16  }
0xa4: {  	v34 =	vmovc v15;
	v31 =	vld [tilespmem:s0+$0xFFFFFF10];
	v32 =	vmov s16;
	s16 =	sadd.s32 $0x2, s14;
	v33 =	vadd.s32 v4, v30;
	[tilespmem:v25+s21+$0x0] =	vst.idx.msk $0xffff, v29;
	v20 =	vadd.f32 v20, v8;
	s14 =	smov.u32 s15  }
0xa5: {  	v16 =	vmovc v12;
	v25 =	vld [tilespmem:s0+$0xFFFFFF50];
	v15 =	vmov s16;
	[tilespmem:v18+s21+$0x0] =	vst.idx.msk $0xffff, v21;
	v18 =	vadd.s32 v6, v11;
	v19 =	vadd.f32 v19, v8  }
0xa6: {  	v21 =	vadd.s32 v4, v17;
	v32 =	vand.u32 $0x7D, v32;
	v29 =	vld [tilespmem:s0+$0xFFFFFF90];
	v35 =	vadd.f32 v22, v8;
	[tilespmem:v23+s21+$0x0] =	vst.idx.msk $0xffff, v20  }
0xa7: {  	v20 =	vadd.s32 v4, v32;
	v15 =	vand.u32 $0x7E, v15;
	v22 =	vadd.f32 v27, v13;
	v23 =	vld [tilespmem:s1+$0xFFFFFF70];
	[tilespmem:v24+s21+$0x0] =	vst.idx.msk $0xffff, v19  }
0xa8: {  	v12 =	vmov v17;
	v19 =	vadd.s32 v4, v15;
	v24 =	vld [tilespmem:s1+$0xFFFFFFB0];
	v26 =	vadd.f32 v26, v9;
	[tilespmem:v28+s21+$0x0] =	vst.idx.msk $0xffff, v35  }
0xa9: {  	v27 =	vadd.s32 v6, v14;
	v17 =	vadd.f32 v31, v13;
	[tilespmem:v33+s21+$0x0] =	vst.idx.msk $0xffff, v22;
	v22 =	vld [tilespmem:s1+$0xFFFFFF30]  }
0xaa: {  	v31 =	vadd.s32 v6, v34;
	v25 =	vadd.f32 v25, v13;
	v28 =	vld [tilespmem:s0+$0xFFFFFFE0];
	[tilespmem:v18+s21+$0x0] =	vst.idx.msk $0xffff, v26  }
0xab: {  	[tilespmem:v21+s21+$0x0] =	vst.idx.msk $0xffff, v17;
	v17 =	vadd.f32 v29, v13;
	v29 =	vadd.s32 v6, v16;
	v33 =	vld [tilespmem:s1+$0x0]  }
0xac: {  	v36 =	vadd.s32 v5, v30;
	v35 =	vld [tilespmem:s0+$0xFFFFFF20];
	[tilespmem:v20+s21+$0x0] =	vst.idx.msk $0xffff, v25;
	v18 =	vadd.f32 v23, v9  }
0xad: {  	v38 =	vadd.s32 v7, v11;
	v11 =	vmov v30;
	v37 =	vld [tilespmem:s0+$0xFFFFFF60];
	[tilespmem:v19+s21+$0x0] =	vst.idx.msk $0xffff, v17;
	v17 =	vadd.f32 v24, v9  }
.Ltmp1:
0xae: {  	v26 =	vadd.s32 v5, v12;
	v21 =	vld [tilespmem:s0+$0xFFFFFFA0];
	v19 =	vadd.f32 v22, v9;
	[tilespmem:v27+s21+$0x0] =	vst.idx.msk $0xffff, v18;
	(pc) =	sbr.rel @p1 .LBB2_5-.Ltmp1, $4  }
0xaf: {  	v25 =	vadd.s32 v5, v32;
	v22 =	vadd.f32 v28, v10;
	v20 =	vld [tilespmem:s1+$0xFFFFFF80];
	[tilespmem:v31+s21+$0x0] =	vst.idx.msk $0xffff, v17  }
0xb0: {  	v18 =	vadd.s32 v5, v15;
	v17 =	vmov s15;
	[tilespmem:v29+s21+$0x0] =	vst.idx.msk $0xffff, v19;
	v19 =	vld [tilespmem:s1+$0xFFFFFFC0];
	v31 =	vadd.f32 v33, v8  }
0xb1: {  	s16 =	sadd.s32 $0x3, s15;
	v23 =	vadd.s32 v7, v14;
	v17 =	vand.u32 $0x7C, v17;
	v28 =	vadd.f32 v35, v10;
	[tilespmem:v36+s21+$0x0] =	vst.idx.msk $0xffff, v22;
	v22 =	vld [tilespmem:s1+$0xFFFFFF40];
	s1 =	smov.u32 s0;
	s0 =	sadd.s32 $0x100, s0  }
0xb2: {  	v30 =	vmov s16;
	v14 =	vmovc v32;
	v24 =	vadd.s32 v7, v34;
	s15 =	sadd.s32 $0x4, s15;
	v27 =	vld [tilespmem:s0+$0xFFFFFFD0];
	v29 =	vadd.f32 v37, v10;
	[tilespmem:v38+s21+$0x0] =	vst.idx.msk $0xffff, v31  }
0xb3: {  	s15 =	sadd.s32 $0x1, s14  }
0xb4: {  	v30 =	vand.u32 $0x7F, v30;
	v32 =	vld [tilespmem:s0+$0xFFFFFF50];
	v31 =	vmov s15;
	s15 =	sadd.s32 $0x2, s14  }
0xb5: {  	v35 =	vld [tilespmem:s0+$0xFFFFFF90];
	v33 =	vadd.s32 v4, v30;
	v34 =	vmov s15;
	v31 =	vand.u32 $0x7D, v31  }
0xb6: {  	v36 =	vld [tilespmem:s0+$0xFFFFFF10];
	v37 =	vadd.s32 v4, v31;
	v34 =	vand.u32 $0x7E, v34  }
0xb7: {  	v38 =	vadd.s32 v4, v34  }
0xb8: {  	[tilespmem:v26+s21+$0x0] =	vst.idx.msk $0xffff, v28;
	v63 =	vadd.s32 v4, v17;
	v27 =	vadd.f32 v27, v13  }
0xb9: {  	[tilespmem:v25+s21+$0x0] =	vst.idx.msk $0xffff, v29;
	v39 =	vadd.f32 v32, v13  }
0xba: {  	v40 =	vadd.f32 v35, v13;
	[tilespmem:v33+s21+$0x0] =	vst.idx.msk $0xffff, v27  }
0xbb: {  	v41 =	vadd.f32 v36, v13;
	v42 =	vld [tilespmem:s0+$0xFFFFFFE0];
	[tilespmem:v37+s21+$0x0] =	vst.idx.msk $0xffff, v39  }
0xbc: {  	v21 =	vadd.f32 v21, v10;
	v16 =	vadd.s32 v7, v16;
	v25 =	vld [tilespmem:s0+$0xFFFFFF60];
	[tilespmem:v38+s21+$0x0] =	vst.idx.msk $0xffff, v40  }
0xbd: {  	v20 =	vadd.f32 v20, v8;
	v43 =	vadd.s32 v5, v30;
	[tilespmem:v63+s21+$0x0] =	vst.idx.msk $0xffff, v41;
	v44 =	vld [tilespmem:s0+$0xFFFFFFA0]  }
0xbe: {  	[tilespmem:v18+s21+$0x0] =	vst.idx.msk $0xffff, v21;
	v45 =	vadd.f32 v19, v8;
	v47 =	vadd.s32 v5, v31;
	v46 =	vld [tilespmem:s0+$0xFFFFFF20]  }
0xbf: {  	v22 =	vadd.f32 v22, v8;
	[tilespmem:v23+s21+$0x0] =	vst.idx.msk $0xffff, v20;
	v54 =	vld [tilespmem:s1+$0xFFFFFFB0];
	v49 =	vadd.s32 v5, v34  }
0xc0: {  	v48 =	vld [tilespmem:s1+$0xFFFFFFF0];
	v51 =	vadd.s32 v5, v17;
	[tilespmem:v24+s21+$0x0] =	vst.idx.msk $0xffff, v45;
	v52 =	vadd.f32 v42, v10  }
0xc1: {  	v59 =	vadd.s32 v6, v15;
	v56 =	vld [tilespmem:s1+$0xFFFFFF30];
	[tilespmem:v16+s21+$0x0] =	vst.idx.msk $0xffff, v22;
	v55 =	vadd.f32 v25, v10  }
0xc2: {  	v53 =	vadd.s32 v6, v11;
	v50 =	vld [tilespmem:s1+$0xFFFFFF70];
	[tilespmem:v43+s21+$0x0] =	vst.idx.msk $0xffff, v52;
	v58 =	vadd.f32 v44, v10  }
0xc3: {  	v63 =	vadd.s32 v6, v12;
	v60 =	vadd.f32 v46, v10;
	v61 =	vld [tilespmem:s0+$0xFFFFFFF0];
	[tilespmem:v47+s21+$0x0] =	vst.idx.msk $0xffff, v55  }
0xc4: {  	v57 =	vadd.s32 v6, v14;
	v37 =	vadd.f32 v54, v9;
	[tilespmem:v49+s21+$0x0] =	vst.idx.msk $0xffff, v58;
	v32 =	vld [tilespmem:s0+$0xFFFFFF70]  }
0xc5: {  	v62 =	vadd.f32 v48, v9;
	v35 =	vadd.s32 v6, v30;
	[tilespmem:v51+s21+$0x0] =	vst.idx.msk $0xffff, v60;
	v36 =	vld [tilespmem:s0+$0xFFFFFFB0]  }
0xc6: {  	v22 =	vadd.f32 v56, v9;
	v39 =	vadd.s32 v6, v31;
	[tilespmem:v59+s21+$0x0] =	vst.idx.msk $0xffff, v37;
	v38 =	vld [tilespmem:s0+$0xFFFFFF30]  }
0xc7: {  	v33 =	vadd.f32 v50, v9;
	[tilespmem:v53+s21+$0x0] =	vst.idx.msk $0xffff, v62;
	v41 =	vadd.s32 v6, v34;
	v45 =	vld [tilespmem:s1+$0xFFFFFFC0]  }
0xc8: {  	v40 =	vld [tilespmem:s1+$0x0];
	[tilespmem:v63+s21+$0x0] =	vst.idx.msk $0xffff, v22;
	v43 =	vadd.s32 v6, v17;
	v42 =	vadd.f32 v61, v9  }
0xc9: {  	v48 =	vadd.s32 v7, v15;
	[tilespmem:v57+s21+$0x0] =	vst.idx.msk $0xffff, v33;
	v22 =	vld [tilespmem:s1+$0xFFFFFF40];
	v13 =	vadd.f32 v32, v9  }
0xca: {  	v25 =	vld [tilespmem:s1+$0xFFFFFF80];
	v44 =	vadd.s32 v7, v11;
	[tilespmem:v35+s21+$0x0] =	vst.idx.msk $0xffff, v42;
	v47 =	vadd.f32 v36, v9  }
0xcb: {  	v51 =	vadd.s32 v7, v12;
	v49 =	vadd.f32 v38, v9;
	v16 =	vld [tilespmem:s0+$0x0];
	[tilespmem:v39+s21+$0x0] =	vst.idx.msk $0xffff, v13  }
0xcc: {  	v46 =	vadd.s32 v7, v14;
	v56 =	vadd.f32 v45, v8;
	v52 =	vld [tilespmem:s0+$0xFFFFFF80];
	[tilespmem:v41+s21+$0x0] =	vst.idx.msk $0xffff, v47  }
0xcd: {  	v54 =	vadd.s32 v7, v30;
	v50 =	vadd.f32 v40, v8;
	[tilespmem:v43+s21+$0x0] =	vst.idx.msk $0xffff, v49;
	v55 =	vld [tilespmem:s0+$0xFFFFFFC0]  }
0xce: {  	v58 =	vadd.s32 v7, v31;
	v59 =	vadd.f32 v22, v8;
	[tilespmem:v48+s21+$0x0] =	vst.idx.msk $0xffff, v56;
	v57 =	vld [tilespmem:s0+$0xFFFFFF40]  }
0xcf: {  	v60 =	vadd.s32 v7, v34;
	v53 =	vadd.f32 v25, v8;
	[tilespmem:v44+s21+$0x0] =	vst.idx.msk $0xffff, v50  }
0xd0: {  	v62 =	vadd.s32 v7, v17;
	[tilespmem:v51+s21+$0x0] =	vst.idx.msk $0xffff, v59;
	v61 =	vadd.f32 v16, v8  }
0xd1: {  	[tilespmem:v46+s21+$0x0] =	vst.idx.msk $0xffff, v53;
	v63 =	vadd.f32 v52, v8  }
0xd2: {  	s16 =	sshll.u32 s28, $0x14;
	[tilespmem:v54+s21+$0x0] =	vst.idx.msk $0xffff, v61;
	v9 =	vadd.f32 v55, v8  }
0xd3: {  	s0 =	sor.u32 s8, s16;
	v8 =	vadd.f32 v57, v8;
	[tilespmem:v58+s21+$0x0] =	vst.idx.msk $0xffff, v63  }
0xd4: {  	s0 =	sshrl.u32 s0, $0x3;
	[tilespmem:v60+s21+$0x0] =	vst.idx.msk $0xffff, v9  }
0xd5: {  	s17 =	simm.s32 $0x11600;
	s1 =	sadd.s32 s2, s0;
	[tilespmem:v62+s21+$0x0] =	vst.idx.msk $0xffff, v8  }
0xd6: {  	[hbm4b:s1+s3] =	stream.linear.scatter [tilespmem:s17], [sflag:$0x3], $0x80, $0x38;
	[tilespmem:$0x19E00] =	vst v63  }
0xd7: {  	s14 =	simm.s32 $0x11688;
	s15 =	sadd.s32 $0x10, s1  }
0xd8: {  	[hbm4b:s15+s3] =	stream.linear.scatter [tilespmem:s14], [sflag:$0x3], $0x80, $0x38;
	[tilespmem:$0x19E00] =	vst v63  }
0xd9: {  	s16 =	simm.s32 $0x11710;
	s17 =	sadd.s32 $0x20, s1  }
0xda: {  	[hbm4b:s17+s3] =	stream.linear.scatter [tilespmem:s16], [sflag:$0x3], $0x80, $0x38;
	[tilespmem:$0x19E00] =	vst v63  }
0xdb: {  	s14 =	simm.s32 $0x11798;
	s15 =	sadd.s32 $0x30, s1  }
0xdc: {  	[hbm4b:s15+s3] =	stream.linear.scatter [tilespmem:s14], [sflag:$0x3], $0x80, $0x38;
	[tilespmem:$0x19E00] =	vst v63  }
0xdd: {  	s16 =	simm.s32 $0x11820;
	s17 =	sadd.s32 $0x40, s1  }
0xde: {  	[hbm4b:s17+s3] =	stream.linear.scatter [tilespmem:s16], [sflag:$0x3], $0x80, $0x38;
	[tilespmem:$0x19E00] =	vst v63  }
0xdf: {  	s0 =	simm.s32 $0x440;
	s14 =	simm.s32 $0x118A8;
	s15 =	sadd.s32 $0x50, s1  }
0xe0: {  	[hbm4b:s15+s3] =	stream.linear.scatter [tilespmem:s14], [sflag:$0x3], $0x80, $0x38;
	[tilespmem:$0x19E00] =	vst v63  }
0xe1: {  	s16 =	simm.s32 $0x11930;
	s17 =	sadd.s32 $0x60, s1;
	s14 =	simm.s32 $0x2200  }
0xe2: {  	[hbm4b:s17+s3] =	stream.linear.scatter [tilespmem:s16], [sflag:$0x3], $0x80, $0x38;
	[tilespmem:$0x19E00] =	vst v63  }
0xe3: {  	s15 =	simm.s32 $0x119B8;
	s16 =	sadd.s32 $0x70, s1;
	s1 =	sadd.s32 $0x1000, s1  }
.LBB2_7:
0xe4: {  	[hbm4b:s16+s3] =	stream.linear.scatter [tilespmem:s15], [sflag:$0x3], $0x80, $0x38;
	[tilespmem:$0x19E00] =	vst v63  }
0xe5: {  	s15 =	smov.u32 s0;
	s0 =	smov.u32 s14  }
0xe6: {  	s17 =	sadd.s32 $0x1100, s14;
	s0 =	sshra.s32 s0, $0x2;
	s16 =	sadd.s32 $0x11600, s15  }
0xe7: {  	[hbm4b:s1+s3] =	stream.linear.scatter [tilespmem:s16], [sflag:$0x3], $0x80, $0x38;
	[tilespmem:$0x19E00] =	vst v63  }
0xe8: {  	p1 =	sne.s32 s14, $0x7700;
	s14 =	sadd.s32 $0x11688, s15;
	s16 =	sadd.s32 $0x10, s1  }
0xe9: {  	[hbm4b:s16+s3] =	stream.linear.scatter [tilespmem:s14], [sflag:$0x3], $0x80, $0x38;
	[tilespmem:$0x19E00] =	vst v63  }
0xea: {  	s14 =	sadd.s32 $0x11710, s15;
	s16 =	sadd.s32 $0x20, s1  }
0xeb: {  	[hbm4b:s16+s3] =	stream.linear.scatter [tilespmem:s14], [sflag:$0x3], $0x80, $0x38;
	[tilespmem:$0x19E00] =	vst v63  }
0xec: {  	s14 =	sadd.s32 $0x11798, s15;
	s16 =	sadd.s32 $0x30, s1  }
0xed: {  	[hbm4b:s16+s3] =	stream.linear.scatter [tilespmem:s14], [sflag:$0x3], $0x80, $0x38;
	[tilespmem:$0x19E00] =	vst v63  }
0xee: {  	s14 =	sadd.s32 $0x11820, s15;
	s16 =	sadd.s32 $0x40, s1  }
0xef: {  	[hbm4b:s16+s3] =	stream.linear.scatter [tilespmem:s14], [sflag:$0x3], $0x80, $0x38;
	[tilespmem:$0x19E00] =	vst v63  }
.Ltmp2:
0xf0: {  	s14 =	sadd.s32 $0x118A8, s15;
	s16 =	sadd.s32 $0x50, s1;
	(pc) =	sbr.rel @p1 .LBB2_7-.Ltmp2, $4  }
0xf1: {  	[hbm4b:s16+s3] =	stream.linear.scatter [tilespmem:s14], [sflag:$0x3], $0x80, $0x38;
	[tilespmem:$0x19E00] =	vst v63  }
0xf2: {  	s14 =	sadd.s32 $0x11930, s15;
	s16 =	sadd.s32 $0x60, s1;
	s15 =	sadd.s32 $0x119B8, s15  }
0xf3: {  	[hbm4b:s16+s3] =	stream.linear.scatter [tilespmem:s14], [sflag:$0x3], $0x80, $0x38;
	[tilespmem:$0x19E00] =	vst v63  }
0xf4: {  	s16 =	sadd.s32 $0x70, s1;
	s1 =	sadd.s32 $0x1000, s1;
	s14 =	smov.u32 s17  }
0xf5: {  	[hbm4b:s16+s3] =	stream.linear.scatter [tilespmem:s15], [sflag:$0x3], $0x80, $0x38;
	[tilespmem:$0x19E00] =	vst v63  }
0xf6: {  	s14 =	sadd.s32 $0x11600, s0  }
0xf7: {  	[hbm4b:s1+s3] =	stream.linear.scatter [tilespmem:s14], [sflag:$0x3], $0x80, $0x38;
	[tilespmem:$0x19E00] =	vst v63  }
0xf8: {  	s16 =	sadd.s32 $0x11688, s0;
	s17 =	sadd.s32 $0x10, s1  }
0xf9: {  	[hbm4b:s17+s3] =	stream.linear.scatter [tilespmem:s16], [sflag:$0x3], $0x80, $0x38;
	[tilespmem:$0x19E00] =	vst v63  }
0xfa: {  	s16 =	sadd.s32 $0x11710, s0;
	s17 =	sadd.s32 $0x20, s1  }
0xfb: {  	[hbm4b:s17+s3] =	stream.linear.scatter [tilespmem:s16], [sflag:$0x3], $0x80, $0x38;
	[tilespmem:$0x19E00] =	vst v63  }
0xfc: {  	s16 =	sadd.s32 $0x11798, s0;
	s17 =	sadd.s32 $0x30, s1  }
0xfd: {  	[hbm4b:s17+s3] =	stream.linear.scatter [tilespmem:s16], [sflag:$0x3], $0x80, $0x38;
	[tilespmem:$0x19E00] =	vst v63  }
0xfe: {  	s16 =	sadd.s32 $0x11820, s0;
	s17 =	sadd.s32 $0x40, s1  }
0xff: {  	[hbm4b:s17+s3] =	stream.linear.scatter [tilespmem:s16], [sflag:$0x3], $0x80, $0x38;
	[tilespmem:$0x19E00] =	vst v63  }
0x100: {  	s16 =	sadd.s32 $0x118A8, s0;
	s17 =	sadd.s32 $0x50, s1  }
0x101: {  	[hbm4b:s17+s3] =	stream.linear.scatter [tilespmem:s16], [sflag:$0x3], $0x80, $0x38;
	[tilespmem:$0x19E00] =	vst v63  }
0x102: {  	s16 =	sadd.s32 $0x11930, s0;
	s17 =	sadd.s32 $0x60, s1  }
0x103: {  	[hbm4b:s17+s3] =	stream.linear.scatter [tilespmem:s16], [sflag:$0x3], $0x80, $0x38;
	[tilespmem:$0x19E00] =	vst v63  }
0x104: {  	s17 =	sadd.s32 $0x70, s1;
	s1 =	sshll.u32 s31, $0x12  }
0x105: {  	s16 =	sadd.s32 $0x119B8, s0;
	s0 =	sor.u32 s8, s1  }
0x106: {  	[hbm4b:s17+s3] =	stream.linear.scatter [tilespmem:s16], [sflag:$0x3], $0x80, $0x38;
	[tilespmem:$0x19E00] =	vst v63  }
0x107: {  	s0 =	sshrl.u32 s0, $0x3  }
0x108: {  	s14 =	simm.s32 $0x13800;
	s1 =	sadd.s32 s2, s0  }
0x109: {  	[hbm4b:s1+s3] =	stream.linear.scatter [tilespmem:s14], [sflag:$0x3], $0x80, $0x38;
	[tilespmem:$0x19E00] =	vst v63  }
0x10a: {  	s15 =	simm.s32 $0x13888;
	s16 =	sadd.s32 $0x10, s1  }
0x10b: {  	[hbm4b:s16+s3] =	stream.linear.scatter [tilespmem:s15], [sflag:$0x3], $0x80, $0x38;
	[tilespmem:$0x19E00] =	vst v63  }
0x10c: {  	s17 =	simm.s32 $0x13910;
	s0 =	simm.s32 $0x440;
	s31 =	sadd.s32 $0x20, s1  }
0x10d: {  	[hbm4b:s31+s3] =	stream.linear.scatter [tilespmem:s17], [sflag:$0x3], $0x80, $0x38;
	[tilespmem:$0x19E00] =	vst v63  }
0x10e: {  	s14 =	simm.s32 $0x2200;
	s15 =	simm.s32 $0x13998;
	s16 =	sadd.s32 $0x30, s1  }
0x10f: {  	[hbm4b:s16+s3] =	stream.linear.scatter [tilespmem:s15], [sflag:$0x3], $0x80, $0x38;
	[tilespmem:$0x19E00] =	vst v63  }
0x110: {  	s17 =	simm.s32 $0x13A20;
	s31 =	sadd.s32 $0x40, s1;
	s15 =	simm.s32 $0x13AA8  }
0x111: {  	[hbm4b:s31+s3] =	stream.linear.scatter [tilespmem:s17], [sflag:$0x3], $0x80, $0x38;
	[tilespmem:$0x19E00] =	vst v63  }
0x112: {  	s16 =	sadd.s32 $0x50, s1;
	s17 =	simm.s32 $0x13B30;
	s31 =	sadd.s32 $0x60, s1  }
0x113: {  	[hbm4b:s16+s3] =	stream.linear.scatter [tilespmem:s15], [sflag:$0x3], $0x80, $0x38;
	[tilespmem:$0x19E00] =	vst v63  }
0x114: {  	s15 =	simm.s32 $0x13BB8;
	s16 =	sadd.s32 $0x70, s1;
	s1 =	sadd.s32 $0x1000, s1  }
0x115: {  	[hbm4b:s31+s3] =	stream.linear.scatter [tilespmem:s17], [sflag:$0x3], $0x80, $0x38;
	[tilespmem:$0x19E00] =	vst v63  }
.LBB2_9:
0x116: {  	[hbm4b:s16+s3] =	stream.linear.scatter [tilespmem:s15], [sflag:$0x3], $0x80, $0x38;
	[tilespmem:$0x19E00] =	vst v63  }
0x117: {  	s15 =	smov.u32 s0;
	s0 =	smov.u32 s14  }
0x118: {  	s17 =	sadd.s32 $0x1100, s14;
	s0 =	sshra.s32 s0, $0x2;
	s16 =	sadd.s32 $0x13800, s15  }
0x119: {  	[hbm4b:s1+s3] =	stream.linear.scatter [tilespmem:s16], [sflag:$0x3], $0x80, $0x38;
	[tilespmem:$0x19E00] =	vst v63  }
0x11a: {  	p1 =	sne.s32 s14, $0x7700;
	s14 =	sadd.s32 $0x13888, s15;
	s16 =	sadd.s32 $0x10, s1  }
0x11b: {  	[hbm4b:s16+s3] =	stream.linear.scatter [tilespmem:s14], [sflag:$0x3], $0x80, $0x38;
	[tilespmem:$0x19E00] =	vst v63  }
0x11c: {  	s14 =	sadd.s32 $0x13910, s15;
	s16 =	sadd.s32 $0x20, s1  }
0x11d: {  	[hbm4b:s16+s3] =	stream.linear.scatter [tilespmem:s14], [sflag:$0x3], $0x80, $0x38;
	[tilespmem:$0x19E00] =	vst v63  }
0x11e: {  	s14 =	sadd.s32 $0x13998, s15;
	s16 =	sadd.s32 $0x30, s1  }
0x11f: {  	[hbm4b:s16+s3] =	stream.linear.scatter [tilespmem:s14], [sflag:$0x3], $0x80, $0x38;
	[tilespmem:$0x19E00] =	vst v63  }
0x120: {  	s14 =	sadd.s32 $0x13A20, s15;
	s16 =	sadd.s32 $0x40, s1  }
0x121: {  	[hbm4b:s16+s3] =	stream.linear.scatter [tilespmem:s14], [sflag:$0x3], $0x80, $0x38;
	[tilespmem:$0x19E00] =	vst v63  }
.Ltmp3:
0x122: {  	s14 =	sadd.s32 $0x13AA8, s15;
	s16 =	sadd.s32 $0x50, s1;
	(pc) =	sbr.rel @p1 .LBB2_9-.Ltmp3, $4  }
0x123: {  	[hbm4b:s16+s3] =	stream.linear.scatter [tilespmem:s14], [sflag:$0x3], $0x80, $0x38;
	[tilespmem:$0x19E00] =	vst v63  }
0x124: {  	s14 =	sadd.s32 $0x13B30, s15;
	s16 =	sadd.s32 $0x60, s1;
	s15 =	sadd.s32 $0x13BB8, s15  }
0x125: {  	[hbm4b:s16+s3] =	stream.linear.scatter [tilespmem:s14], [sflag:$0x3], $0x80, $0x38;
	[tilespmem:$0x19E00] =	vst v63  }
0x126: {  	s16 =	sadd.s32 $0x70, s1;
	s1 =	sadd.s32 $0x1000, s1;
	s14 =	smov.u32 s17  }
0x127: {  	[hbm4b:s16+s3] =	stream.linear.scatter [tilespmem:s15], [sflag:$0x3], $0x80, $0x38;
	[tilespmem:$0x19E00] =	vst v63  }
0x128: {  	s14 =	sadd.s32 $0x13800, s0  }
0x129: {  	[hbm4b:s1+s3] =	stream.linear.scatter [tilespmem:s14], [sflag:$0x3], $0x80, $0x38;
	[tilespmem:$0x19E00] =	vst v63  }
0x12a: {  	s15 =	sadd.s32 $0x13888, s0;
	s16 =	sadd.s32 $0x10, s1  }
0x12b: {  	[hbm4b:s16+s3] =	stream.linear.scatter [tilespmem:s15], [sflag:$0x3], $0x80, $0x38;
	[tilespmem:$0x19E00] =	vst v63  }
0x12c: {  	s17 =	sadd.s32 $0x13910, s0;
	s31 =	sadd.s32 $0x20, s1  }
0x12d: {  	[hbm4b:s31+s3] =	stream.linear.scatter [tilespmem:s17], [sflag:$0x3], $0x80, $0x38;
	[tilespmem:$0x19E00] =	vst v63  }
0x12e: {  	s15 =	sadd.s32 $0x13998, s0;
	s16 =	sadd.s32 $0x30, s1  }
0x12f: {  	[hbm4b:s16+s3] =	stream.linear.scatter [tilespmem:s15], [sflag:$0x3], $0x80, $0x38;
	[tilespmem:$0x19E00] =	vst v63  }
0x130: {  	p1 =	seq.s32 s28, $0x31;
	s17 =	sadd.s32 $0x13A20, s0;
	s31 =	sadd.s32 $0x40, s1  }
0x131: {  	[hbm4b:s31+s3] =	stream.linear.scatter [tilespmem:s17], [sflag:$0x3], $0x80, $0x38;
	[tilespmem:$0x19E00] =	vst v63  }
0x132: {  	s14 =	sadd.s32 $0x13BB8, s0;
	s15 =	sadd.s32 $0x13AA8, s0;
	s16 =	sadd.s32 $0x50, s1  }
0x133: {  	[hbm4b:s16+s3] =	stream.linear.scatter [tilespmem:s15], [sflag:$0x3], $0x80, $0x38;
	[tilespmem:$0x19E00] =	vst v63  }
0x134: {  	s17 =	sadd.s32 $0x13B30, s0;
	s31 =	sadd.s32 $0x60, s1;
	s0 =	sshll.u32 @!p1 s28, $0x9  }
0x135: {  	[hbm4b:s31+s3] =	stream.linear.scatter [tilespmem:s17], [sflag:$0x3], $0x80, $0x38;
	[tilespmem:$0x19E00] =	vst v63  }
0x136: {  	s0 =	sand.u32 @!p1 $0x3FFFFE00, s0;
	s15 =	sadd.s32 $0x70, s1  }
0x137: {  	[hbm4b:s15+s3] =	stream.linear.scatter [tilespmem:s14], [sflag:$0x3], $0x80, $0x38;
	[tilespmem:$0x19E00] =	vst v63  }
0x138: {  	s1 =	sadd.s32 @!p1 $0x3400, s0;
	s14 =	simm.s32 @!p1 $0x80;
	s15 =	simm.s32 @!p1 $0x9600  }
0x139: {  	[tilespmem:s15], [sflag:$0x1] =	stream.indirect.gather @!p1 [hbm4b:s4+s14], $0x40, s1, s14, $0xb8;
	[tilespmem:$0x19E00] =	vst v63  }
0x13a: {  	s0 =	sadd.s32 @!p1 $0x3480, s0;
	s1 =	simm.s32 @!p1 $0xB600  }
0x13b: {  	[tilespmem:s1], [sflag:$0x1] =	stream.indirect.gather @!p1 [hbm4b:s4+s14], $0x40, s0, s14, $0xb8;
	[tilespmem:$0x19E00] =	vst v63  }
0x13c: {  	_ =	swait.ge [sflag:s22], $0x2000  }
0x13d: {  	[sflag:s22] =	ssyncset.done $0x0  }
0x13e: {  	[sflag:s22] =	ssyncadd.s32 $0xFFFFE000  }
0x13f: {  	_ =	swait.ge [sflag:s22], $0x2000  }
0x140: {  	[sflag:s22] =	ssyncset.done $0x0  }
0x141: {  	s0 =	simm.s32 @!p0 $0x4;
	[sflag:s22] =	ssyncadd.s32 $0xFFFFE000  }
0x142: {  	_ =	swait.ge @!p0 [sflag:s0], $0x2000  }
0x143: {  	[sflag:s0] =	ssyncset.done @!p0 $0x0  }
0x144: {  	[sflag:s0] =	ssyncadd.s32 @!p0 $0xFFFFE000  }
0x145: {  	_ =	swait.ge @!p0 [sflag:s0], $0x2000  }
0x146: {  	s16 =	sshll.u32 s30, $0x6;
	[sflag:s0] =	ssyncset.done @!p0 $0x0  }
0x147: {  	[sflag:s0] =	ssyncadd.s32 @!p0 $0xFFFFE000;
	s0 =	sand.u32 $0x3FFFFFC0, s16  }
0x148: {  	s17 =	simm.s32 $0x3;
	s15 =	simm.s32 $0xD680;
	v13 =	vld [tilespmem:s0+$0x0]  }
0x149: {  	v8 =	vmov s17;
	v11 =	vld [tilespmem:s15+$0x40]  }
0x14a: {  	s31 =	simm.s32 $0x0;
	v17 =	vand.u32 $0x7F, v8  }
0x14b: {  	v8 =	vmov s31;
	v12 =	vadd.s32 v0, v17;
	v10 =	vld [tilespmem:s0+$0x10]  }
0x14c: {  	v16 =	vand.u32 $0x7C, v8;
	s14 =	simm.s32 $0x1;
	v14 =	vld [tilespmem:s15+$0xFFFFFF80]  }
0x14d: {  	v19 =	vadd.s32 v0, v16;
	v8 =	vmov s14;
	s16 =	simm.s32 $0x2;
	v15 =	vld [tilespmem:s15+$0xFFFFFFC0]  }
0x14e: {  	v23 =	vand.u32 $0x7D, v8;
	v18 =	vmov s16;
	v20 =	vld [tilespmem:s15+$0x0];
	v11 =	vadd.f32 v11, v13  }
0x14f: {  	v21 =	vadd.s32 v0, v23;
	v9 =	vld [tilespmem:s0+$0x20];
	v24 =	vand.u32 $0x7E, v18  }
0x150: {  	v8 =	vld [tilespmem:s0+$0x30];
	v18 =	vadd.s32 v0, v24;
	[tilespmem:v12+s23+$0x0] =	vst.idx.msk $0xffff, v11  }
0x151: {  	v11 =	vadd.f32 v14, v13;
	v12 =	vld [tilespmem:s15+$0x50]  }
0x152: {  	v14 =	vadd.f32 v15, v13  }
0x153: {  	v15 =	vadd.s32 v1, v17;
	[tilespmem:v19+s23+$0x0] =	vst.idx.msk $0xffff, v11;
	v11 =	vadd.f32 v20, v13  }
0x154: {  	[tilespmem:v21+s23+$0x0] =	vst.idx.msk $0xffff, v14;
	v19 =	vld [tilespmem:s15+$0xFFFFFF90]  }
0x155: {  	v14 =	vld [tilespmem:s15+$0xFFFFFFD0];
	[tilespmem:v18+s23+$0x0] =	vst.idx.msk $0xffff, v11  }
0x156: {  	v18 =	vld [tilespmem:s15+$0x10];
	v11 =	vadd.f32 v12, v10  }
0x157: {  	s31 =	simm.s32 $0x7;
	s1 =	simm.s32 $0xD780;
	v20 =	vadd.s32 v1, v23  }
0x158: {  	s17 =	simm.s32 $0x4;
	v30 =	vadd.s32 v2, v17;
	v22 =	vld [tilespmem:s1+$0x40];
	v21 =	vadd.s32 v1, v24;
	[tilespmem:v15+s23+$0x0] =	vst.idx.msk $0xffff, v11;
	v11 =	vmov s31  }
0x159: {  	v25 =	vadd.s32 v1, v16;
	v12 =	vmov s17;
	v11 =	vand.u32 $0x7F, v11;
	v26 =	vld [tilespmem:s15+$0x60]  }
0x15a: {  	s16 =	simm.s32 $0x5;
	v27 =	vld [tilespmem:s1+$0xFFFFFF80];
	v12 =	vand.u32 $0x7C, v12;
	v14 =	vadd.f32 v14, v10;
	v28 =	vadd.s32 v0, v11  }
0x15b: {  	v29 =	vld [tilespmem:s1+$0xFFFFFFC0];
	s17 =	simm.s32 $0x6;
	v19 =	vadd.f32 v19, v10;
	v15 =	vadd.f32 v18, v10;
	v18 =	vmov s16  }
0x15c: {  	v31 =	vadd.s32 v0, v12;
	[tilespmem:v20+s23+$0x0] =	vst.idx.msk $0xffff, v14;
	v20 =	vmov s17;
	v14 =	vand.u32 $0x7D, v18;
	v18 =	vld [tilespmem:s1+$0x0]  }
0x15d: {  	[tilespmem:v21+s23+$0x0] =	vst.idx.msk $0xffff, v15;
	v21 =	vadd.s32 v0, v14;
	v15 =	vand.u32 $0x7E, v20;
	v20 =	vadd.f32 v22, v13;
	v22 =	vld [tilespmem:s15+$0xFFFFFFE0]  }
0x15e: {  	[tilespmem:v25+s23+$0x0] =	vst.idx.msk $0xffff, v19;
	v19 =	vadd.s32 v0, v15;
	v25 =	vld [tilespmem:s15+$0x20];
	v26 =	vadd.f32 v26, v9  }
0x15f: {  	v27 =	vadd.f32 v27, v13;
	[tilespmem:v28+s23+$0x0] =	vst.idx.msk $0xffff, v20;
	v20 =	vld [tilespmem:s15+$0xFFFFFFA0];
	v28 =	vadd.s32 v2, v23  }
0x160: {  	v33 =	vadd.s32 v2, v24;
	v29 =	vadd.f32 v29, v13;
	v32 =	vld [tilespmem:s1+$0x50];
	[tilespmem:v30+s23+$0x0] =	vst.idx.msk $0xffff, v26  }
0x161: {  	[tilespmem:v31+s23+$0x0] =	vst.idx.msk $0xffff, v27;
	v27 =	vadd.s32 v2, v16;
	v18 =	vadd.f32 v18, v13;
	v30 =	vld [tilespmem:s15+$0x70]  }
0x162: {  	v31 =	vld [tilespmem:s1+$0xFFFFFF90];
	[tilespmem:v21+s23+$0x0] =	vst.idx.msk $0xffff, v29;
	v29 =	vadd.s32 v1, v11;
	v22 =	vadd.f32 v22, v9  }
0x163: {  	v35 =	vadd.s32 v3, v17;
	v34 =	vld [tilespmem:s1+$0xFFFFFFD0];
	[tilespmem:v19+s23+$0x0] =	vst.idx.msk $0xffff, v18;
	v18 =	vadd.f32 v25, v9  }
0x164: {  	v26 =	vadd.s32 v1, v12;
	v21 =	vld [tilespmem:s1+$0x10];
	v17 =	vadd.f32 v20, v9;
	[tilespmem:v28+s23+$0x0] =	vst.idx.msk $0xffff, v22  }
0x165: {  	s14 =	simm.s32 $0x8;
	v25 =	vadd.s32 v1, v14;
	[tilespmem:v33+s23+$0x0] =	vst.idx.msk $0xffff, v18;
	v22 =	vadd.f32 v32, v10;
	v20 =	vld [tilespmem:s15+$0xFFFFFFF0]  }
0x166: {  	v28 =	vmov s14;
	v18 =	vadd.s32 v1, v15;
	v19 =	vld [tilespmem:s15+$0x30];
	[tilespmem:v27+s23+$0x0] =	vst.idx.msk $0xffff, v17;
	v63 =	vadd.f32 v30, v8  }
0x167: {  	s0 =	simm.s32 $0xD880;
	s31 =	simm.s32 $0xB;
	v23 =	vadd.s32 v3, v23;
	v17 =	vand.u32 $0x7C, v28;
	v28 =	vadd.f32 v31, v10;
	[tilespmem:v29+s23+$0x0] =	vst.idx.msk $0xffff, v22;
	v22 =	vld [tilespmem:s15+$0xFFFFFFB0]  }
0x168: {  	v24 =	vadd.s32 v3, v24;
	v30 =	vmov s31;
	v27 =	vld [tilespmem:s0+$0x40];
	s15 =	simm.s32 $0xC;
	v29 =	vadd.f32 v34, v10;
	[tilespmem:v35+s23+$0x0] =	vst.idx.msk $0xffff, v63  }
.LBB2_11:
0x169: {  	p0 =	slt.u32 s15, $0x7C;
	s16 =	sadd.s32 $0x1, s14;
	v30 =	vand.u32 $0x7F, v30;
	[tilespmem:v26+s23+$0x0] =	vst.idx.msk $0xffff, v28;
	v21 =	vadd.f32 v21, v10;
	v26 =	vld [tilespmem:s1+$0x60];
	v28 =	vadd.s32 v3, v16  }
0x16a: {  	v34 =	vmovc v15;
	v31 =	vld [tilespmem:s0+$0xFFFFFF80];
	v32 =	vmov s16;
	s16 =	sadd.s32 $0x2, s14;
	v33 =	vadd.s32 v0, v30;
	[tilespmem:v25+s23+$0x0] =	vst.idx.msk $0xffff, v29;
	v20 =	vadd.f32 v20, v8;
	s14 =	smov.u32 s15  }
0x16b: {  	v16 =	vmovc v12;
	v25 =	vld [tilespmem:s0+$0xFFFFFFC0];
	v15 =	vmov s16;
	[tilespmem:v18+s23+$0x0] =	vst.idx.msk $0xffff, v21;
	v18 =	vadd.s32 v2, v11;
	v19 =	vadd.f32 v19, v8  }
0x16c: {  	v21 =	vadd.s32 v0, v17;
	v32 =	vand.u32 $0x7D, v32;
	v29 =	vld [tilespmem:s0+$0x0];
	v35 =	vadd.f32 v22, v8;
	[tilespmem:v23+s23+$0x0] =	vst.idx.msk $0xffff, v20  }
0x16d: {  	v20 =	vadd.s32 v0, v32;
	v15 =	vand.u32 $0x7E, v15;
	v22 =	vadd.f32 v27, v13;
	v23 =	vld [tilespmem:s1+$0xFFFFFFE0];
	[tilespmem:v24+s23+$0x0] =	vst.idx.msk $0xffff, v19  }
0x16e: {  	v12 =	vmov v17;
	v19 =	vadd.s32 v0, v15;
	v24 =	vld [tilespmem:s1+$0x20];
	v26 =	vadd.f32 v26, v9;
	[tilespmem:v28+s23+$0x0] =	vst.idx.msk $0xffff, v35  }
0x16f: {  	v27 =	vadd.s32 v2, v14;
	v17 =	vadd.f32 v31, v13;
	[tilespmem:v33+s23+$0x0] =	vst.idx.msk $0xffff, v22;
	v22 =	vld [tilespmem:s1+$0xFFFFFFA0]  }
0x170: {  	v31 =	vadd.s32 v2, v34;
	v25 =	vadd.f32 v25, v13;
	v28 =	vld [tilespmem:s0+$0x50];
	[tilespmem:v18+s23+$0x0] =	vst.idx.msk $0xffff, v26  }
0x171: {  	[tilespmem:v21+s23+$0x0] =	vst.idx.msk $0xffff, v17;
	v17 =	vadd.f32 v29, v13;
	v29 =	vadd.s32 v2, v16;
	v33 =	vld [tilespmem:s1+$0x70]  }
0x172: {  	v36 =	vadd.s32 v1, v30;
	v35 =	vld [tilespmem:s0+$0xFFFFFF90];
	[tilespmem:v20+s23+$0x0] =	vst.idx.msk $0xffff, v25;
	v18 =	vadd.f32 v23, v9  }
0x173: {  	v38 =	vadd.s32 v3, v11;
	v11 =	vmov v30;
	v37 =	vld [tilespmem:s0+$0xFFFFFFD0];
	[tilespmem:v19+s23+$0x0] =	vst.idx.msk $0xffff, v17;
	v17 =	vadd.f32 v24, v9  }
.Ltmp4:
0x174: {  	v26 =	vadd.s32 v1, v12;
	v21 =	vld [tilespmem:s0+$0x10];
	v19 =	vadd.f32 v22, v9;
	[tilespmem:v27+s23+$0x0] =	vst.idx.msk $0xffff, v18;
	(pc) =	sbr.rel @p0 .LBB2_11-.Ltmp4, $4  }
0x175: {  	v25 =	vadd.s32 v1, v32;
	v22 =	vadd.f32 v28, v10;
	v20 =	vld [tilespmem:s1+$0xFFFFFFF0];
	[tilespmem:v31+s23+$0x0] =	vst.idx.msk $0xffff, v17  }
0x176: {  	v18 =	vadd.s32 v1, v15;
	v17 =	vmov s15;
	[tilespmem:v29+s23+$0x0] =	vst.idx.msk $0xffff, v19;
	v19 =	vld [tilespmem:s1+$0x30];
	v31 =	vadd.f32 v33, v8  }
0x177: {  	s16 =	sadd.s32 $0x3, s15;
	v23 =	vadd.s32 v3, v14;
	v17 =	vand.u32 $0x7C, v17;
	v28 =	vadd.f32 v35, v10;
	[tilespmem:v36+s23+$0x0] =	vst.idx.msk $0xffff, v22;
	v22 =	vld [tilespmem:s1+$0xFFFFFFB0];
	s1 =	smov.u32 s0;
	s0 =	sadd.s32 $0x100, s0  }
0x178: {  	v30 =	vmov s16;
	v14 =	vmovc v32;
	v24 =	vadd.s32 v3, v34;
	s15 =	sadd.s32 $0x4, s15;
	v27 =	vld [tilespmem:s0+$0x40];
	v29 =	vadd.f32 v37, v10;
	[tilespmem:v38+s23+$0x0] =	vst.idx.msk $0xffff, v31  }
0x179: {  	s15 =	sadd.s32 $0x1, s14  }
0x17a: {  	v30 =	vand.u32 $0x7F, v30;
	s31 =	sadd.s32 $0x2, s14;
	v32 =	vld [tilespmem:s0+$0xFFFFFFC0];
	v31 =	vmov s15  }
0x17b: {  	v35 =	vld [tilespmem:s0+$0x0];
	v33 =	vadd.s32 v0, v30;
	v34 =	vmov s31;
	v31 =	vand.u32 $0x7D, v31  }
0x17c: {  	v36 =	vld [tilespmem:s0+$0xFFFFFF80];
	v34 =	vand.u32 $0x7E, v34;
	v37 =	vadd.s32 v0, v31  }
0x17d: {  	v38 =	vadd.s32 v0, v34  }
0x17e: {  	[tilespmem:v26+s23+$0x0] =	vst.idx.msk $0xffff, v28;
	v26 =	vadd.s32 v0, v17;
	v27 =	vadd.f32 v27, v13  }
0x17f: {  	[tilespmem:v25+s23+$0x0] =	vst.idx.msk $0xffff, v29;
	v25 =	vadd.f32 v32, v13  }
0x180: {  	[tilespmem:v33+s23+$0x0] =	vst.idx.msk $0xffff, v27;
	v27 =	vadd.f32 v35, v13  }
0x181: {  	v13 =	vadd.f32 v36, v13;
	v28 =	vld [tilespmem:s0+$0x50];
	[tilespmem:v37+s23+$0x0] =	vst.idx.msk $0xffff, v25  }
0x182: {  	v21 =	vadd.f32 v21, v10;
	v16 =	vadd.s32 v3, v16;
	[tilespmem:v38+s23+$0x0] =	vst.idx.msk $0xffff, v27;
	v25 =	vld [tilespmem:s0+$0xFFFFFFD0]  }
0x183: {  	v20 =	vadd.f32 v20, v8;
	[tilespmem:v26+s23+$0x0] =	vst.idx.msk $0xffff, v13;
	v13 =	vadd.s32 v1, v30;
	v26 =	vld [tilespmem:s0+$0x10]  }
0x184: {  	[tilespmem:v18+s23+$0x0] =	vst.idx.msk $0xffff, v21;
	v18 =	vadd.f32 v19, v8;
	v21 =	vadd.s32 v1, v31;
	v19 =	vld [tilespmem:s0+$0xFFFFFF90]  }
0x185: {  	v22 =	vadd.f32 v22, v8;
	[tilespmem:v23+s23+$0x0] =	vst.idx.msk $0xffff, v20;
	v20 =	vadd.s32 v1, v34;
	v27 =	vld [tilespmem:s1+$0x60]  }
0x186: {  	v23 =	vld [tilespmem:s1+$0xFFFFFFE0];
	[tilespmem:v24+s23+$0x0] =	vst.idx.msk $0xffff, v18;
	v18 =	vadd.s32 v1, v17;
	v24 =	vadd.f32 v28, v10  }
0x187: {  	v29 =	vld [tilespmem:s1+$0x20];
	[tilespmem:v16+s23+$0x0] =	vst.idx.msk $0xffff, v22;
	v28 =	vadd.s32 v2, v11;
	v16 =	vadd.f32 v25, v10  }
0x188: {  	v22 =	vld [tilespmem:s1+$0xFFFFFFA0];
	v25 =	vadd.s32 v2, v14;
	[tilespmem:v13+s23+$0x0] =	vst.idx.msk $0xffff, v24;
	v13 =	vadd.f32 v26, v10  }
0x189: {  	v24 =	vadd.s32 v2, v15;
	v10 =	vadd.f32 v19, v10;
	v19 =	vld [tilespmem:s0+$0x60];
	[tilespmem:v21+s23+$0x0] =	vst.idx.msk $0xffff, v16  }
0x18a: {  	v16 =	vadd.f32 v27, v9;
	v21 =	vadd.s32 v2, v12;
	[tilespmem:v20+s23+$0x0] =	vst.idx.msk $0xffff, v13;
	v13 =	vld [tilespmem:s0+$0xFFFFFFE0]  }
0x18b: {  	v20 =	vadd.f32 v23, v9;
	[tilespmem:v18+s23+$0x0] =	vst.idx.msk $0xffff, v10;
	v10 =	vadd.s32 v2, v30;
	v18 =	vld [tilespmem:s0+$0x20]  }
0x18c: {  	v26 =	vadd.s32 v2, v31;
	v23 =	vld [tilespmem:s0+$0xFFFFFFA0];
	[tilespmem:v28+s23+$0x0] =	vst.idx.msk $0xffff, v16;
	v16 =	vadd.f32 v29, v9  }
0x18d: {  	v22 =	vadd.f32 v22, v9;
	v27 =	vld [tilespmem:s1+$0x70];
	[tilespmem:v25+s23+$0x0] =	vst.idx.msk $0xffff, v20;
	v20 =	vadd.s32 v2, v34  }
0x18e: {  	v25 =	vld [tilespmem:s1+$0xFFFFFFF0];
	[tilespmem:v24+s23+$0x0] =	vst.idx.msk $0xffff, v16;
	v16 =	vadd.f32 v19, v9;
	v19 =	vadd.s32 v2, v17  }
0x18f: {  	v11 =	vadd.s32 v3, v11;
	[tilespmem:v21+s23+$0x0] =	vst.idx.msk $0xffff, v22;
	v21 =	vld [tilespmem:s1+$0x30];
	v13 =	vadd.f32 v13, v9  }
0x190: {  	v14 =	vadd.s32 v3, v14;
	v22 =	vld [tilespmem:s1+$0xFFFFFFB0];
	[tilespmem:v10+s23+$0x0] =	vst.idx.msk $0xffff, v16;
	v10 =	vadd.f32 v18, v9  }
0x191: {  	v15 =	vadd.s32 v3, v15;
	v9 =	vadd.f32 v23, v9;
	v16 =	vld [tilespmem:s0+$0x70];
	[tilespmem:v26+s23+$0x0] =	vst.idx.msk $0xffff, v13  }
0x192: {  	v12 =	vadd.s32 v3, v12;
	v13 =	vadd.f32 v27, v8;
	[tilespmem:v20+s23+$0x0] =	vst.idx.msk $0xffff, v10;
	v18 =	vld [tilespmem:s0+$0xFFFFFFF0]  }
0x193: {  	v20 =	vadd.s32 v3, v30;
	v10 =	vadd.f32 v25, v8;
	[tilespmem:v19+s23+$0x0] =	vst.idx.msk $0xffff, v9;
	v9 =	vld [tilespmem:s0+$0x30]  }
0x194: {  	v19 =	vadd.s32 v3, v31;
	[tilespmem:v11+s23+$0x0] =	vst.idx.msk $0xffff, v13;
	v11 =	vadd.f32 v21, v8;
	v13 =	vld [tilespmem:s0+$0xFFFFFFB0]  }
0x195: {  	v21 =	vadd.f32 v22, v8;
	[tilespmem:v14+s23+$0x0] =	vst.idx.msk $0xffff, v10;
	v10 =	vadd.s32 v3, v34  }
0x196: {  	v14 =	vadd.s32 v3, v17;
	[tilespmem:v15+s23+$0x0] =	vst.idx.msk $0xffff, v11;
	v11 =	vadd.f32 v16, v8  }
0x197: {  	[tilespmem:v12+s23+$0x0] =	vst.idx.msk $0xffff, v21;
	v12 =	vadd.f32 v18, v8  }
0x198: {  	[tilespmem:v20+s23+$0x0] =	vst.idx.msk $0xffff, v11;
	v9 =	vadd.f32 v9, v8  }
0x199: {  	v8 =	vadd.f32 v13, v8;
	[tilespmem:v19+s23+$0x0] =	vst.idx.msk $0xffff, v12  }
0x19a: {  	s1 =	sshll.u32 s29, $0x6;
	[tilespmem:v10+s23+$0x0] =	vst.idx.msk $0xffff, v9  }
0x19b: {  	s0 =	sand.u32 $0x3FFFFFC0, s1;
	[tilespmem:v14+s23+$0x0] =	vst.idx.msk $0xffff, v8  }
0x19c: {  	s14 =	simm.s32 $0x3;
	s15 =	simm.s32 $0xF6F0;
	v13 =	vld [tilespmem:s0+$0x0]  }
0x19d: {  	v8 =	vmov s14;
	v11 =	vld [tilespmem:s15+$0xFFFFFFD0]  }
0x19e: {  	v17 =	vand.u32 $0x7F, v8  }
0x19f: {  	s16 =	simm.s32 $0x0;
	v10 =	vld [tilespmem:s0+$0x10];
	v12 =	vadd.s32 v4, v17  }
0x1a0: {  	s17 =	simm.s32 $0x1;
	s31 =	simm.s32 $0x2;
	v8 =	vmov s16;
	v14 =	vld [tilespmem:s15+$0xFFFFFF10]  }
0x1a1: {  	v18 =	vmov s31;
	v15 =	vld [tilespmem:s15+$0xFFFFFF50];
	v16 =	vand.u32 $0x7C, v8;
	v8 =	vmov s17  }
0x1a2: {  	v20 =	vld [tilespmem:s15+$0xFFFFFF90];
	v19 =	vadd.s32 v4, v16;
	v23 =	vand.u32 $0x7D, v8;
	v11 =	vadd.f32 v11, v13  }
0x1a3: {  	v24 =	vand.u32 $0x7E, v18;
	v9 =	vld [tilespmem:s0+$0x20];
	v21 =	vadd.s32 v4, v23  }
0x1a4: {  	v18 =	vadd.s32 v4, v24;
	v8 =	vld [tilespmem:s0+$0x30];
	[tilespmem:v12+s23+$0x0] =	vst.idx.msk $0xffff, v11  }
0x1a5: {  	v11 =	vadd.f32 v14, v13;
	v12 =	vld [tilespmem:s15+$0xFFFFFFE0]  }
0x1a6: {  	v14 =	vadd.f32 v15, v13  }
0x1a7: {  	v15 =	vadd.s32 v5, v17;
	[tilespmem:v19+s23+$0x0] =	vst.idx.msk $0xffff, v11;
	v11 =	vadd.f32 v20, v13  }
0x1a8: {  	[tilespmem:v21+s23+$0x0] =	vst.idx.msk $0xffff, v14;
	v19 =	vld [tilespmem:s15+$0xFFFFFF20]  }
0x1a9: {  	v14 =	vld [tilespmem:s15+$0xFFFFFF60];
	[tilespmem:v18+s23+$0x0] =	vst.idx.msk $0xffff, v11  }
0x1aa: {  	v18 =	vld [tilespmem:s15+$0xFFFFFFA0];
	v11 =	vadd.f32 v12, v10  }
0x1ab: {  	s1 =	simm.s32 $0xF7F0;
	s16 =	simm.s32 $0x7;
	v20 =	vadd.s32 v5, v23  }
0x1ac: {  	s14 =	simm.s32 $0x4;
	v22 =	vld [tilespmem:s1+$0xFFFFFFD0];
	v30 =	vadd.s32 v6, v17;
	v21 =	vadd.s32 v5, v24;
	[tilespmem:v15+s23+$0x0] =	vst.idx.msk $0xffff, v11;
	v11 =	vmov s16  }
0x1ad: {  	v25 =	vadd.s32 v5, v16;
	v12 =	vmov s14;
	v11 =	vand.u32 $0x7F, v11;
	v26 =	vld [tilespmem:s15+$0xFFFFFFF0]  }
0x1ae: {  	v27 =	vld [tilespmem:s1+$0xFFFFFF10];
	s17 =	simm.s32 $0x5;
	v12 =	vand.u32 $0x7C, v12;
	v14 =	vadd.f32 v14, v10;
	v28 =	vadd.s32 v4, v11  }
0x1af: {  	s31 =	simm.s32 $0x6;
	v29 =	vld [tilespmem:s1+$0xFFFFFF50];
	v19 =	vadd.f32 v19, v10;
	v15 =	vadd.f32 v18, v10;
	v18 =	vmov s17  }
0x1b0: {  	v31 =	vadd.s32 v4, v12;
	[tilespmem:v20+s23+$0x0] =	vst.idx.msk $0xffff, v14;
	v20 =	vmov s31;
	v14 =	vand.u32 $0x7D, v18;
	v18 =	vld [tilespmem:s1+$0xFFFFFF90]  }
0x1b1: {  	[tilespmem:v21+s23+$0x0] =	vst.idx.msk $0xffff, v15;
	v21 =	vadd.s32 v4, v14;
	v15 =	vand.u32 $0x7E, v20;
	v20 =	vadd.f32 v22, v13;
	v22 =	vld [tilespmem:s15+$0xFFFFFF70]  }
0x1b2: {  	[tilespmem:v25+s23+$0x0] =	vst.idx.msk $0xffff, v19;
	v19 =	vadd.s32 v4, v15;
	v25 =	vld [tilespmem:s15+$0xFFFFFFB0];
	v26 =	vadd.f32 v26, v9  }
0x1b3: {  	v27 =	vadd.f32 v27, v13;
	[tilespmem:v28+s23+$0x0] =	vst.idx.msk $0xffff, v20;
	v20 =	vld [tilespmem:s15+$0xFFFFFF30];
	v28 =	vadd.s32 v6, v23  }
0x1b4: {  	v60 =	vadd.s32 v6, v24;
	v29 =	vadd.f32 v29, v13;
	v59 =	vld [tilespmem:s1+$0xFFFFFFE0];
	[tilespmem:v30+s23+$0x0] =	vst.idx.msk $0xffff, v26  }
0x1b5: {  	[tilespmem:v31+s23+$0x0] =	vst.idx.msk $0xffff, v27;
	v27 =	vadd.s32 v6, v16;
	v18 =	vadd.f32 v18, v13;
	v30 =	vld [tilespmem:s15+$0x0]  }
0x1b6: {  	v31 =	vld [tilespmem:s1+$0xFFFFFF20];
	[tilespmem:v21+s23+$0x0] =	vst.idx.msk $0xffff, v29;
	v29 =	vadd.s32 v5, v11;
	v22 =	vadd.f32 v22, v9  }
0x1b7: {  	v62 =	vadd.s32 v7, v17;
	v61 =	vld [tilespmem:s1+$0xFFFFFF60];
	[tilespmem:v19+s23+$0x0] =	vst.idx.msk $0xffff, v18;
	v18 =	vadd.f32 v25, v9  }
0x1b8: {  	v26 =	vadd.s32 v5, v12;
	v21 =	vld [tilespmem:s1+$0xFFFFFFA0];
	v17 =	vadd.f32 v20, v9;
	[tilespmem:v28+s23+$0x0] =	vst.idx.msk $0xffff, v22  }
0x1b9: {  	s14 =	simm.s32 $0x8;
	v25 =	vadd.s32 v5, v14;
	[tilespmem:v60+s23+$0x0] =	vst.idx.msk $0xffff, v18;
	v22 =	vadd.f32 v59, v10;
	v20 =	vld [tilespmem:s15+$0xFFFFFF80]  }
0x1ba: {  	v28 =	vmov s14;
	v18 =	vadd.s32 v5, v15;
	v19 =	vld [tilespmem:s15+$0xFFFFFFC0];
	[tilespmem:v27+s23+$0x0] =	vst.idx.msk $0xffff, v17;
	v63 =	vadd.f32 v30, v8  }
0x1bb: {  	s0 =	simm.s32 $0xF8F0;
	s16 =	simm.s32 $0xB;
	v23 =	vadd.s32 v7, v23;
	v17 =	vand.u32 $0x7C, v28;
	v28 =	vadd.f32 v31, v10;
	[tilespmem:v29+s23+$0x0] =	vst.idx.msk $0xffff, v22;
	v22 =	vld [tilespmem:s15+$0xFFFFFF40]  }
0x1bc: {  	v24 =	vadd.s32 v7, v24;
	v30 =	vmov s16;
	v27 =	vld [tilespmem:s0+$0xFFFFFFD0];
	s15 =	simm.s32 $0xC;
	v29 =	vadd.f32 v61, v10;
	[tilespmem:v62+s23+$0x0] =	vst.idx.msk $0xffff, v63  }
.LBB2_13:
0x1bd: {  	p0 =	slt.u32 s15, $0x7C;
	s16 =	sadd.s32 $0x1, s14;
	v30 =	vand.u32 $0x7F, v30;
	[tilespmem:v26+s23+$0x0] =	vst.idx.msk $0xffff, v28;
	v21 =	vadd.f32 v21, v10;
	v26 =	vld [tilespmem:s1+$0xFFFFFFF0];
	v28 =	vadd.s32 v7, v16  }
0x1be: {  	v34 =	vmovc v15;
	v31 =	vld [tilespmem:s0+$0xFFFFFF10];
	v32 =	vmov s16;
	s16 =	sadd.s32 $0x2, s14;
	v33 =	vadd.s32 v4, v30;
	[tilespmem:v25+s23+$0x0] =	vst.idx.msk $0xffff, v29;
	v20 =	vadd.f32 v20, v8;
	s14 =	smov.u32 s15  }
0x1bf: {  	v16 =	vmovc v12;
	v25 =	vld [tilespmem:s0+$0xFFFFFF50];
	v15 =	vmov s16;
	[tilespmem:v18+s23+$0x0] =	vst.idx.msk $0xffff, v21;
	v18 =	vadd.s32 v6, v11;
	v19 =	vadd.f32 v19, v8  }
0x1c0: {  	v21 =	vadd.s32 v4, v17;
	v32 =	vand.u32 $0x7D, v32;
	v29 =	vld [tilespmem:s0+$0xFFFFFF90];
	v35 =	vadd.f32 v22, v8;
	[tilespmem:v23+s23+$0x0] =	vst.idx.msk $0xffff, v20  }
0x1c1: {  	v20 =	vadd.s32 v4, v32;
	v15 =	vand.u32 $0x7E, v15;
	v22 =	vadd.f32 v27, v13;
	v23 =	vld [tilespmem:s1+$0xFFFFFF70];
	[tilespmem:v24+s23+$0x0] =	vst.idx.msk $0xffff, v19  }
0x1c2: {  	v12 =	vmov v17;
	v19 =	vadd.s32 v4, v15;
	v24 =	vld [tilespmem:s1+$0xFFFFFFB0];
	v26 =	vadd.f32 v26, v9;
	[tilespmem:v28+s23+$0x0] =	vst.idx.msk $0xffff, v35  }
0x1c3: {  	v27 =	vadd.s32 v6, v14;
	v17 =	vadd.f32 v31, v13;
	[tilespmem:v33+s23+$0x0] =	vst.idx.msk $0xffff, v22;
	v22 =	vld [tilespmem:s1+$0xFFFFFF30]  }
0x1c4: {  	v31 =	vadd.s32 v6, v34;
	v25 =	vadd.f32 v25, v13;
	v28 =	vld [tilespmem:s0+$0xFFFFFFE0];
	[tilespmem:v18+s23+$0x0] =	vst.idx.msk $0xffff, v26  }
0x1c5: {  	[tilespmem:v21+s23+$0x0] =	vst.idx.msk $0xffff, v17;
	v17 =	vadd.f32 v29, v13;
	v29 =	vadd.s32 v6, v16;
	v33 =	vld [tilespmem:s1+$0x0]  }
0x1c6: {  	v36 =	vadd.s32 v5, v30;
	v35 =	vld [tilespmem:s0+$0xFFFFFF20];
	[tilespmem:v20+s23+$0x0] =	vst.idx.msk $0xffff, v25;
	v18 =	vadd.f32 v23, v9  }
0x1c7: {  	v38 =	vadd.s32 v7, v11;
	v11 =	vmov v30;
	v37 =	vld [tilespmem:s0+$0xFFFFFF60];
	[tilespmem:v19+s23+$0x0] =	vst.idx.msk $0xffff, v17;
	v17 =	vadd.f32 v24, v9  }
.Ltmp5:
0x1c8: {  	v26 =	vadd.s32 v5, v12;
	v21 =	vld [tilespmem:s0+$0xFFFFFFA0];
	v19 =	vadd.f32 v22, v9;
	[tilespmem:v27+s23+$0x0] =	vst.idx.msk $0xffff, v18;
	(pc) =	sbr.rel @p0 .LBB2_13-.Ltmp5, $4  }
0x1c9: {  	v25 =	vadd.s32 v5, v32;
	v22 =	vadd.f32 v28, v10;
	v20 =	vld [tilespmem:s1+$0xFFFFFF80];
	[tilespmem:v31+s23+$0x0] =	vst.idx.msk $0xffff, v17  }
0x1ca: {  	v18 =	vadd.s32 v5, v15;
	v17 =	vmov s15;
	[tilespmem:v29+s23+$0x0] =	vst.idx.msk $0xffff, v19;
	v19 =	vld [tilespmem:s1+$0xFFFFFFC0];
	v31 =	vadd.f32 v33, v8  }
0x1cb: {  	s16 =	sadd.s32 $0x3, s15;
	v23 =	vadd.s32 v7, v14;
	v17 =	vand.u32 $0x7C, v17;
	v28 =	vadd.f32 v35, v10;
	[tilespmem:v36+s23+$0x0] =	vst.idx.msk $0xffff, v22;
	v22 =	vld [tilespmem:s1+$0xFFFFFF40];
	s1 =	smov.u32 s0;
	s0 =	sadd.s32 $0x100, s0  }
0x1cc: {  	v30 =	vmov s16;
	v14 =	vmovc v32;
	v24 =	vadd.s32 v7, v34;
	s15 =	sadd.s32 $0x4, s15;
	v27 =	vld [tilespmem:s0+$0xFFFFFFD0];
	v29 =	vadd.f32 v37, v10;
	[tilespmem:v38+s23+$0x0] =	vst.idx.msk $0xffff, v31  }
0x1cd: {  	s15 =	sadd.s32 $0x1, s14  }
0x1ce: {  	v30 =	vand.u32 $0x7F, v30;
	s17 =	sadd.s32 $0x2, s14;
	v32 =	vld [tilespmem:s0+$0xFFFFFF50];
	v31 =	vmov s15  }
0x1cf: {  	v35 =	vld [tilespmem:s0+$0xFFFFFF90];
	v33 =	vadd.s32 v4, v30;
	v34 =	vmov s17;
	v31 =	vand.u32 $0x7D, v31  }
0x1d0: {  	v36 =	vld [tilespmem:s0+$0xFFFFFF10];
	v34 =	vand.u32 $0x7E, v34;
	v37 =	vadd.s32 v4, v31  }
0x1d1: {  	v38 =	vadd.s32 v4, v34  }
0x1d2: {  	[tilespmem:v26+s23+$0x0] =	vst.idx.msk $0xffff, v28;
	v63 =	vadd.s32 v4, v17;
	v27 =	vadd.f32 v27, v13  }
0x1d3: {  	[tilespmem:v25+s23+$0x0] =	vst.idx.msk $0xffff, v29;
	v39 =	vadd.f32 v32, v13  }
0x1d4: {  	v40 =	vadd.f32 v35, v13;
	[tilespmem:v33+s23+$0x0] =	vst.idx.msk $0xffff, v27  }
0x1d5: {  	v41 =	vadd.f32 v36, v13;
	v42 =	vld [tilespmem:s0+$0xFFFFFFE0];
	[tilespmem:v37+s23+$0x0] =	vst.idx.msk $0xffff, v39  }
0x1d6: {  	v21 =	vadd.f32 v21, v10;
	v16 =	vadd.s32 v7, v16;
	[tilespmem:v38+s23+$0x0] =	vst.idx.msk $0xffff, v40;
	v25 =	vld [tilespmem:s0+$0xFFFFFF60]  }
0x1d7: {  	v20 =	vadd.f32 v20, v8;
	v43 =	vadd.s32 v5, v30;
	[tilespmem:v63+s23+$0x0] =	vst.idx.msk $0xffff, v41;
	v44 =	vld [tilespmem:s0+$0xFFFFFFA0]  }
0x1d8: {  	[tilespmem:v18+s23+$0x0] =	vst.idx.msk $0xffff, v21;
	v45 =	vadd.f32 v19, v8;
	v47 =	vadd.s32 v5, v31;
	v46 =	vld [tilespmem:s0+$0xFFFFFF20]  }
0x1d9: {  	v22 =	vadd.f32 v22, v8;
	[tilespmem:v23+s23+$0x0] =	vst.idx.msk $0xffff, v20;
	v49 =	vadd.s32 v5, v34;
	v54 =	vld [tilespmem:s1+$0xFFFFFFB0]  }
0x1da: {  	v48 =	vld [tilespmem:s1+$0xFFFFFFF0];
	v51 =	vadd.s32 v5, v17;
	[tilespmem:v24+s23+$0x0] =	vst.idx.msk $0xffff, v45;
	v52 =	vadd.f32 v42, v10  }
0x1db: {  	v59 =	vadd.s32 v6, v15;
	v56 =	vld [tilespmem:s1+$0xFFFFFF30];
	[tilespmem:v16+s23+$0x0] =	vst.idx.msk $0xffff, v22;
	v55 =	vadd.f32 v25, v10  }
0x1dc: {  	v53 =	vadd.s32 v6, v11;
	v50 =	vld [tilespmem:s1+$0xFFFFFF70];
	[tilespmem:v43+s23+$0x0] =	vst.idx.msk $0xffff, v52;
	v58 =	vadd.f32 v44, v10  }
0x1dd: {  	v63 =	vadd.s32 v6, v12;
	v60 =	vadd.f32 v46, v10;
	v61 =	vld [tilespmem:s0+$0xFFFFFFF0];
	[tilespmem:v47+s23+$0x0] =	vst.idx.msk $0xffff, v55  }
0x1de: {  	v57 =	vadd.s32 v6, v14;
	v37 =	vadd.f32 v54, v9;
	[tilespmem:v49+s23+$0x0] =	vst.idx.msk $0xffff, v58;
	v32 =	vld [tilespmem:s0+$0xFFFFFF70]  }
0x1df: {  	v62 =	vadd.f32 v48, v9;
	v35 =	vadd.s32 v6, v30;
	[tilespmem:v51+s23+$0x0] =	vst.idx.msk $0xffff, v60;
	v36 =	vld [tilespmem:s0+$0xFFFFFFB0]  }
0x1e0: {  	v22 =	vadd.f32 v56, v9;
	v39 =	vadd.s32 v6, v31;
	[tilespmem:v59+s23+$0x0] =	vst.idx.msk $0xffff, v37;
	v38 =	vld [tilespmem:s0+$0xFFFFFF30]  }
0x1e1: {  	v33 =	vadd.f32 v50, v9;
	[tilespmem:v53+s23+$0x0] =	vst.idx.msk $0xffff, v62;
	v41 =	vadd.s32 v6, v34;
	v45 =	vld [tilespmem:s1+$0xFFFFFFC0]  }
0x1e2: {  	v40 =	vld [tilespmem:s1+$0x0];
	[tilespmem:v63+s23+$0x0] =	vst.idx.msk $0xffff, v22;
	v43 =	vadd.s32 v6, v17;
	v42 =	vadd.f32 v61, v9  }
0x1e3: {  	v48 =	vadd.s32 v7, v15;
	[tilespmem:v57+s23+$0x0] =	vst.idx.msk $0xffff, v33;
	v22 =	vld [tilespmem:s1+$0xFFFFFF40];
	v13 =	vadd.f32 v32, v9  }
0x1e4: {  	v25 =	vld [tilespmem:s1+$0xFFFFFF80];
	v44 =	vadd.s32 v7, v11;
	[tilespmem:v35+s23+$0x0] =	vst.idx.msk $0xffff, v42;
	v47 =	vadd.f32 v36, v9  }
0x1e5: {  	v51 =	vadd.s32 v7, v12;
	v49 =	vadd.f32 v38, v9;
	v16 =	vld [tilespmem:s0+$0x0];
	[tilespmem:v39+s23+$0x0] =	vst.idx.msk $0xffff, v13  }
0x1e6: {  	v46 =	vadd.s32 v7, v14;
	v56 =	vadd.f32 v45, v8;
	[tilespmem:v41+s23+$0x0] =	vst.idx.msk $0xffff, v47;
	v52 =	vld [tilespmem:s0+$0xFFFFFF80]  }
0x1e7: {  	v54 =	vadd.s32 v7, v30;
	v50 =	vadd.f32 v40, v8;
	[tilespmem:v43+s23+$0x0] =	vst.idx.msk $0xffff, v49;
	v55 =	vld [tilespmem:s0+$0xFFFFFFC0]  }
0x1e8: {  	v58 =	vadd.s32 v7, v31;
	v59 =	vadd.f32 v22, v8;
	[tilespmem:v48+s23+$0x0] =	vst.idx.msk $0xffff, v56;
	v57 =	vld [tilespmem:s0+$0xFFFFFF40]  }
0x1e9: {  	v60 =	vadd.s32 v7, v34;
	v53 =	vadd.f32 v25, v8;
	[tilespmem:v44+s23+$0x0] =	vst.idx.msk $0xffff, v50  }
0x1ea: {  	v62 =	vadd.s32 v7, v17;
	[tilespmem:v51+s23+$0x0] =	vst.idx.msk $0xffff, v59;
	v61 =	vadd.f32 v16, v8  }
0x1eb: {  	[tilespmem:v46+s23+$0x0] =	vst.idx.msk $0xffff, v53;
	v63 =	vadd.f32 v52, v8  }
0x1ec: {  	s30 =	sshll.u32 s30, $0x12;
	[tilespmem:v54+s23+$0x0] =	vst.idx.msk $0xffff, v61;
	v9 =	vadd.f32 v55, v8  }
0x1ed: {  	s0 =	sor.u32 s8, s30;
	v8 =	vadd.f32 v57, v8;
	[tilespmem:v58+s23+$0x0] =	vst.idx.msk $0xffff, v63  }
0x1ee: {  	s0 =	sshrl.u32 s0, $0x3;
	[tilespmem:v60+s23+$0x0] =	vst.idx.msk $0xffff, v9  }
0x1ef: {  	s31 =	simm.s32 $0x15A00;
	s1 =	sadd.s32 s2, s0;
	[tilespmem:v62+s23+$0x0] =	vst.idx.msk $0xffff, v8  }
0x1f0: {  	[hbm4b:s1+s3] =	stream.linear.scatter [tilespmem:s31], [sflag:$0x4], $0x80, $0x38;
	[tilespmem:$0x19E00] =	vst v63  }
0x1f1: {  	s14 =	simm.s32 $0x15A88;
	s15 =	sadd.s32 $0x10, s1  }
0x1f2: {  	[hbm4b:s15+s3] =	stream.linear.scatter [tilespmem:s14], [sflag:$0x4], $0x80, $0x38;
	[tilespmem:$0x19E00] =	vst v63  }
0x1f3: {  	s16 =	simm.s32 $0x15B10;
	s30 =	simm.s32 $0x15B98;
	s17 =	sadd.s32 $0x20, s1  }
0x1f4: {  	[hbm4b:s17+s3] =	stream.linear.scatter [tilespmem:s16], [sflag:$0x4], $0x80, $0x38;
	[tilespmem:$0x19E00] =	vst v63  }
0x1f5: {  	s0 =	simm.s32 $0x440;
	s31 =	sadd.s32 $0x30, s1;
	s14 =	simm.s32 $0x15C20  }
0x1f6: {  	[hbm4b:s31+s3] =	stream.linear.scatter [tilespmem:s30], [sflag:$0x4], $0x80, $0x38;
	[tilespmem:$0x19E00] =	vst v63  }
0x1f7: {  	s15 =	sadd.s32 $0x40, s1;
	s16 =	simm.s32 $0x15CA8;
	s17 =	sadd.s32 $0x50, s1  }
0x1f8: {  	[hbm4b:s15+s3] =	stream.linear.scatter [tilespmem:s14], [sflag:$0x4], $0x80, $0x38;
	[tilespmem:$0x19E00] =	vst v63  }
0x1f9: {  	s30 =	simm.s32 $0x15D30;
	s31 =	sadd.s32 $0x60, s1;
	s14 =	simm.s32 $0x2200  }
0x1fa: {  	[hbm4b:s17+s3] =	stream.linear.scatter [tilespmem:s16], [sflag:$0x4], $0x80, $0x38;
	[tilespmem:$0x19E00] =	vst v63  }
0x1fb: {  	s15 =	simm.s32 $0x15DB8;
	s16 =	sadd.s32 $0x70, s1;
	s1 =	sadd.s32 $0x1000, s1  }
0x1fc: {  	[hbm4b:s31+s3] =	stream.linear.scatter [tilespmem:s30], [sflag:$0x4], $0x80, $0x38;
	[tilespmem:$0x19E00] =	vst v63  }
.LBB2_15:
0x1fd: {  	[hbm4b:s16+s3] =	stream.linear.scatter [tilespmem:s15], [sflag:$0x4], $0x80, $0x38;
	[tilespmem:$0x19E00] =	vst v63  }
0x1fe: {  	s15 =	smov.u32 s0;
	s0 =	smov.u32 s14  }
0x1ff: {  	s17 =	sadd.s32 $0x1100, s14;
	s0 =	sshra.s32 s0, $0x2;
	s16 =	sadd.s32 $0x15A00, s15  }
0x200: {  	[hbm4b:s1+s3] =	stream.linear.scatter [tilespmem:s16], [sflag:$0x4], $0x80, $0x38;
	[tilespmem:$0x19E00] =	vst v63  }
0x201: {  	p0 =	sne.s32 s14, $0x7700;
	s14 =	sadd.s32 $0x15A88, s15;
	s16 =	sadd.s32 $0x10, s1  }
0x202: {  	[hbm4b:s16+s3] =	stream.linear.scatter [tilespmem:s14], [sflag:$0x4], $0x80, $0x38;
	[tilespmem:$0x19E00] =	vst v63  }
0x203: {  	s14 =	sadd.s32 $0x15B10, s15;
	s16 =	sadd.s32 $0x20, s1  }
0x204: {  	[hbm4b:s16+s3] =	stream.linear.scatter [tilespmem:s14], [sflag:$0x4], $0x80, $0x38;
	[tilespmem:$0x19E00] =	vst v63  }
0x205: {  	s14 =	sadd.s32 $0x15B98, s15;
	s16 =	sadd.s32 $0x30, s1  }
0x206: {  	[hbm4b:s16+s3] =	stream.linear.scatter [tilespmem:s14], [sflag:$0x4], $0x80, $0x38;
	[tilespmem:$0x19E00] =	vst v63  }
0x207: {  	s14 =	sadd.s32 $0x15C20, s15;
	s16 =	sadd.s32 $0x40, s1  }
0x208: {  	[hbm4b:s16+s3] =	stream.linear.scatter [tilespmem:s14], [sflag:$0x4], $0x80, $0x38;
	[tilespmem:$0x19E00] =	vst v63  }
.Ltmp6:
0x209: {  	s14 =	sadd.s32 $0x15CA8, s15;
	s16 =	sadd.s32 $0x50, s1;
	(pc) =	sbr.rel @p0 .LBB2_15-.Ltmp6, $4  }
0x20a: {  	[hbm4b:s16+s3] =	stream.linear.scatter [tilespmem:s14], [sflag:$0x4], $0x80, $0x38;
	[tilespmem:$0x19E00] =	vst v63  }
0x20b: {  	s14 =	sadd.s32 $0x15D30, s15;
	s16 =	sadd.s32 $0x60, s1;
	s15 =	sadd.s32 $0x15DB8, s15  }
0x20c: {  	[hbm4b:s16+s3] =	stream.linear.scatter [tilespmem:s14], [sflag:$0x4], $0x80, $0x38;
	[tilespmem:$0x19E00] =	vst v63  }
0x20d: {  	s16 =	sadd.s32 $0x70, s1;
	s1 =	sadd.s32 $0x1000, s1;
	s14 =	smov.u32 s17  }
0x20e: {  	[hbm4b:s16+s3] =	stream.linear.scatter [tilespmem:s15], [sflag:$0x4], $0x80, $0x38;
	[tilespmem:$0x19E00] =	vst v63  }
0x20f: {  	s14 =	sadd.s32 $0x15A00, s0  }
0x210: {  	[hbm4b:s1+s3] =	stream.linear.scatter [tilespmem:s14], [sflag:$0x4], $0x80, $0x38;
	[tilespmem:$0x19E00] =	vst v63  }
0x211: {  	s30 =	sadd.s32 $0x15A88, s0;
	s31 =	sadd.s32 $0x10, s1  }
0x212: {  	[hbm4b:s31+s3] =	stream.linear.scatter [tilespmem:s30], [sflag:$0x4], $0x80, $0x38;
	[tilespmem:$0x19E00] =	vst v63  }
0x213: {  	s16 =	sadd.s32 $0x15B10, s0;
	s17 =	sadd.s32 $0x20, s1  }
0x214: {  	[hbm4b:s17+s3] =	stream.linear.scatter [tilespmem:s16], [sflag:$0x4], $0x80, $0x38;
	[tilespmem:$0x19E00] =	vst v63  }
0x215: {  	s30 =	sadd.s32 $0x15B98, s0;
	s31 =	sadd.s32 $0x30, s1  }
0x216: {  	[hbm4b:s31+s3] =	stream.linear.scatter [tilespmem:s30], [sflag:$0x4], $0x80, $0x38;
	[tilespmem:$0x19E00] =	vst v63  }
0x217: {  	s16 =	sadd.s32 $0x15C20, s0;
	s17 =	sadd.s32 $0x40, s1  }
0x218: {  	[hbm4b:s17+s3] =	stream.linear.scatter [tilespmem:s16], [sflag:$0x4], $0x80, $0x38;
	[tilespmem:$0x19E00] =	vst v63  }
0x219: {  	s30 =	sadd.s32 $0x15CA8, s0;
	s31 =	sadd.s32 $0x50, s1  }
0x21a: {  	[hbm4b:s31+s3] =	stream.linear.scatter [tilespmem:s30], [sflag:$0x4], $0x80, $0x38;
	[tilespmem:$0x19E00] =	vst v63  }
0x21b: {  	s17 =	sadd.s32 $0x60, s1;
	s31 =	sadd.s32 $0x70, s1;
	s1 =	sshll.u32 s29, $0x12  }
0x21c: {  	s16 =	sadd.s32 $0x15D30, s0;
	s30 =	sadd.s32 $0x15DB8, s0;
	s0 =	sor.u32 s8, s1  }
0x21d: {  	[hbm4b:s17+s3] =	stream.linear.scatter [tilespmem:s16], [sflag:$0x4], $0x80, $0x38;
	[tilespmem:$0x19E00] =	vst v63  }
0x21e: {  	s0 =	sshrl.u32 s0, $0x3  }
0x21f: {  	[hbm4b:s31+s3] =	stream.linear.scatter [tilespmem:s30], [sflag:$0x4], $0x80, $0x38;
	[tilespmem:$0x19E00] =	vst v63  }
0x220: {  	s14 =	simm.s32 $0x17C00;
	s1 =	sadd.s32 s2, s0  }
0x221: {  	[hbm4b:s1+s3] =	stream.linear.scatter [tilespmem:s14], [sflag:$0x4], $0x80, $0x38;
	[tilespmem:$0x19E00] =	vst v63  }
0x222: {  	s15 =	simm.s32 $0x17C88;
	s16 =	sadd.s32 $0x10, s1  }
0x223: {  	[hbm4b:s16+s3] =	stream.linear.scatter [tilespmem:s15], [sflag:$0x4], $0x80, $0x38;
	[tilespmem:$0x19E00] =	vst v63  }
0x224: {  	s17 =	simm.s32 $0x17D10;
	s0 =	simm.s32 $0x440;
	s29 =	sadd.s32 $0x20, s1  }
0x225: {  	[hbm4b:s29+s3] =	stream.linear.scatter [tilespmem:s17], [sflag:$0x4], $0x80, $0x38;
	[tilespmem:$0x19E00] =	vst v63  }
0x226: {  	s30 =	simm.s32 $0x17D98;
	s31 =	sadd.s32 $0x30, s1;
	s14 =	simm.s32 $0x2200  }
0x227: {  	[hbm4b:s31+s3] =	stream.linear.scatter [tilespmem:s30], [sflag:$0x4], $0x80, $0x38;
	[tilespmem:$0x19E00] =	vst v63  }
0x228: {  	s15 =	simm.s32 $0x17E20;
	s16 =	sadd.s32 $0x40, s1;
	s17 =	simm.s32 $0x17EA8  }
0x229: {  	[hbm4b:s16+s3] =	stream.linear.scatter [tilespmem:s15], [sflag:$0x4], $0x80, $0x38;
	[tilespmem:$0x19E00] =	vst v63  }
0x22a: {  	s29 =	sadd.s32 $0x50, s1;
	s30 =	simm.s32 $0x17F30;
	s31 =	sadd.s32 $0x60, s1  }
0x22b: {  	[hbm4b:s29+s3] =	stream.linear.scatter [tilespmem:s17], [sflag:$0x4], $0x80, $0x38;
	[tilespmem:$0x19E00] =	vst v63  }
0x22c: {  	s15 =	simm.s32 $0x17FB8;
	s16 =	sadd.s32 $0x70, s1;
	s1 =	sadd.s32 $0x1000, s1  }
0x22d: {  	[hbm4b:s31+s3] =	stream.linear.scatter [tilespmem:s30], [sflag:$0x4], $0x80, $0x38;
	[tilespmem:$0x19E00] =	vst v63  }
.LBB2_17:
0x22e: {  	[hbm4b:s16+s3] =	stream.linear.scatter [tilespmem:s15], [sflag:$0x4], $0x80, $0x38;
	[tilespmem:$0x19E00] =	vst v63  }
0x22f: {  	s15 =	smov.u32 s0;
	s0 =	smov.u32 s14  }
0x230: {  	s17 =	sadd.s32 $0x1100, s14;
	s0 =	sshra.s32 s0, $0x2;
	s16 =	sadd.s32 $0x17C00, s15  }
0x231: {  	[hbm4b:s1+s3] =	stream.linear.scatter [tilespmem:s16], [sflag:$0x4], $0x80, $0x38;
	[tilespmem:$0x19E00] =	vst v63  }
0x232: {  	p0 =	sne.s32 s14, $0x7700;
	s14 =	sadd.s32 $0x17C88, s15;
	s16 =	sadd.s32 $0x10, s1  }
0x233: {  	[hbm4b:s16+s3] =	stream.linear.scatter [tilespmem:s14], [sflag:$0x4], $0x80, $0x38;
	[tilespmem:$0x19E00] =	vst v63  }
0x234: {  	s14 =	sadd.s32 $0x17D10, s15;
	s16 =	sadd.s32 $0x20, s1  }
0x235: {  	[hbm4b:s16+s3] =	stream.linear.scatter [tilespmem:s14], [sflag:$0x4], $0x80, $0x38;
	[tilespmem:$0x19E00] =	vst v63  }
0x236: {  	s14 =	sadd.s32 $0x17D98, s15;
	s16 =	sadd.s32 $0x30, s1  }
0x237: {  	[hbm4b:s16+s3] =	stream.linear.scatter [tilespmem:s14], [sflag:$0x4], $0x80, $0x38;
	[tilespmem:$0x19E00] =	vst v63  }
0x238: {  	s14 =	sadd.s32 $0x17E20, s15;
	s16 =	sadd.s32 $0x40, s1  }
0x239: {  	[hbm4b:s16+s3] =	stream.linear.scatter [tilespmem:s14], [sflag:$0x4], $0x80, $0x38;
	[tilespmem:$0x19E00] =	vst v63  }
.Ltmp7:
0x23a: {  	s14 =	sadd.s32 $0x17EA8, s15;
	s16 =	sadd.s32 $0x50, s1;
	(pc) =	sbr.rel @p0 .LBB2_17-.Ltmp7, $4  }
0x23b: {  	[hbm4b:s16+s3] =	stream.linear.scatter [tilespmem:s14], [sflag:$0x4], $0x80, $0x38;
	[tilespmem:$0x19E00] =	vst v63  }
0x23c: {  	s14 =	sadd.s32 $0x17F30, s15;
	s16 =	sadd.s32 $0x60, s1;
	s15 =	sadd.s32 $0x17FB8, s15  }
0x23d: {  	[hbm4b:s16+s3] =	stream.linear.scatter [tilespmem:s14], [sflag:$0x4], $0x80, $0x38;
	[tilespmem:$0x19E00] =	vst v63  }
0x23e: {  	s16 =	sadd.s32 $0x70, s1;
	s1 =	sadd.s32 $0x1000, s1;
	s14 =	smov.u32 s17  }
0x23f: {  	[hbm4b:s16+s3] =	stream.linear.scatter [tilespmem:s15], [sflag:$0x4], $0x80, $0x38;
	[tilespmem:$0x19E00] =	vst v63  }
0x240: {  	s14 =	sadd.s32 $0x17C00, s0  }
0x241: {  	[hbm4b:s1+s3] =	stream.linear.scatter [tilespmem:s14], [sflag:$0x4], $0x80, $0x38;
	[tilespmem:$0x19E00] =	vst v63  }
0x242: {  	s30 =	sadd.s32 $0x17C88, s0;
	s31 =	sadd.s32 $0x10, s1  }
0x243: {  	[hbm4b:s31+s3] =	stream.linear.scatter [tilespmem:s30], [sflag:$0x4], $0x80, $0x38;
	[tilespmem:$0x19E00] =	vst v63  }
0x244: {  	s15 =	sadd.s32 $0x17D10, s0;
	s16 =	sadd.s32 $0x20, s1  }
0x245: {  	[hbm4b:s16+s3] =	stream.linear.scatter [tilespmem:s15], [sflag:$0x4], $0x80, $0x38;
	[tilespmem:$0x19E00] =	vst v63  }
0x246: {  	s17 =	sadd.s32 $0x17D98, s0;
	s29 =	sadd.s32 $0x30, s1  }
0x247: {  	[hbm4b:s29+s3] =	stream.linear.scatter [tilespmem:s17], [sflag:$0x4], $0x80, $0x38;
	[tilespmem:$0x19E00] =	vst v63  }
0x248: {  	s28 =	sadd.s32 $0x1, s28;
	s30 =	sadd.s32 $0x17E20, s0;
	s31 =	sadd.s32 $0x40, s1  }
0x249: {  	[hbm4b:s31+s3] =	stream.linear.scatter [tilespmem:s30], [sflag:$0x4], $0x80, $0x38;
	[tilespmem:$0x19E00] =	vst v63  }
0x24a: {  	p0 =	sne.s32 s28, $0x32;
	s15 =	sadd.s32 $0x17EA8, s0;
	s16 =	sadd.s32 $0x50, s1  }
0x24b: {  	[hbm4b:s16+s3] =	stream.linear.scatter [tilespmem:s15], [sflag:$0x4], $0x80, $0x38;
	[tilespmem:$0x19E00] =	vst v63  }
.Ltmp8:
0x24c: {  	_ = 	snop;
	(pc) =	sbr.rel @p0 .LBB2_2-.Ltmp8, $4  }
0x24d: {  	s17 =	sadd.s32 $0x17F30, s0;
	s29 =	sadd.s32 $0x60, s1  }
0x24e: {  	[hbm4b:s29+s3] =	stream.linear.scatter [tilespmem:s17], [sflag:$0x4], $0x80, $0x38;
	[tilespmem:$0x19E00] =	vst v63  }
0x24f: {  	s30 =	sadd.s32 $0x17FB8, s0;
	s31 =	sadd.s32 $0x70, s1  }
0x250: {  	[hbm4b:s31+s3] =	stream.linear.scatter [tilespmem:s30], [sflag:$0x4], $0x80, $0x38;
	[tilespmem:$0x19E00] =	vst v63  }
0x251: {  	_ =	swait.ge [sflag:s24], $0x2000  }
0x252: {  	[sflag:s24] =	ssyncset.done $0x0  }
0x253: {  	[sflag:s24] =	ssyncadd.s32 $0xFFFFE000  }
0x254: {  	_ =	swait.ge [sflag:s24], $0x2000  }
0x255: {  	[sflag:s24] =	ssyncset.done $0x0  }
0x256: {  	s26 =	sadd.s32 $0x1, s26;
	[sflag:s24] =	ssyncadd.s32 $0xFFFFE000  }
0x257: {  	p0 =	sne.s32 s26, s9;
	_ =	swait.ge [sflag:s25], $0x2000  }
.Ltmp9:
0x258: {  	[sflag:s25] =	ssyncset.done $0x0;
	(pc) =	sbr.rel @p0 .LBB2_1-.Ltmp9, $4  }
0x259: {  	[sflag:s25] =	ssyncadd.s32 $0xFFFFE000  }
0x25a: {  	_ =	swait.ge [sflag:s25], $0x2000  }
0x25b: {  	[sflag:s25] =	ssyncset.done $0x0  }
0x25c: {  	[sflag:s25] =	ssyncadd.s32 $0xFFFFE000  }
0x25d: {  	_ =	sfence.sel $0x180000  }
0x25e: {  	[bflag:$0x0] =	sbarrier.arrive $0xFFFF  }
0x25f: {  	_ =	strace $0x90000047  }
0x260: {  	s0 =	stileid.u32;
	[bflag:$0x2] =	sbarrier.arrive $0xFFFF  }
0x261: {  	p0 =	sne.s32 s0, $0x0;
	s0 =	rddreg [dreg:$0x2]  }
0x262: {  	s0 =	sadd.s32 @!p0 $0x100000, s0  }
0x263: {  	[sflag:s0] =	ssyncadd.tile.s32 @!p0 $0x1;
	_ =	shalt  }
.Lfunc_end2:
_tile_overlayer_lowered:
.L_overlay_start_2:
0x264: {  	(tag) =	ssettag $0x2  }
0x265: {  	s0 =	rddreg [dreg:$0x0];
	s2 =	stileid.u32  }
0x266: {  	s1 =	rddreg [dreg:$0x1];
	p0 =	sne.s32 s2, $0x0  }
0x267: {  	s3 =	rddreg [dreg:$0x2];
	[bflag:$0x3] =	sbarrier.arrive $0xFFFF;
	s2 =	simm.s32 @!p0 $0x1C06  }
0x268: {  	[timem:s3], [sflag:s2] =	dma.local @!p0 [hbm:s0], s1  }
0x269: {  	s0 =	simm.s32 @!p0 $0x6  }
0x26a: {  	_ =	swait.ge @!p0 [sflag:s0], s1  }
0x26b: {  	s1 =	ssub.s32 @!p0 $0x0, s1;
	[sflag:s0] =	ssyncset.done @!p0 $0x0  }
0x26c: {  	[sflag:s0] =	ssyncadd.s32 @!p0 s1  }
0x26d: {  	[bflag:$0x3] =	sbarrier.arrive $0xFFFF  }
0x26e: {  	_ =	shalt  }

</sc_bundles>
